<compile_context>
chip_gen: v7x
topology: tpu7x:2x2x1
jax: 0.10.2.dev20260603
libtpu: 0.0.44.dev20260713+nightly
codegen_flags: <defaults>
</compile_context>

<pallas_src>
import functools

import jax
import jax.numpy as jnp
from jax import lax
from jax.experimental import pallas as pl
from jax.experimental.pallas import tpu as pltpu
from jax.experimental.pallas import tpu_sc as plsc

_NC = 2
_NS = 16
_NW = _NC * _NS

_B = 16384
_D = 32
_NROWS = 1000000
_BPW = _B // _NW
_G = 16
_GH = 8
_NGH = _BPW // _GH


def _gather_body(uid_hbm, iid_hbm, ut_hbm, it_hbm, out_u, out_i,
                 uid_v, iid_v, slabs, obuf, sem_a, sem_b):
    wid = lax.axis_index("s") * _NC + lax.axis_index("c")
    base = wid * _BPW
    pltpu.sync_copy(uid_hbm.at[pl.ds(base, _BPW)], uid_v.at[pl.ds(0, _BPW)])
    pltpu.sync_copy(iid_hbm.at[pl.ds(base, _BPW)], iid_v.at[pl.ds(0, _BPW)])

    lane = lax.iota(jnp.int32, 16)
    mask8 = lane < _GH
    slot8 = (lane & 7) * 128

    def one_table(tab_hbm, ids_v, out_hbm):
        def fire(g, half, sem):
            k0 = g * _GH
            gcol = ids_v[pl.ds(k0, 16)] & ~127
            for j in range(_GH):
                col0 = pl.multiple_of(gcol[j], 128)
                pltpu.async_copy(
                    tab_hbm.at[:, pl.ds(col0, 128)],
                    slabs.at[:, pl.ds((half + j) * 128, 128)], sem)

        def drain(half, sem):
            pltpu.make_async_copy(
                tab_hbm.at[:, pl.ds(0, _GH * 128)],
                slabs.at[:, pl.ds(half * 128, _GH * 128)], sem).wait()

        def extract(g, half):
            k0 = g * _GH
            gvec = ids_v[pl.ds(k0, 16)]
            colidx = half * 128 + slot8 + (gvec & 127)
            colv = k0 + lane
            for f in range(_D):
                rowv = jnp.full((16,), f, jnp.int32)
                vals = plsc.load_gather(slabs, [rowv, colidx])
                plsc.store_scatter(obuf, [rowv, colv], vals, mask=mask8)

        fire(0, 0, sem_a)
        fire(1, _GH, sem_b)

        def body(i, c):
            g = 2 * i
            drain(0, sem_a)
            extract(g, 0)

            @pl.when(g + 2 < _NGH)
            def _():
                fire(g + 2, 0, sem_a)

            drain(_GH, sem_b)
            extract(g + 1, _GH)

            @pl.when(g + 3 < _NGH)
            def _():
                fire(g + 3, _GH, sem_b)
            return c

        lax.fori_loop(0, _NGH // 2, body, 0)
        pltpu.sync_copy(obuf, out_hbm.at[:, pl.ds(base, _BPW)])

    one_table(ut_hbm, uid_v, out_u)
    one_table(it_hbm, iid_v, out_i)


@functools.cache
def _make_gather():
    return pl.kernel(
        _gather_body,
        out_type=(
            jax.ShapeDtypeStruct((_D, _B), jnp.float32),
            jax.ShapeDtypeStruct((_D, _B), jnp.float32),
        ),
        mesh=plsc.VectorSubcoreMesh(core_axis_name="c", subcore_axis_name="s"),
        scratch_types=[
            pltpu.VMEM((_BPW + 16,), jnp.int32),
            pltpu.VMEM((_BPW + 16,), jnp.int32),
            pltpu.VMEM((_D, _G * 128), jnp.float32),
            pltpu.VMEM((_D, _BPW), jnp.float32),
            pltpu.SemaphoreType.DMA,
            pltpu.SemaphoreType.DMA,
        ],
        compiler_params=pltpu.CompilerParams(
            use_tc_tiling_on_sc=True, needs_layout_passes=False),
    )


def _mlp_body(ut_ref, vt_ref, w1u_ref, w1i_ref, b1_ref, w2_ref, b2_ref,
              w3_ref, b3_ref, out_ref):
    h = w1u_ref[:] @ ut_ref[:] + w1i_ref[:] @ vt_ref[:] + b1_ref[:]
    h = jnp.maximum(h, 0.0)
    h2 = jnp.maximum(w2_ref[:] @ h + b2_ref[:], 0.0)
    o = w3_ref[:] @ h2
    out_ref[:] = o[0] + b3_ref[0]


def _mlp(ut, vt, w1u, w1i, b1, w2, b2, w3, b3, block_b=2048):
    nb = _B // block_b
    return pl.pallas_call(
        _mlp_body,
        grid=(nb,),
        in_specs=[
            pl.BlockSpec((_D, block_b), lambda i: (0, i)),
            pl.BlockSpec((_D, block_b), lambda i: (0, i)),
            pl.BlockSpec(w1u.shape, lambda i: (0, 0)),
            pl.BlockSpec(w1i.shape, lambda i: (0, 0)),
            pl.BlockSpec(b1.shape, lambda i: (0, 0)),
            pl.BlockSpec(w2.shape, lambda i: (0, 0)),
            pl.BlockSpec(b2.shape, lambda i: (0, 0)),
            pl.BlockSpec(w3.shape, lambda i: (0, 0)),
            pl.BlockSpec(b3.shape, lambda i: (0,)),
        ],
        out_specs=pl.BlockSpec((block_b,), lambda i: (i,)),
        out_shape=jax.ShapeDtypeStruct((_B,), jnp.float32),
    )(ut, vt, w1u, w1i, b1, w2, b2, w3, b3)


def kernel(user_ids, item_ids, user_table, item_table, W1, b1, W2, b2, W3, b3):
    ut_t = user_table.T
    it_t = item_table.T
    u_t, v_t = _make_gather()(user_ids, item_ids, ut_t, it_t)
    w1u = W1[:, :_D]
    w1i = W1[:, _D:]
    return _mlp(u_t, v_t, w1u, w1i, b1[:, None], W2, b2[:, None], W3, b3)

# --- scband reference (transcript-rebuilt; emitter-appended) ---
"""Pipeline reference for scband-neural-cfmodel-75136157877039 (READ-ONLY COPY).

The authoritative reference and input builder live on the scoring server;
editing this copy changes nothing except your own understanding.
"""

import jax, jax.numpy as jnp
import numpy as np

NUM_USERS = 1000000
NUM_ITEMS = 1000000
EMBED_DIM = 32
HIDDEN = 64
HIDDEN2 = max(HIDDEN // 2, 8)
BATCH = 16384


def _xavier(key, out_f, in_f):
    bound = float(np.sqrt(6.0 / (in_f + out_f)))
    return jax.random.uniform(key, (out_f, in_f), dtype=jnp.float32, minval=-bound, maxval=bound)


def setup_inputs(seed: int = 0) -> dict:
    key = jax.random.key(seed)
    ks = jax.random.split(key, 8)
    user_ids = jax.random.randint(ks[0], (BATCH,), 0, NUM_USERS, dtype=jnp.int64 if jax.config.jax_enable_x64 else jnp.int32).astype(jnp.int32)
    item_ids = jax.random.randint(ks[1], (BATCH,), 0, NUM_ITEMS, dtype=jnp.int32)
    user_table = 0.05 * jax.random.normal(ks[2], (NUM_USERS, EMBED_DIM), dtype=jnp.float32)
    item_table = 0.05 * jax.random.normal(ks[3], (NUM_ITEMS, EMBED_DIM), dtype=jnp.float32)
    W1 = _xavier(ks[4], HIDDEN, EMBED_DIM * 2)
    b1 = jnp.zeros((HIDDEN,), dtype=jnp.float32)
    W2 = _xavier(ks[5], HIDDEN2, HIDDEN)
    b2 = jnp.zeros((HIDDEN2,), dtype=jnp.float32)
    W3 = _xavier(ks[6], 1, HIDDEN2)
    b3 = jnp.zeros((1,), dtype=jnp.float32)
    return {
        "user_ids": user_ids,
        "item_ids": item_ids,
        "user_table": user_table,
        "item_table": item_table,
        "W1": W1, "b1": b1,
        "W2": W2, "b2": b2,
        "W3": W3, "b3": b3,
    }


def reference(user_ids, item_ids, user_table, item_table, W1, b1, W2, b2, W3, b3):
    user_vec = jnp.take(user_table, user_ids, axis=0)
    item_vec = jnp.take(item_table, item_ids, axis=0)
    x = jnp.concatenate([user_vec, item_vec], axis=-1)
    h = jax.nn.relu(x @ W1.T + b1)
    h = jax.nn.relu(h @ W2.T + b2)
    out = h @ W3.T + b3
    return jnp.squeeze(out, axis=-1)

if __name__ == "__main__":
    import jax
    _d = setup_inputs()
    print(jax.jit(kernel)(*tuple(_d.values())))

</pallas_src>

<mosaic_0001>
#map = affine_map<(d0, d1) -> (0)>
#map1 = affine_map<(d0, d1) -> (0, 0)>
module attributes {stable_mosaic.version = 14 : i64} {
  func.func @_gather_body(%arg0: i32, %arg1: i32, %arg2: memref<16384xi32, #tpu.memory_space<hbm>>, %arg3: memref<16384xi32, #tpu.memory_space<hbm>>, %arg4: memref<32x1000000xf32, #tpu.memory_space<hbm>>, %arg5: memref<32x1000000xf32, #tpu.memory_space<hbm>>, %arg6: memref<32x16384xf32, #tpu.memory_space<hbm>>, %arg7: memref<32x16384xf32, #tpu.memory_space<hbm>>, %arg8: memref<528xi32, #tpu.memory_space<vmem>>, %arg9: memref<528xi32, #tpu.memory_space<vmem>>, %arg10: memref<32x2048xf32, #tpu.memory_space<vmem>>, %arg11: memref<32x512xf32, #tpu.memory_space<vmem>>, %arg12: memref<!tpu.dma_semaphore, #tpu.memory_space<semaphore_mem>>, %arg13: memref<!tpu.dma_semaphore, #tpu.memory_space<semaphore_mem>>) attributes {dimension_semantics = [#tpu.dimension_semantics<core_parallel>, #tpu.dimension_semantics<subcore_parallel>], iteration_bounds = array<i64: 2, 16>, scalar_prefetch = 0 : i64, scratch_operands = 6 : i64, tpu.core_type = #tpu.core_type<sc_vector_subcore>, window_params = [{transform_indices = #map}, {transform_indices = #map}, {transform_indices = #map1}, {transform_indices = #map1}, {transform_indices = #map1}, {transform_indices = #map1}]} {
    %mul3A = arith.constant 2 : i32
    %mul3A_0 = arith.muli %arg1, %mul3A : i32
    %add3A = arith.addi %mul3A_0, %arg0 : i32
    %mul3A_1 = arith.constant 512 : i32
    %mul3A_2 = arith.muli %add3A, %mul3A_1 : i32
    "tpu.region"() ({
      %run_scoped3A = tpu.sem_alloc : memref<!tpu.dma_semaphore, #tpu.memory_space<semaphore_mem>>
      %dma_start3A_452 = arith.constant 0 : i32
      %dma_start3A_453 = tpu.memref_slice %arg8[%dma_start3A_452] : memref<528xi32, #tpu.memory_space<vmem>> -> memref<512xi32, #tpu.memory_space<vmem>>
      %dma_start3A_454 = tpu.memref_slice %arg2[%mul3A_2] : memref<16384xi32, #tpu.memory_space<hbm>> -> memref<512xi32, #tpu.memory_space<hbm>>
      %dma_start3A_455 = arith.constant 0 : i32
      %dma_start3A_456 = tpu.memref_slice %arg8[%dma_start3A_455] : memref<528xi32, #tpu.memory_space<vmem>> -> memref<512xi32, #tpu.memory_space<vmem>>
      %dma_start3A_457 = tpu.memref_slice %arg2[%mul3A_2] : memref<16384xi32, #tpu.memory_space<hbm>> -> memref<512xi32, #tpu.memory_space<hbm>>
      tpu.enqueue_dma source(%dma_start3A_457 : memref<512xi32, #tpu.memory_space<hbm>>) target(%dma_start3A_456 : memref<512xi32, #tpu.memory_space<vmem>>) target_semaphore(%run_scoped3A : memref<!tpu.dma_semaphore, #tpu.memory_space<semaphore_mem>>)
      %dma_wait3A = arith.constant 0 : i32
      %dma_wait3A_458 = tpu.memref_slice %arg8[%dma_wait3A] : memref<528xi32, #tpu.memory_space<vmem>> -> memref<512xi32, #tpu.memory_space<vmem>>
      %dma_wait3A_459 = tpu.memref_slice %arg2[%mul3A_2] : memref<16384xi32, #tpu.memory_space<hbm>> -> memref<512xi32, #tpu.memory_space<hbm>>
      %dma_wait3A_460 = arith.constant 0 : i32
      %dma_wait3A_461 = tpu.memref_slice %arg8[%dma_wait3A_460] : memref<528xi32, #tpu.memory_space<vmem>> -> memref<512xi32, #tpu.memory_space<vmem>>
      %dma_wait3A_462 = tpu.memref_slice %arg2[%mul3A_2] : memref<16384xi32, #tpu.memory_space<hbm>> -> memref<512xi32, #tpu.memory_space<hbm>>
      tpu.wait_dma2 semaphore(%run_scoped3A : memref<!tpu.dma_semaphore, #tpu.memory_space<semaphore_mem>>) src(%dma_wait3A_462 : memref<512xi32, #tpu.memory_space<hbm>>) dst(%dma_wait3A_461 : memref<512xi32, #tpu.memory_space<vmem>>)
      tpu.yield
    }) : () -> ()
    "tpu.region"() ({
      %run_scoped3A = tpu.sem_alloc : memref<!tpu.dma_semaphore, #tpu.memory_space<semaphore_mem>>
      %dma_start3A_452 = arith.constant 0 : i32
      %dma_start3A_453 = tpu.memref_slice %arg9[%dma_start3A_452] : memref<528xi32, #tpu.memory_space<vmem>> -> memref<512xi32, #tpu.memory_space<vmem>>
      %dma_start3A_454 = tpu.memref_slice %arg3[%mul3A_2] : memref<16384xi32, #tpu.memory_space<hbm>> -> memref<512xi32, #tpu.memory_space<hbm>>
      %dma_start3A_455 = arith.constant 0 : i32
      %dma_start3A_456 = tpu.memref_slice %arg9[%dma_start3A_455] : memref<528xi32, #tpu.memory_space<vmem>> -> memref<512xi32, #tpu.memory_space<vmem>>
      %dma_start3A_457 = tpu.memref_slice %arg3[%mul3A_2] : memref<16384xi32, #tpu.memory_space<hbm>> -> memref<512xi32, #tpu.memory_space<hbm>>
      tpu.enqueue_dma source(%dma_start3A_457 : memref<512xi32, #tpu.memory_space<hbm>>) target(%dma_start3A_456 : memref<512xi32, #tpu.memory_space<vmem>>) target_semaphore(%run_scoped3A : memref<!tpu.dma_semaphore, #tpu.memory_space<semaphore_mem>>)
      %dma_wait3A = arith.constant 0 : i32
      %dma_wait3A_458 = tpu.memref_slice %arg9[%dma_wait3A] : memref<528xi32, #tpu.memory_space<vmem>> -> memref<512xi32, #tpu.memory_space<vmem>>
      %dma_wait3A_459 = tpu.memref_slice %arg3[%mul3A_2] : memref<16384xi32, #tpu.memory_space<hbm>> -> memref<512xi32, #tpu.memory_space<hbm>>
      %dma_wait3A_460 = arith.constant 0 : i32
      %dma_wait3A_461 = tpu.memref_slice %arg9[%dma_wait3A_460] : memref<528xi32, #tpu.memory_space<vmem>> -> memref<512xi32, #tpu.memory_space<vmem>>
      %dma_wait3A_462 = tpu.memref_slice %arg3[%mul3A_2] : memref<16384xi32, #tpu.memory_space<hbm>> -> memref<512xi32, #tpu.memory_space<hbm>>
      tpu.wait_dma2 semaphore(%run_scoped3A : memref<!tpu.dma_semaphore, #tpu.memory_space<semaphore_mem>>) src(%dma_wait3A_462 : memref<512xi32, #tpu.memory_space<hbm>>) dst(%dma_wait3A_461 : memref<512xi32, #tpu.memory_space<vmem>>)
      tpu.yield
    }) : () -> ()
    %iota3A = tpu.iota {dimensions = array<i32: 0>} : vector<16xi32>
    %lt3A = arith.constant 8 : i32
    %lt3A_3 = vector.broadcast %lt3A : i32 to vector<16xi32>
    %lt3A_4 = arith.cmpi slt, %iota3A, %lt3A_3 : vector<16xi32>
    %and3A = arith.constant 7 : i32
    %and3A_5 = vector.broadcast %and3A : i32 to vector<16xi32>
    %and3A_6 = arith.andi %iota3A, %and3A_5 : vector<16xi32>
    %mul3A_7 = arith.constant 128 : i32
    %mul3A_8 = vector.broadcast %mul3A_7 : i32 to vector<16xi32>
    %mul3A_9 = arith.muli %and3A_6, %mul3A_8 : vector<16xi32>
    %get3A = arith.constant 0 : index
    %get3A_10 = tpu.vector_load %arg8[%get3A] {strides = array<i32>} : memref<528xi32, #tpu.memory_space<vmem>>, vector<16xi32>,
    %and3A_11 = arith.constant -128 : i32
    %and3A_12 = vector.broadcast %and3A_11 : i32 to vector<16xi32>
    %and3A_13 = arith.andi %get3A_10, %and3A_12 : vector<16xi32>
    %slice3A = vector.extract_strided_slice %and3A_13 {offsets = [0], sizes = [1], strides = [1]} : vector<16xi32> to vector<1xi32>
    %squeeze3A = vector.extract %slice3A[0] : i32 from vector<1xi32>
    %multiple_of3A = tpu.assume_multiple %squeeze3A, 128 : i32
    %dma_start3A = arith.constant 0 : i32
    %dma_start3A_14 = arith.constant 0 : i32
    %dma_start3A_15 = tpu.memref_slice %arg10[%dma_start3A, %dma_start3A_14] : memref<32x2048xf32, #tpu.memory_space<vmem>> -> memref<32x128xf32, #tpu.memory_space<vmem>>
    %dma_start3A_16 = arith.constant 0 : i32
    %dma_start3A_17 = tpu.memref_slice %arg4[%dma_start3A_16, %multiple_of3A] : memref<32x1000000xf32, #tpu.memory_space<hbm>> -> memref<32x128xf32, #tpu.memory_space<hbm>>
    %dma_start3A_18 = arith.constant 0 : i32
    %dma_start3A_19 = arith.constant 0 : i32
    %dma_start3A_20 = tpu.memref_slice %arg10[%dma_start3A_18, %dma_start3A_19] : memref<32x2048xf32, #tpu.memory_space<vmem>> -> memref<32x128xf32, #tpu.memory_space<vmem>>
    %dma_start3A_21 = arith.constant 0 : i32
    %dma_start3A_22 = tpu.memref_slice %arg4[%dma_start3A_21, %multiple_of3A] : memref<32x1000000xf32, #tpu.memory_space<hbm>> -> memref<32x128xf32, #tpu.memory_space<hbm>>
    tpu.enqueue_dma source(%dma_start3A_22 : memref<32x128xf32, #tpu.memory_space<hbm>>) target(%dma_start3A_20 : memref<32x128xf32, #tpu.memory_space<vmem>>) target_semaphore(%arg12 : memref<!tpu.dma_semaphore, #tpu.memory_space<semaphore_mem>>)
    %slice3A_23 = vector.extract_strided_slice %and3A_13 {offsets = [1], sizes = [1], strides = [1]} : vector<16xi32> to vector<1xi32>
    %squeeze3A_24 = vector.extract %slice3A_23[0] : i32 from vector<1xi32>
    %multiple_of3A_25 = tpu.assume_multiple %squeeze3A_24, 128 : i32
    %dma_start3A_26 = arith.constant 0 : i32
    %dma_start3A_27 = arith.constant 128 : i32
    %dma_start3A_28 = tpu.memref_slice %arg10[%dma_start3A_26, %dma_start3A_27] : memref<32x2048xf32, #tpu.memory_space<vmem>> -> memref<32x128xf32, #tpu.memory_space<vmem>>
    %dma_start3A_29 = arith.constant 0 : i32
    %dma_start3A_30 = tpu.memref_slice %arg4[%dma_start3A_29, %multiple_of3A_25] : memref<32x1000000xf32, #tpu.memory_space<hbm>> -> memref<32x128xf32, #tpu.memory_space<hbm>>
    %dma_start3A_31 = arith.constant 0 : i32
    %dma_start3A_32 = arith.constant 128 : i32
    %dma_start3A_33 = tpu.memref_slice %arg10[%dma_start3A_31, %dma_start3A_32] : memref<32x2048xf32, #tpu.memory_space<vmem>> -> memref<32x128xf32, #tpu.memory_space<vmem>>
    %dma_start3A_34 = arith.constant 0 : i32
    %dma_start3A_35 = tpu.memref_slice %arg4[%dma_start3A_34, %multiple_of3A_25] : memref<32x1000000xf32, #tpu.memory_space<hbm>> -> memref<32x128xf32, #tpu.memory_space<hbm>>
    tpu.enqueue_dma source(%dma_start3A_35 : memref<32x128xf32, #tpu.memory_space<hbm>>) target(%dma_start3A_33 : memref<32x128xf32, #tpu.memory_space<vmem>>) target_semaphore(%arg12 : memref<!tpu.dma_semaphore, #tpu.memory_space<semaphore_mem>>)
    %slice3A_36 = vector.extract_strided_slice %and3A_13 {offsets = [2], sizes = [1], strides = [1]} : vector<16xi32> to vector<1xi32>
    %squeeze3A_37 = vector.extract %slice3A_36[0] : i32 from vector<1xi32>
    %multiple_of3A_38 = tpu.assume_multiple %squeeze3A_37, 128 : i32
    %dma_start3A_39 = arith.constant 0 : i32
    %dma_start3A_40 = arith.constant 256 : i32
    %dma_start3A_41 = tpu.memref_slice %arg10[%dma_start3A_39, %dma_start3A_40] : memref<32x2048xf32, #tpu.memory_space<vmem>> -> memref<32x128xf32, #tpu.memory_space<vmem>>
    %dma_start3A_42 = arith.constant 0 : i32
    %dma_start3A_43 = tpu.memref_slice %arg4[%dma_start3A_42, %multiple_of3A_38] : memref<32x1000000xf32, #tpu.memory_space<hbm>> -> memref<32x128xf32, #tpu.memory_space<hbm>>
    %dma_start3A_44 = arith.constant 0 : i32
    %dma_start3A_45 = arith.constant 256 : i32
    %dma_start3A_46 = tpu.memref_slice %arg10[%dma_start3A_44, %dma_start3A_45] : memref<32x2048xf32, #tpu.memory_space<vmem>> -> memref<32x128xf32, #tpu.memory_space<vmem>>
    %dma_start3A_47 = arith.constant 0 : i32
    %dma_start3A_48 = tpu.memref_slice %arg4[%dma_start3A_47, %multiple_of3A_38] : memref<32x1000000xf32, #tpu.memory_space<hbm>> -> memref<32x128xf32, #tpu.memory_space<hbm>>
    tpu.enqueue_dma source(%dma_start3A_48 : memref<32x128xf32, #tpu.memory_space<hbm>>) target(%dma_start3A_46 : memref<32x128xf32, #tpu.memory_space<vmem>>) target_semaphore(%arg12 : memref<!tpu.dma_semaphore, #tpu.memory_space<semaphore_mem>>)
    %slice3A_49 = vector.extract_strided_slice %and3A_13 {offsets = [3], sizes = [1], strides = [1]} : vector<16xi32> to vector<1xi32>
    %squeeze3A_50 = vector.extract %slice3A_49[0] : i32 from vector<1xi32>
    %multiple_of3A_51 = tpu.assume_multiple %squeeze3A_50, 128 : i32
    %dma_start3A_52 = arith.constant 0 : i32
    %dma_start3A_53 = arith.constant 384 : i32
    %dma_start3A_54 = tpu.memref_slice %arg10[%dma_start3A_52, %dma_start3A_53] : memref<32x2048xf32, #tpu.memory_space<vmem>> -> memref<32x128xf32, #tpu.memory_space<vmem>>
    %dma_start3A_55 = arith.constant 0 : i32
    %dma_start3A_56 = tpu.memref_slice %arg4[%dma_start3A_55, %multiple_of3A_51] : memref<32x1000000xf32, #tpu.memory_space<hbm>> -> memref<32x128xf32, #tpu.memory_space<hbm>>
    %dma_start3A_57 = arith.constant 0 : i32
    %dma_start3A_58 = arith.constant 384 : i32
    %dma_start3A_59 = tpu.memref_slice %arg10[%dma_start3A_57, %dma_start3A_58] : memref<32x2048xf32, #tpu.memory_space<vmem>> -> memref<32x128xf32, #tpu.memory_space<vmem>>
    %dma_start3A_60 = arith.constant 0 : i32
    %dma_start3A_61 = tpu.memref_slice %arg4[%dma_start3A_60, %multiple_of3A_51] : memref<32x1000000xf32, #tpu.memory_space<hbm>> -> memref<32x128xf32, #tpu.memory_space<hbm>>
    tpu.enqueue_dma source(%dma_start3A_61 : memref<32x128xf32, #tpu.memory_space<hbm>>) target(%dma_start3A_59 : memref<32x128xf32, #tpu.memory_space<vmem>>) target_semaphore(%arg12 : memref<!tpu.dma_semaphore, #tpu.memory_space<semaphore_mem>>)
    %slice3A_62 = vector.extract_strided_slice %and3A_13 {offsets = [4], sizes = [1], strides = [1]} : vector<16xi32> to vector<1xi32>
    %squeeze3A_63 = vector.extract %slice3A_62[0] : i32 from vector<1xi32>
    %multiple_of3A_64 = tpu.assume_multiple %squeeze3A_63, 128 : i32
    %dma_start3A_65 = arith.constant 0 : i32
    %dma_start3A_66 = arith.constant 512 : i32
    %dma_start3A_67 = tpu.memref_slice %arg10[%dma_start3A_65, %dma_start3A_66] : memref<32x2048xf32, #tpu.memory_space<vmem>> -> memref<32x128xf32, #tpu.memory_space<vmem>>
    %dma_start3A_68 = arith.constant 0 : i32
    %dma_start3A_69 = tpu.memref_slice %arg4[%dma_start3A_68, %multiple_of3A_64] : memref<32x1000000xf32, #tpu.memory_space<hbm>> -> memref<32x128xf32, #tpu.memory_space<hbm>>
    %dma_start3A_70 = arith.constant 0 : i32
    %dma_start3A_71 = arith.constant 512 : i32
    %dma_start3A_72 = tpu.memref_slice %arg10[%dma_start3A_70, %dma_start3A_71] : memref<32x2048xf32, #tpu.memory_space<vmem>> -> memref<32x128xf32, #tpu.memory_space<vmem>>
    %dma_start3A_73 = arith.constant 0 : i32
    %dma_start3A_74 = tpu.memref_slice %arg4[%dma_start3A_73, %multiple_of3A_64] : memref<32x1000000xf32, #tpu.memory_space<hbm>> -> memref<32x128xf32, #tpu.memory_space<hbm>>
    tpu.enqueue_dma source(%dma_start3A_74 : memref<32x128xf32, #tpu.memory_space<hbm>>) target(%dma_start3A_72 : memref<32x128xf32, #tpu.memory_space<vmem>>) target_semaphore(%arg12 : memref<!tpu.dma_semaphore, #tpu.memory_space<semaphore_mem>>)
    %slice3A_75 = vector.extract_strided_slice %and3A_13 {offsets = [5], sizes = [1], strides = [1]} : vector<16xi32> to vector<1xi32>
    %squeeze3A_76 = vector.extract %slice3A_75[0] : i32 from vector<1xi32>
    %multiple_of3A_77 = tpu.assume_multiple %squeeze3A_76, 128 : i32
    %dma_start3A_78 = arith.constant 0 : i32
    %dma_start3A_79 = arith.constant 640 : i32
    %dma_start3A_80 = tpu.memref_slice %arg10[%dma_start3A_78, %dma_start3A_79] : memref<32x2048xf32, #tpu.memory_space<vmem>> -> memref<32x128xf32, #tpu.memory_space<vmem>>
    %dma_start3A_81 = arith.constant 0 : i32
    %dma_start3A_82 = tpu.memref_slice %arg4[%dma_start3A_81, %multiple_of3A_77] : memref<32x1000000xf32, #tpu.memory_space<hbm>> -> memref<32x128xf32, #tpu.memory_space<hbm>>
    %dma_start3A_83 = arith.constant 0 : i32
    %dma_start3A_84 = arith.constant 640 : i32
    %dma_start3A_85 = tpu.memref_slice %arg10[%dma_start3A_83, %dma_start3A_84] : memref<32x2048xf32, #tpu.memory_space<vmem>> -> memref<32x128xf32, #tpu.memory_space<vmem>>
    %dma_start3A_86 = arith.constant 0 : i32
    %dma_start3A_87 = tpu.memref_slice %arg4[%dma_start3A_86, %multiple_of3A_77] : memref<32x1000000xf32, #tpu.memory_space<hbm>> -> memref<32x128xf32, #tpu.memory_space<hbm>>
    tpu.enqueue_dma source(%dma_start3A_87 : memref<32x128xf32, #tpu.memory_space<hbm>>) target(%dma_start3A_85 : memref<32x128xf32, #tpu.memory_space<vmem>>) target_semaphore(%arg12 : memref<!tpu.dma_semaphore, #tpu.memory_space<semaphore_mem>>)
    %slice3A_88 = vector.extract_strided_slice %and3A_13 {offsets = [6], sizes = [1], strides = [1]} : vector<16xi32> to vector<1xi32>
    %squeeze3A_89 = vector.extract %slice3A_88[0] : i32 from vector<1xi32>
    %multiple_of3A_90 = tpu.assume_multiple %squeeze3A_89, 128 : i32
    %dma_start3A_91 = arith.constant 0 : i32
    %dma_start3A_92 = arith.constant 768 : i32
    %dma_start3A_93 = tpu.memref_slice %arg10[%dma_start3A_91, %dma_start3A_92] : memref<32x2048xf32, #tpu.memory_space<vmem>> -> memref<32x128xf32, #tpu.memory_space<vmem>>
    %dma_start3A_94 = arith.constant 0 : i32
    %dma_start3A_95 = tpu.memref_slice %arg4[%dma_start3A_94, %multiple_of3A_90] : memref<32x1000000xf32, #tpu.memory_space<hbm>> -> memref<32x128xf32, #tpu.memory_space<hbm>>
    %dma_start3A_96 = arith.constant 0 : i32
    %dma_start3A_97 = arith.constant 768 : i32
    %dma_start3A_98 = tpu.memref_slice %arg10[%dma_start3A_96, %dma_start3A_97] : memref<32x2048xf32, #tpu.memory_space<vmem>> -> memref<32x128xf32, #tpu.memory_space<vmem>>
    %dma_start3A_99 = arith.constant 0 : i32
    %dma_start3A_100 = tpu.memref_slice %arg4[%dma_start3A_99, %multiple_of3A_90] : memref<32x1000000xf32, #tpu.memory_space<hbm>> -> memref<32x128xf32, #tpu.memory_space<hbm>>
    tpu.enqueue_dma source(%dma_start3A_100 : memref<32x128xf32, #tpu.memory_space<hbm>>) target(%dma_start3A_98 : memref<32x128xf32, #tpu.memory_space<vmem>>) target_semaphore(%arg12 : memref<!tpu.dma_semaphore, #tpu.memory_space<semaphore_mem>>)
    %slice3A_101 = vector.extract_strided_slice %and3A_13 {offsets = [7], sizes = [1], strides = [1]} : vector<16xi32> to vector<1xi32>
    %squeeze3A_102 = vector.extract %slice3A_101[0] : i32 from vector<1xi32>
    %multiple_of3A_103 = tpu.assume_multiple %squeeze3A_102, 128 : i32
    %dma_start3A_104 = arith.constant 0 : i32
    %dma_start3A_105 = arith.constant 896 : i32
    %dma_start3A_106 = tpu.memref_slice %arg10[%dma_start3A_104, %dma_start3A_105] : memref<32x2048xf32, #tpu.memory_space<vmem>> -> memref<32x128xf32, #tpu.memory_space<vmem>>
    %dma_start3A_107 = arith.constant 0 : i32
    %dma_start3A_108 = tpu.memref_slice %arg4[%dma_start3A_107, %multiple_of3A_103] : memref<32x1000000xf32, #tpu.memory_space<hbm>> -> memref<32x128xf32, #tpu.memory_space<hbm>>
    %dma_start3A_109 = arith.constant 0 : i32
    %dma_start3A_110 = arith.constant 896 : i32
    %dma_start3A_111 = tpu.memref_slice %arg10[%dma_start3A_109, %dma_start3A_110] : memref<32x2048xf32, #tpu.memory_space<vmem>> -> memref<32x128xf32, #tpu.memory_space<vmem>>
    %dma_start3A_112 = arith.constant 0 : i32
    %dma_start3A_113 = tpu.memref_slice %arg4[%dma_start3A_112, %multiple_of3A_103] : memref<32x1000000xf32, #tpu.memory_space<hbm>> -> memref<32x128xf32, #tpu.memory_space<hbm>>
    tpu.enqueue_dma source(%dma_start3A_113 : memref<32x128xf32, #tpu.memory_space<hbm>>) target(%dma_start3A_111 : memref<32x128xf32, #tpu.memory_space<vmem>>) target_semaphore(%arg12 : memref<!tpu.dma_semaphore, #tpu.memory_space<semaphore_mem>>)
    %get3A_114 = arith.constant 8 : index
    %get3A_115 = tpu.vector_load %arg8[%get3A_114] {strides = array<i32>} : memref<528xi32, #tpu.memory_space<vmem>>, vector<16xi32>,
    %and3A_116 = arith.constant -128 : i32
    %and3A_117 = vector.broadcast %and3A_116 : i32 to vector<16xi32>
    %and3A_118 = arith.andi %get3A_115, %and3A_117 : vector<16xi32>
    %slice3A_119 = vector.extract_strided_slice %and3A_118 {offsets = [0], sizes = [1], strides = [1]} : vector<16xi32> to vector<1xi32>
    %squeeze3A_120 = vector.extract %slice3A_119[0] : i32 from vector<1xi32>
    %multiple_of3A_121 = tpu.assume_multiple %squeeze3A_120, 128 : i32
    %dma_start3A_122 = arith.constant 0 : i32
    %dma_start3A_123 = arith.constant 1024 : i32
    %dma_start3A_124 = tpu.memref_slice %arg10[%dma_start3A_122, %dma_start3A_123] : memref<32x2048xf32, #tpu.memory_space<vmem>> -> memref<32x128xf32, #tpu.memory_space<vmem>>
    %dma_start3A_125 = arith.constant 0 : i32
    %dma_start3A_126 = tpu.memref_slice %arg4[%dma_start3A_125, %multiple_of3A_121] : memref<32x1000000xf32, #tpu.memory_space<hbm>> -> memref<32x128xf32, #tpu.memory_space<hbm>>
    %dma_start3A_127 = arith.constant 0 : i32
    %dma_start3A_128 = arith.constant 1024 : i32
    %dma_start3A_129 = tpu.memref_slice %arg10[%dma_start3A_127, %dma_start3A_128] : memref<32x2048xf32, #tpu.memory_space<vmem>> -> memref<32x128xf32, #tpu.memory_space<vmem>>
    %dma_start3A_130 = arith.constant 0 : i32
    %dma_start3A_131 = tpu.memref_slice %arg4[%dma_start3A_130, %multiple_of3A_121] : memref<32x1000000xf32, #tpu.memory_space<hbm>> -> memref<32x128xf32, #tpu.memory_space<hbm>>
    tpu.enqueue_dma source(%dma_start3A_131 : memref<32x128xf32, #tpu.memory_space<hbm>>) target(%dma_start3A_129 : memref<32x128xf32, #tpu.memory_space<vmem>>) target_semaphore(%arg13 : memref<!tpu.dma_semaphore, #tpu.memory_space<semaphore_mem>>)
    %slice3A_132 = vector.extract_strided_slice %and3A_118 {offsets = [1], sizes = [1], strides = [1]} : vector<16xi32> to vector<1xi32>
    %squeeze3A_133 = vector.extract %slice3A_132[0] : i32 from vector<1xi32>
    %multiple_of3A_134 = tpu.assume_multiple %squeeze3A_133, 128 : i32
    %dma_start3A_135 = arith.constant 0 : i32
    %dma_start3A_136 = arith.constant 1152 : i32
    %dma_start3A_137 = tpu.memref_slice %arg10[%dma_start3A_135, %dma_start3A_136] : memref<32x2048xf32, #tpu.memory_space<vmem>> -> memref<32x128xf32, #tpu.memory_space<vmem>>
    %dma_start3A_138 = arith.constant 0 : i32
    %dma_start3A_139 = tpu.memref_slice %arg4[%dma_start3A_138, %multiple_of3A_134] : memref<32x1000000xf32, #tpu.memory_space<hbm>> -> memref<32x128xf32, #tpu.memory_space<hbm>>
    %dma_start3A_140 = arith.constant 0 : i32
    %dma_start3A_141 = arith.constant 1152 : i32
    %dma_start3A_142 = tpu.memref_slice %arg10[%dma_start3A_140, %dma_start3A_141] : memref<32x2048xf32, #tpu.memory_space<vmem>> -> memref<32x128xf32, #tpu.memory_space<vmem>>
    %dma_start3A_143 = arith.constant 0 : i32
    %dma_start3A_144 = tpu.memref_slice %arg4[%dma_start3A_143, %multiple_of3A_134] : memref<32x1000000xf32, #tpu.memory_space<hbm>> -> memref<32x128xf32, #tpu.memory_space<hbm>>
    tpu.enqueue_dma source(%dma_start3A_144 : memref<32x128xf32, #tpu.memory_space<hbm>>) target(%dma_start3A_142 : memref<32x128xf32, #tpu.memory_space<vmem>>) target_semaphore(%arg13 : memref<!tpu.dma_semaphore, #tpu.memory_space<semaphore_mem>>)
    %slice3A_145 = vector.extract_strided_slice %and3A_118 {offsets = [2], sizes = [1], strides = [1]} : vector<16xi32> to vector<1xi32>
    %squeeze3A_146 = vector.extract %slice3A_145[0] : i32 from vector<1xi32>
    %multiple_of3A_147 = tpu.assume_multiple %squeeze3A_146, 128 : i32
    %dma_start3A_148 = arith.constant 0 : i32
    %dma_start3A_149 = arith.constant 1280 : i32
    %dma_start3A_150 = tpu.memref_slice %arg10[%dma_start3A_148, %dma_start3A_149] : memref<32x2048xf32, #tpu.memory_space<vmem>> -> memref<32x128xf32, #tpu.memory_space<vmem>>
    %dma_start3A_151 = arith.constant 0 : i32
    %dma_start3A_152 = tpu.memref_slice %arg4[%dma_start3A_151, %multiple_of3A_147] : memref<32x1000000xf32, #tpu.memory_space<hbm>> -> memref<32x128xf32, #tpu.memory_space<hbm>>
    %dma_start3A_153 = arith.constant 0 : i32
    %dma_start3A_154 = arith.constant 1280 : i32
    %dma_start3A_155 = tpu.memref_slice %arg10[%dma_start3A_153, %dma_start3A_154] : memref<32x2048xf32, #tpu.memory_space<vmem>> -> memref<32x128xf32, #tpu.memory_space<vmem>>
    %dma_start3A_156 = arith.constant 0 : i32
    %dma_start3A_157 = tpu.memref_slice %arg4[%dma_start3A_156, %multiple_of3A_147] : memref<32x1000000xf32, #tpu.memory_space<hbm>> -> memref<32x128xf32, #tpu.memory_space<hbm>>
    tpu.enqueue_dma source(%dma_start3A_157 : memref<32x128xf32, #tpu.memory_space<hbm>>) target(%dma_start3A_155 : memref<32x128xf32, #tpu.memory_space<vmem>>) target_semaphore(%arg13 : memref<!tpu.dma_semaphore, #tpu.memory_space<semaphore_mem>>)
    %slice3A_158 = vector.extract_strided_slice %and3A_118 {offsets = [3], sizes = [1], strides = [1]} : vector<16xi32> to vector<1xi32>
    %squeeze3A_159 = vector.extract %slice3A_158[0] : i32 from vector<1xi32>
    %multiple_of3A_160 = tpu.assume_multiple %squeeze3A_159, 128 : i32
    %dma_start3A_161 = arith.constant 0 : i32
    %dma_start3A_162 = arith.constant 1408 : i32
    %dma_start3A_163 = tpu.memref_slice %arg10[%dma_start3A_161, %dma_start3A_162] : memref<32x2048xf32, #tpu.memory_space<vmem>> -> memref<32x128xf32, #tpu.memory_space<vmem>>
    %dma_start3A_164 = arith.constant 0 : i32
    %dma_start3A_165 = tpu.memref_slice %arg4[%dma_start3A_164, %multiple_of3A_160] : memref<32x1000000xf32, #tpu.memory_space<hbm>> -> memref<32x128xf32, #tpu.memory_space<hbm>>
    %dma_start3A_166 = arith.constant 0 : i32
    %dma_start3A_167 = arith.constant 1408 : i32
    %dma_start3A_168 = tpu.memref_slice %arg10[%dma_start3A_166, %dma_start3A_167] : memref<32x2048xf32, #tpu.memory_space<vmem>> -> memref<32x128xf32, #tpu.memory_space<vmem>>
    %dma_start3A_169 = arith.constant 0 : i32
    %dma_start3A_170 = tpu.memref_slice %arg4[%dma_start3A_169, %multiple_of3A_160] : memref<32x1000000xf32, #tpu.memory_space<hbm>> -> memref<32x128xf32, #tpu.memory_space<hbm>>
    tpu.enqueue_dma source(%dma_start3A_170 : memref<32x128xf32, #tpu.memory_space<hbm>>) target(%dma_start3A_168 : memref<32x128xf32, #tpu.memory_space<vmem>>) target_semaphore(%arg13 : memref<!tpu.dma_semaphore, #tpu.memory_space<semaphore_mem>>)
    %slice3A_171 = vector.extract_strided_slice %and3A_118 {offsets = [4], sizes = [1], strides = [1]} : vector<16xi32> to vector<1xi32>
    %squeeze3A_172 = vector.extract %slice3A_171[0] : i32 from vector<1xi32>
    %multiple_of3A_173 = tpu.assume_multiple %squeeze3A_172, 128 : i32
    %dma_start3A_174 = arith.constant 0 : i32
    %dma_start3A_175 = arith.constant 1536 : i32
    %dma_start3A_176 = tpu.memref_slice %arg10[%dma_start3A_174, %dma_start3A_175] : memref<32x2048xf32, #tpu.memory_space<vmem>> -> memref<32x128xf32, #tpu.memory_space<vmem>>
    %dma_start3A_177 = arith.constant 0 : i32
    %dma_start3A_178 = tpu.memref_slice %arg4[%dma_start3A_177, %multiple_of3A_173] : memref<32x1000000xf32, #tpu.memory_space<hbm>> -> memref<32x128xf32, #tpu.memory_space<hbm>>
    %dma_start3A_179 = arith.constant 0 : i32
    %dma_start3A_180 = arith.constant 1536 : i32
    %dma_start3A_181 = tpu.memref_slice %arg10[%dma_start3A_179, %dma_start3A_180] : memref<32x2048xf32, #tpu.memory_space<vmem>> -> memref<32x128xf32, #tpu.memory_space<vmem>>
    %dma_start3A_182 = arith.constant 0 : i32
    %dma_start3A_183 = tpu.memref_slice %arg4[%dma_start3A_182, %multiple_of3A_173] : memref<32x1000000xf32, #tpu.memory_space<hbm>> -> memref<32x128xf32, #tpu.memory_space<hbm>>
    tpu.enqueue_dma source(%dma_start3A_183 : memref<32x128xf32, #tpu.memory_space<hbm>>) target(%dma_start3A_181 : memref<32x128xf32, #tpu.memory_space<vmem>>) target_semaphore(%arg13 : memref<!tpu.dma_semaphore, #tpu.memory_space<semaphore_mem>>)
    %slice3A_184 = vector.extract_strided_slice %and3A_118 {offsets = [5], sizes = [1], strides = [1]} : vector<16xi32> to vector<1xi32>
    %squeeze3A_185 = vector.extract %slice3A_184[0] : i32 from vector<1xi32>
    %multiple_of3A_186 = tpu.assume_multiple %squeeze3A_185, 128 : i32
    %dma_start3A_187 = arith.constant 0 : i32
    %dma_start3A_188 = arith.constant 1664 : i32
    %dma_start3A_189 = tpu.memref_slice %arg10[%dma_start3A_187, %dma_start3A_188] : memref<32x2048xf32, #tpu.memory_space<vmem>> -> memref<32x128xf32, #tpu.memory_space<vmem>>
    %dma_start3A_190 = arith.constant 0 : i32
    %dma_start3A_191 = tpu.memref_slice %arg4[%dma_start3A_190, %multiple_of3A_186] : memref<32x1000000xf32, #tpu.memory_space<hbm>> -> memref<32x128xf32, #tpu.memory_space<hbm>>
    %dma_start3A_192 = arith.constant 0 : i32
    %dma_start3A_193 = arith.constant 1664 : i32
    %dma_start3A_194 = tpu.memref_slice %arg10[%dma_start3A_192, %dma_start3A_193] : memref<32x2048xf32, #tpu.memory_space<vmem>> -> memref<32x128xf32, #tpu.memory_space<vmem>>
    %dma_start3A_195 = arith.constant 0 : i32
    %dma_start3A_196 = tpu.memref_slice %arg4[%dma_start3A_195, %multiple_of3A_186] : memref<32x1000000xf32, #tpu.memory_space<hbm>> -> memref<32x128xf32, #tpu.memory_space<hbm>>
    tpu.enqueue_dma source(%dma_start3A_196 : memref<32x128xf32, #tpu.memory_space<hbm>>) target(%dma_start3A_194 : memref<32x128xf32, #tpu.memory_space<vmem>>) target_semaphore(%arg13 : memref<!tpu.dma_semaphore, #tpu.memory_space<semaphore_mem>>)
    %slice3A_197 = vector.extract_strided_slice %and3A_118 {offsets = [6], sizes = [1], strides = [1]} : vector<16xi32> to vector<1xi32>
    %squeeze3A_198 = vector.extract %slice3A_197[0] : i32 from vector<1xi32>
    %multiple_of3A_199 = tpu.assume_multiple %squeeze3A_198, 128 : i32
    %dma_start3A_200 = arith.constant 0 : i32
    %dma_start3A_201 = arith.constant 1792 : i32
    %dma_start3A_202 = tpu.memref_slice %arg10[%dma_start3A_200, %dma_start3A_201] : memref<32x2048xf32, #tpu.memory_space<vmem>> -> memref<32x128xf32, #tpu.memory_space<vmem>>
    %dma_start3A_203 = arith.constant 0 : i32
    %dma_start3A_204 = tpu.memref_slice %arg4[%dma_start3A_203, %multiple_of3A_199] : memref<32x1000000xf32, #tpu.memory_space<hbm>> -> memref<32x128xf32, #tpu.memory_space<hbm>>
    %dma_start3A_205 = arith.constant 0 : i32
    %dma_start3A_206 = arith.constant 1792 : i32
    %dma_start3A_207 = tpu.memref_slice %arg10[%dma_start3A_205, %dma_start3A_206] : memref<32x2048xf32, #tpu.memory_space<vmem>> -> memref<32x128xf32, #tpu.memory_space<vmem>>
    %dma_start3A_208 = arith.constant 0 : i32
    %dma_start3A_209 = tpu.memref_slice %arg4[%dma_start3A_208, %multiple_of3A_199] : memref<32x1000000xf32, #tpu.memory_space<hbm>> -> memref<32x128xf32, #tpu.memory_space<hbm>>
    tpu.enqueue_dma source(%dma_start3A_209 : memref<32x128xf32, #tpu.memory_space<hbm>>) target(%dma_start3A_207 : memref<32x128xf32, #tpu.memory_space<vmem>>) target_semaphore(%arg13 : memref<!tpu.dma_semaphore, #tpu.memory_space<semaphore_mem>>)
    %slice3A_210 = vector.extract_strided_slice %and3A_118 {offsets = [7], sizes = [1], strides = [1]} : vector<16xi32> to vector<1xi32>
    %squeeze3A_211 = vector.extract %slice3A_210[0] : i32 from vector<1xi32>
    %multiple_of3A_212 = tpu.assume_multiple %squeeze3A_211, 128 : i32
    %dma_start3A_213 = arith.constant 0 : i32
    %dma_start3A_214 = arith.constant 1920 : i32
    %dma_start3A_215 = tpu.memref_slice %arg10[%dma_start3A_213, %dma_start3A_214] : memref<32x2048xf32, #tpu.memory_space<vmem>> -> memref<32x128xf32, #tpu.memory_space<vmem>>
    %dma_start3A_216 = arith.constant 0 : i32
    %dma_start3A_217 = tpu.memref_slice %arg4[%dma_start3A_216, %multiple_of3A_212] : memref<32x1000000xf32, #tpu.memory_space<hbm>> -> memref<32x128xf32, #tpu.memory_space<hbm>>
    %dma_start3A_218 = arith.constant 0 : i32
    %dma_start3A_219 = arith.constant 1920 : i32
    %dma_start3A_220 = tpu.memref_slice %arg10[%dma_start3A_218, %dma_start3A_219] : memref<32x2048xf32, #tpu.memory_space<vmem>> -> memref<32x128xf32, #tpu.memory_space<vmem>>
    %dma_start3A_221 = arith.constant 0 : i32
    %dma_start3A_222 = tpu.memref_slice %arg4[%dma_start3A_221, %multiple_of3A_212] : memref<32x1000000xf32, #tpu.memory_space<hbm>> -> memref<32x128xf32, #tpu.memory_space<hbm>>
    tpu.enqueue_dma source(%dma_start3A_222 : memref<32x128xf32, #tpu.memory_space<hbm>>) target(%dma_start3A_220 : memref<32x128xf32, #tpu.memory_space<vmem>>) target_semaphore(%arg13 : memref<!tpu.dma_semaphore, #tpu.memory_space<semaphore_mem>>)
    %scan3A = arith.constant 0 : i32
    %scan3A_223 = arith.constant 0 : i32
    %scan3A_224 = arith.constant 32 : i32
    %scan3A_225 = arith.addi %scan3A_223, %scan3A_224 : i32
    %scan3A_226 = arith.constant 1 : i32
    scf.for %scan3A_452 = %scan3A_223 to %scan3A_225 step %scan3A_226  : i32 {
      %mul3A_453 = arith.constant 2 : i32
      %mul3A_454 = arith.muli %mul3A_453, %scan3A_452 : i32
      %dma_wait3A = arith.constant 0 : i32
      %dma_wait3A_455 = arith.constant 0 : i32
      %dma_wait3A_456 = tpu.memref_slice %arg10[%dma_wait3A, %dma_wait3A_455] : memref<32x2048xf32, #tpu.memory_space<vmem>> -> memref<32x1024xf32, #tpu.memory_space<vmem>>
      %dma_wait3A_457 = arith.constant 0 : i32
      %dma_wait3A_458 = arith.constant 0 : i32
      %dma_wait3A_459 = tpu.memref_slice %arg4[%dma_wait3A_457, %dma_wait3A_458] : memref<32x1000000xf32, #tpu.memory_space<hbm>> -> memref<32x1024xf32, #tpu.memory_space<hbm>>
      %dma_wait3A_460 = arith.constant 0 : i32
      %dma_wait3A_461 = arith.constant 0 : i32
      %dma_wait3A_462 = tpu.memref_slice %arg10[%dma_wait3A_460, %dma_wait3A_461] : memref<32x2048xf32, #tpu.memory_space<vmem>> -> memref<32x1024xf32, #tpu.memory_space<vmem>>
      %dma_wait3A_463 = arith.constant 0 : i32
      %dma_wait3A_464 = arith.constant 0 : i32
      %dma_wait3A_465 = tpu.memref_slice %arg4[%dma_wait3A_463, %dma_wait3A_464] : memref<32x1000000xf32, #tpu.memory_space<hbm>> -> memref<32x1024xf32, #tpu.memory_space<hbm>>
      tpu.wait_dma2 semaphore(%arg12 : memref<!tpu.dma_semaphore, #tpu.memory_space<semaphore_mem>>) src(%dma_wait3A_465 : memref<32x1024xf32, #tpu.memory_space<hbm>>) dst(%dma_wait3A_462 : memref<32x1024xf32, #tpu.memory_space<vmem>>)
      %mul3A_466 = arith.constant 8 : i32
      %mul3A_467 = arith.muli %mul3A_454, %mul3A_466 : i32
      %get3A_468 = arith.index_cast %mul3A_467 : i32 to index
      %get3A_469 = tpu.vector_load %arg8[%get3A_468] {strides = array<i32>} : memref<528xi32, #tpu.memory_space<vmem>>, vector<16xi32>,
      %add3A_470 = arith.constant 0 : i32
      %add3A_471 = vector.broadcast %add3A_470 : i32 to vector<16xi32>
      %add3A_472 = arith.addi %add3A_471, %mul3A_9 : vector<16xi32>
      %and3A_473 = arith.constant 127 : i32
      %and3A_474 = vector.broadcast %and3A_473 : i32 to vector<16xi32>
      %and3A_475 = arith.andi %get3A_469, %and3A_474 : vector<16xi32>
      %add3A_476 = arith.addi %add3A_472, %and3A_475 : vector<16xi32>
      %add3A_477 = vector.broadcast %mul3A_467 : i32 to vector<16xi32>
      %add3A_478 = arith.addi %add3A_477, %iota3A : vector<16xi32>
      %broadcast_in_dim3A = arith.constant 0 : i32
      %broadcast_in_dim3A_479 = vector.broadcast %broadcast_in_dim3A : i32 to vector<16xi32>
      %gather3A = tpu.vector_load_idx %arg10[%broadcast_in_dim3A_479, %add3A_476] : memref<32x2048xf32, #tpu.memory_space<vmem>>[vector<16xi32>, vector<16xi32>], vector<16xf32>,
      tpu.vector_store_idx %arg11[%broadcast_in_dim3A_479, %add3A_478], %gather3A masked %lt3A_4 : memref<32x512xf32, #tpu.memory_space<vmem>>[vector<16xi32>, vector<16xi32>], vector<16xf32>, vector<16xi1>
      %broadcast_in_dim3A_480 = arith.constant 1 : i32
      %broadcast_in_dim3A_481 = vector.broadcast %broadcast_in_dim3A_480 : i32 to vector<16xi32>
      %gather3A_482 = tpu.vector_load_idx %arg10[%broadcast_in_dim3A_481, %add3A_476] : memref<32x2048xf32, #tpu.memory_space<vmem>>[vector<16xi32>, vector<16xi32>], vector<16xf32>,
      tpu.vector_store_idx %arg11[%broadcast_in_dim3A_481, %add3A_478], %gather3A_482 masked %lt3A_4 : memref<32x512xf32, #tpu.memory_space<vmem>>[vector<16xi32>, vector<16xi32>], vector<16xf32>, vector<16xi1>
      %broadcast_in_dim3A_483 = arith.constant 2 : i32
      %broadcast_in_dim3A_484 = vector.broadcast %broadcast_in_dim3A_483 : i32 to vector<16xi32>
      %gather3A_485 = tpu.vector_load_idx %arg10[%broadcast_in_dim3A_484, %add3A_476] : memref<32x2048xf32, #tpu.memory_space<vmem>>[vector<16xi32>, vector<16xi32>], vector<16xf32>,
      tpu.vector_store_idx %arg11[%broadcast_in_dim3A_484, %add3A_478], %gather3A_485 masked %lt3A_4 : memref<32x512xf32, #tpu.memory_space<vmem>>[vector<16xi32>, vector<16xi32>], vector<16xf32>, vector<16xi1>
      %broadcast_in_dim3A_486 = arith.constant 3 : i32
      %broadcast_in_dim3A_487 = vector.broadcast %broadcast_in_dim3A_486 : i32 to vector<16xi32>
      %gather3A_488 = tpu.vector_load_idx %arg10[%broadcast_in_dim3A_487, %add3A_476] : memref<32x2048xf32, #tpu.memory_space<vmem>>[vector<16xi32>, vector<16xi32>], vector<16xf32>,
      tpu.vector_store_idx %arg11[%broadcast_in_dim3A_487, %add3A_478], %gather3A_488 masked %lt3A_4 : memref<32x512xf32, #tpu.memory_space<vmem>>[vector<16xi32>, vector<16xi32>], vector<16xf32>, vector<16xi1>
      %broadcast_in_dim3A_489 = arith.constant 4 : i32
      %broadcast_in_dim3A_490 = vector.broadcast %broadcast_in_dim3A_489 : i32 to vector<16xi32>
      %gather3A_491 = tpu.vector_load_idx %arg10[%broadcast_in_dim3A_490, %add3A_476] : memref<32x2048xf32, #tpu.memory_space<vmem>>[vector<16xi32>, vector<16xi32>], vector<16xf32>,
      tpu.vector_store_idx %arg11[%broadcast_in_dim3A_490, %add3A_478], %gather3A_491 masked %lt3A_4 : memref<32x512xf32, #tpu.memory_space<vmem>>[vector<16xi32>, vector<16xi32>], vector<16xf32>, vector<16xi1>
      %broadcast_in_dim3A_492 = arith.constant 5 : i32
      %broadcast_in_dim3A_493 = vector.broadcast %broadcast_in_dim3A_492 : i32 to vector<16xi32>
      %gather3A_494 = tpu.vector_load_idx %arg10[%broadcast_in_dim3A_493, %add3A_476] : memref<32x2048xf32, #tpu.memory_space<vmem>>[vector<16xi32>, vector<16xi32>], vector<16xf32>,
      tpu.vector_store_idx %arg11[%broadcast_in_dim3A_493, %add3A_478], %gather3A_494 masked %lt3A_4 : memref<32x512xf32, #tpu.memory_space<vmem>>[vector<16xi32>, vector<16xi32>], vector<16xf32>, vector<16xi1>
      %broadcast_in_dim3A_495 = arith.constant 6 : i32
      %broadcast_in_dim3A_496 = vector.broadcast %broadcast_in_dim3A_495 : i32 to vector<16xi32>
      %gather3A_497 = tpu.vector_load_idx %arg10[%broadcast_in_dim3A_496, %add3A_476] : memref<32x2048xf32, #tpu.memory_space<vmem>>[vector<16xi32>, vector<16xi32>], vector<16xf32>,
      tpu.vector_store_idx %arg11[%broadcast_in_dim3A_496, %add3A_478], %gather3A_497 masked %lt3A_4 : memref<32x512xf32, #tpu.memory_space<vmem>>[vector<16xi32>, vector<16xi32>], vector<16xf32>, vector<16xi1>
      %broadcast_in_dim3A_498 = arith.constant 7 : i32
      %broadcast_in_dim3A_499 = vector.broadcast %broadcast_in_dim3A_498 : i32 to vector<16xi32>
      %gather3A_500 = tpu.vector_load_idx %arg10[%broadcast_in_dim3A_499, %add3A_476] : memref<32x2048xf32, #tpu.memory_space<vmem>>[vector<16xi32>, vector<16xi32>], vector<16xf32>,
      tpu.vector_store_idx %arg11[%broadcast_in_dim3A_499, %add3A_478], %gather3A_500 masked %lt3A_4 : memref<32x512xf32, #tpu.memory_space<vmem>>[vector<16xi32>, vector<16xi32>], vector<16xf32>, vector<16xi1>
      %broadcast_in_dim3A_501 = arith.constant 8 : i32
      %broadcast_in_dim3A_502 = vector.broadcast %broadcast_in_dim3A_501 : i32 to vector<16xi32>
      %gather3A_503 = tpu.vector_load_idx %arg10[%broadcast_in_dim3A_502, %add3A_476] : memref<32x2048xf32, #tpu.memory_space<vmem>>[vector<16xi32>, vector<16xi32>], vector<16xf32>,
      tpu.vector_store_idx %arg11[%broadcast_in_dim3A_502, %add3A_478], %gather3A_503 masked %lt3A_4 : memref<32x512xf32, #tpu.memory_space<vmem>>[vector<16xi32>, vector<16xi32>], vector<16xf32>, vector<16xi1>
      %broadcast_in_dim3A_504 = arith.constant 9 : i32
      %broadcast_in_dim3A_505 = vector.broadcast %broadcast_in_dim3A_504 : i32 to vector<16xi32>
      %gather3A_506 = tpu.vector_load_idx %arg10[%broadcast_in_dim3A_505, %add3A_476] : memref<32x2048xf32, #tpu.memory_space<vmem>>[vector<16xi32>, vector<16xi32>], vector<16xf32>,
      tpu.vector_store_idx %arg11[%broadcast_in_dim3A_505, %add3A_478], %gather3A_506 masked %lt3A_4 : memref<32x512xf32, #tpu.memory_space<vmem>>[vector<16xi32>, vector<16xi32>], vector<16xf32>, vector<16xi1>
      %broadcast_in_dim3A_507 = arith.constant 10 : i32
      %broadcast_in_dim3A_508 = vector.broadcast %broadcast_in_dim3A_507 : i32 to vector<16xi32>
      %gather3A_509 = tpu.vector_load_idx %arg10[%broadcast_in_dim3A_508, %add3A_476] : memref<32x2048xf32, #tpu.memory_space<vmem>>[vector<16xi32>, vector<16xi32>], vector<16xf32>,
      tpu.vector_store_idx %arg11[%broadcast_in_dim3A_508, %add3A_478], %gather3A_509 masked %lt3A_4 : memref<32x512xf32, #tpu.memory_space<vmem>>[vector<16xi32>, vector<16xi32>], vector<16xf32>, vector<16xi1>
      %broadcast_in_dim3A_510 = arith.constant 11 : i32
      %broadcast_in_dim3A_511 = vector.broadcast %broadcast_in_dim3A_510 : i32 to vector<16xi32>
      %gather3A_512 = tpu.vector_load_idx %arg10[%broadcast_in_dim3A_511, %add3A_476] : memref<32x2048xf32, #tpu.memory_space<vmem>>[vector<16xi32>, vector<16xi32>], vector<16xf32>,
      tpu.vector_store_idx %arg11[%broadcast_in_dim3A_511, %add3A_478], %gather3A_512 masked %lt3A_4 : memref<32x512xf32, #tpu.memory_space<vmem>>[vector<16xi32>, vector<16xi32>], vector<16xf32>, vector<16xi1>
      %broadcast_in_dim3A_513 = arith.constant 12 : i32
      %broadcast_in_dim3A_514 = vector.broadcast %broadcast_in_dim3A_513 : i32 to vector<16xi32>
      %gather3A_515 = tpu.vector_load_idx %arg10[%broadcast_in_dim3A_514, %add3A_476] : memref<32x2048xf32, #tpu.memory_space<vmem>>[vector<16xi32>, vector<16xi32>], vector<16xf32>,
      tpu.vector_store_idx %arg11[%broadcast_in_dim3A_514, %add3A_478], %gather3A_515 masked %lt3A_4 : memref<32x512xf32, #tpu.memory_space<vmem>>[vector<16xi32>, vector<16xi32>], vector<16xf32>, vector<16xi1>
      %broadcast_in_dim3A_516 = arith.constant 13 : i32
      %broadcast_in_dim3A_517 = vector.broadcast %broadcast_in_dim3A_516 : i32 to vector<16xi32>
      %gather3A_518 = tpu.vector_load_idx %arg10[%broadcast_in_dim3A_517, %add3A_476] : memref<32x2048xf32, #tpu.memory_space<vmem>>[vector<16xi32>, vector<16xi32>], vector<16xf32>,
      tpu.vector_store_idx %arg11[%broadcast_in_dim3A_517, %add3A_478], %gather3A_518 masked %lt3A_4 : memref<32x512xf32, #tpu.memory_space<vmem>>[vector<16xi32>, vector<16xi32>], vector<16xf32>, vector<16xi1>
      %broadcast_in_dim3A_519 = arith.constant 14 : i32
      %broadcast_in_dim3A_520 = vector.broadcast %broadcast_in_dim3A_519 : i32 to vector<16xi32>
      %gather3A_521 = tpu.vector_load_idx %arg10[%broadcast_in_dim3A_520, %add3A_476] : memref<32x2048xf32, #tpu.memory_space<vmem>>[vector<16xi32>, vector<16xi32>], vector<16xf32>,
      tpu.vector_store_idx %arg11[%broadcast_in_dim3A_520, %add3A_478], %gather3A_521 masked %lt3A_4 : memref<32x512xf32, #tpu.memory_space<vmem>>[vector<16xi32>, vector<16xi32>], vector<16xf32>, vector<16xi1>
      %broadcast_in_dim3A_522 = arith.constant 15 : i32
      %broadcast_in_dim3A_523 = vector.broadcast %broadcast_in_dim3A_522 : i32 to vector<16xi32>
      %gather3A_524 = tpu.vector_load_idx %arg10[%broadcast_in_dim3A_523, %add3A_476] : memref<32x2048xf32, #tpu.memory_space<vmem>>[vector<16xi32>, vector<16xi32>], vector<16xf32>,
      tpu.vector_store_idx %arg11[%broadcast_in_dim3A_523, %add3A_478], %gather3A_524 masked %lt3A_4 : memref<32x512xf32, #tpu.memory_space<vmem>>[vector<16xi32>, vector<16xi32>], vector<16xf32>, vector<16xi1>
      %broadcast_in_dim3A_525 = arith.constant 16 : i32
      %broadcast_in_dim3A_526 = vector.broadcast %broadcast_in_dim3A_525 : i32 to vector<16xi32>
      %gather3A_527 = tpu.vector_load_idx %arg10[%broadcast_in_dim3A_526, %add3A_476] : memref<32x2048xf32, #tpu.memory_space<vmem>>[vector<16xi32>, vector<16xi32>], vector<16xf32>,
      tpu.vector_store_idx %arg11[%broadcast_in_dim3A_526, %add3A_478], %gather3A_527 masked %lt3A_4 : memref<32x512xf32, #tpu.memory_space<vmem>>[vector<16xi32>, vector<16xi32>], vector<16xf32>, vector<16xi1>
      %broadcast_in_dim3A_528 = arith.constant 17 : i32
      %broadcast_in_dim3A_529 = vector.broadcast %broadcast_in_dim3A_528 : i32 to vector<16xi32>
      %gather3A_530 = tpu.vector_load_idx %arg10[%broadcast_in_dim3A_529, %add3A_476] : memref<32x2048xf32, #tpu.memory_space<vmem>>[vector<16xi32>, vector<16xi32>], vector<16xf32>,
      tpu.vector_store_idx %arg11[%broadcast_in_dim3A_529, %add3A_478], %gather3A_530 masked %lt3A_4 : memref<32x512xf32, #tpu.memory_space<vmem>>[vector<16xi32>, vector<16xi32>], vector<16xf32>, vector<16xi1>
      %broadcast_in_dim3A_531 = arith.constant 18 : i32
      %broadcast_in_dim3A_532 = vector.broadcast %broadcast_in_dim3A_531 : i32 to vector<16xi32>
      %gather3A_533 = tpu.vector_load_idx %arg10[%broadcast_in_dim3A_532, %add3A_476] : memref<32x2048xf32, #tpu.memory_space<vmem>>[vector<16xi32>, vector<16xi32>], vector<16xf32>,
      tpu.vector_store_idx %arg11[%broadcast_in_dim3A_532, %add3A_478], %gather3A_533 masked %lt3A_4 : memref<32x512xf32, #tpu.memory_space<vmem>>[vector<16xi32>, vector<16xi32>], vector<16xf32>, vector<16xi1>
      %broadcast_in_dim3A_534 = arith.constant 19 : i32
      %broadcast_in_dim3A_535 = vector.broadcast %broadcast_in_dim3A_534 : i32 to vector<16xi32>
      %gather3A_536 = tpu.vector_load_idx %arg10[%broadcast_in_dim3A_535, %add3A_476] : memref<32x2048xf32, #tpu.memory_space<vmem>>[vector<16xi32>, vector<16xi32>], vector<16xf32>,
      tpu.vector_store_idx %arg11[%broadcast_in_dim3A_535, %add3A_478], %gather3A_536 masked %lt3A_4 : memref<32x512xf32, #tpu.memory_space<vmem>>[vector<16xi32>, vector<16xi32>], vector<16xf32>, vector<16xi1>
      %broadcast_in_dim3A_537 = arith.constant 20 : i32
      %broadcast_in_dim3A_538 = vector.broadcast %broadcast_in_dim3A_537 : i32 to vector<16xi32>
      %gather3A_539 = tpu.vector_load_idx %arg10[%broadcast_in_dim3A_538, %add3A_476] : memref<32x2048xf32, #tpu.memory_space<vmem>>[vector<16xi32>, vector<16xi32>], vector<16xf32>,
      tpu.vector_store_idx %arg11[%broadcast_in_dim3A_538, %add3A_478], %gather3A_539 masked %lt3A_4 : memref<32x512xf32, #tpu.memory_space<vmem>>[vector<16xi32>, vector<16xi32>], vector<16xf32>, vector<16xi1>
      %broadcast_in_dim3A_540 = arith.constant 21 : i32
      %broadcast_in_dim3A_541 = vector.broadcast %broadcast_in_dim3A_540 : i32 to vector<16xi32>
      %gather3A_542 = tpu.vector_load_idx %arg10[%broadcast_in_dim3A_541, %add3A_476] : memref<32x2048xf32, #tpu.memory_space<vmem>>[vector<16xi32>, vector<16xi32>], vector<16xf32>,
      tpu.vector_store_idx %arg11[%broadcast_in_dim3A_541, %add3A_478], %gather3A_542 masked %lt3A_4 : memref<32x512xf32, #tpu.memory_space<vmem>>[vector<16xi32>, vector<16xi32>], vector<16xf32>, vector<16xi1>
      %broadcast_in_dim3A_543 = arith.constant 22 : i32
      %broadcast_in_dim3A_544 = vector.broadcast %broadcast_in_dim3A_543 : i32 to vector<16xi32>
      %gather3A_545 = tpu.vector_load_idx %arg10[%broadcast_in_dim3A_544, %add3A_476] : memref<32x2048xf32, #tpu.memory_space<vmem>>[vector<16xi32>, vector<16xi32>], vector<16xf32>,
      tpu.vector_store_idx %arg11[%broadcast_in_dim3A_544, %add3A_478], %gather3A_545 masked %lt3A_4 : memref<32x512xf32, #tpu.memory_space<vmem>>[vector<16xi32>, vector<16xi32>], vector<16xf32>, vector<16xi1>
      %broadcast_in_dim3A_546 = arith.constant 23 : i32
      %broadcast_in_dim3A_547 = vector.broadcast %broadcast_in_dim3A_546 : i32 to vector<16xi32>
      %gather3A_548 = tpu.vector_load_idx %arg10[%broadcast_in_dim3A_547, %add3A_476] : memref<32x2048xf32, #tpu.memory_space<vmem>>[vector<16xi32>, vector<16xi32>], vector<16xf32>,
      tpu.vector_store_idx %arg11[%broadcast_in_dim3A_547, %add3A_478], %gather3A_548 masked %lt3A_4 : memref<32x512xf32, #tpu.memory_space<vmem>>[vector<16xi32>, vector<16xi32>], vector<16xf32>, vector<16xi1>
      %broadcast_in_dim3A_549 = arith.constant 24 : i32
      %broadcast_in_dim3A_550 = vector.broadcast %broadcast_in_dim3A_549 : i32 to vector<16xi32>
      %gather3A_551 = tpu.vector_load_idx %arg10[%broadcast_in_dim3A_550, %add3A_476] : memref<32x2048xf32, #tpu.memory_space<vmem>>[vector<16xi32>, vector<16xi32>], vector<16xf32>,
      tpu.vector_store_idx %arg11[%broadcast_in_dim3A_550, %add3A_478], %gather3A_551 masked %lt3A_4 : memref<32x512xf32, #tpu.memory_space<vmem>>[vector<16xi32>, vector<16xi32>], vector<16xf32>, vector<16xi1>
      %broadcast_in_dim3A_552 = arith.constant 25 : i32
      %broadcast_in_dim3A_553 = vector.broadcast %broadcast_in_dim3A_552 : i32 to vector<16xi32>
      %gather3A_554 = tpu.vector_load_idx %arg10[%broadcast_in_dim3A_553, %add3A_476] : memref<32x2048xf32, #tpu.memory_space<vmem>>[vector<16xi32>, vector<16xi32>], vector<16xf32>,
      tpu.vector_store_idx %arg11[%broadcast_in_dim3A_553, %add3A_478], %gather3A_554 masked %lt3A_4 : memref<32x512xf32, #tpu.memory_space<vmem>>[vector<16xi32>, vector<16xi32>], vector<16xf32>, vector<16xi1>
      %broadcast_in_dim3A_555 = arith.constant 26 : i32
      %broadcast_in_dim3A_556 = vector.broadcast %broadcast_in_dim3A_555 : i32 to vector<16xi32>
      %gather3A_557 = tpu.vector_load_idx %arg10[%broadcast_in_dim3A_556, %add3A_476] : memref<32x2048xf32, #tpu.memory_space<vmem>>[vector<16xi32>, vector<16xi32>], vector<16xf32>,
      tpu.vector_store_idx %arg11[%broadcast_in_dim3A_556, %add3A_478], %gather3A_557 masked %lt3A_4 : memref<32x512xf32, #tpu.memory_space<vmem>>[vector<16xi32>, vector<16xi32>], vector<16xf32>, vector<16xi1>
      %broadcast_in_dim3A_558 = arith.constant 27 : i32
      %broadcast_in_dim3A_559 = vector.broadcast %broadcast_in_dim3A_558 : i32 to vector<16xi32>
      %gather3A_560 = tpu.vector_load_idx %arg10[%broadcast_in_dim3A_559, %add3A_476] : memref<32x2048xf32, #tpu.memory_space<vmem>>[vector<16xi32>, vector<16xi32>], vector<16xf32>,
      tpu.vector_store_idx %arg11[%broadcast_in_dim3A_559, %add3A_478], %gather3A_560 masked %lt3A_4 : memref<32x512xf32, #tpu.memory_space<vmem>>[vector<16xi32>, vector<16xi32>], vector<16xf32>, vector<16xi1>
      %broadcast_in_dim3A_561 = arith.constant 28 : i32
      %broadcast_in_dim3A_562 = vector.broadcast %broadcast_in_dim3A_561 : i32 to vector<16xi32>
      %gather3A_563 = tpu.vector_load_idx %arg10[%broadcast_in_dim3A_562, %add3A_476] : memref<32x2048xf32, #tpu.memory_space<vmem>>[vector<16xi32>, vector<16xi32>], vector<16xf32>,
      tpu.vector_store_idx %arg11[%broadcast_in_dim3A_562, %add3A_478], %gather3A_563 masked %lt3A_4 : memref<32x512xf32, #tpu.memory_space<vmem>>[vector<16xi32>, vector<16xi32>], vector<16xf32>, vector<16xi1>
      %broadcast_in_dim3A_564 = arith.constant 29 : i32
      %broadcast_in_dim3A_565 = vector.broadcast %broadcast_in_dim3A_564 : i32 to vector<16xi32>
      %gather3A_566 = tpu.vector_load_idx %arg10[%broadcast_in_dim3A_565, %add3A_476] : memref<32x2048xf32, #tpu.memory_space<vmem>>[vector<16xi32>, vector<16xi32>], vector<16xf32>,
      tpu.vector_store_idx %arg11[%broadcast_in_dim3A_565, %add3A_478], %gather3A_566 masked %lt3A_4 : memref<32x512xf32, #tpu.memory_space<vmem>>[vector<16xi32>, vector<16xi32>], vector<16xf32>, vector<16xi1>
      %broadcast_in_dim3A_567 = arith.constant 30 : i32
      %broadcast_in_dim3A_568 = vector.broadcast %broadcast_in_dim3A_567 : i32 to vector<16xi32>
      %gather3A_569 = tpu.vector_load_idx %arg10[%broadcast_in_dim3A_568, %add3A_476] : memref<32x2048xf32, #tpu.memory_space<vmem>>[vector<16xi32>, vector<16xi32>], vector<16xf32>,
      tpu.vector_store_idx %arg11[%broadcast_in_dim3A_568, %add3A_478], %gather3A_569 masked %lt3A_4 : memref<32x512xf32, #tpu.memory_space<vmem>>[vector<16xi32>, vector<16xi32>], vector<16xf32>, vector<16xi1>
      %broadcast_in_dim3A_570 = arith.constant 31 : i32
      %broadcast_in_dim3A_571 = vector.broadcast %broadcast_in_dim3A_570 : i32 to vector<16xi32>
      %gather3A_572 = tpu.vector_load_idx %arg10[%broadcast_in_dim3A_571, %add3A_476] : memref<32x2048xf32, #tpu.memory_space<vmem>>[vector<16xi32>, vector<16xi32>], vector<16xf32>,
      tpu.vector_store_idx %arg11[%broadcast_in_dim3A_571, %add3A_478], %gather3A_572 masked %lt3A_4 : memref<32x512xf32, #tpu.memory_space<vmem>>[vector<16xi32>, vector<16xi32>], vector<16xf32>, vector<16xi1>
      %add3A_573 = arith.constant 2 : i32
      %add3A_574 = arith.addi %mul3A_454, %add3A_573 : i32
      %lt3A_575 = arith.constant 64 : i32
      %lt3A_576 = arith.cmpi slt, %add3A_574, %lt3A_575 : i32
      %convert_element_type3A = arith.extui %lt3A_576 : i1 to i32
      %cond3A = arith.constant 0 : i32
      %cond3A_577 = arith.cmpi ne, %convert_element_type3A, %cond3A : i32
      scf.if %cond3A_577 {
        %add3A_708 = arith.constant 2 : i32
        %add3A_709 = arith.addi %mul3A_454, %add3A_708 : i32
        %mul3A_710 = arith.constant 8 : i32
        %mul3A_711 = arith.muli %add3A_709, %mul3A_710 : i32
        %get3A_712 = arith.index_cast %mul3A_711 : i32 to index
        %get3A_713 = tpu.vector_load %arg8[%get3A_712] {strides = array<i32>} : memref<528xi32, #tpu.memory_space<vmem>>, vector<16xi32>,
        %and3A_714 = arith.constant -128 : i32
        %and3A_715 = vector.broadcast %and3A_714 : i32 to vector<16xi32>
        %and3A_716 = arith.andi %get3A_713, %and3A_715 : vector<16xi32>
        %slice3A_717 = vector.extract_strided_slice %and3A_716 {offsets = [0], sizes = [1], strides = [1]} : vector<16xi32> to vector<1xi32>
        %squeeze3A_718 = vector.extract %slice3A_717[0] : i32 from vector<1xi32>
        %multiple_of3A_719 = tpu.assume_multiple %squeeze3A_718, 128 : i32
        %dma_start3A_720 = arith.constant 0 : i32
        %dma_start3A_721 = arith.constant 0 : i32
        %dma_start3A_722 = tpu.memref_slice %arg10[%dma_start3A_720, %dma_start3A_721] : memref<32x2048xf32, #tpu.memory_space<vmem>> -> memref<32x128xf32, #tpu.memory_space<vmem>>
        %dma_start3A_723 = arith.constant 0 : i32
        %dma_start3A_724 = tpu.memref_slice %arg4[%dma_start3A_723, %multiple_of3A_719] : memref<32x1000000xf32, #tpu.memory_space<hbm>> -> memref<32x128xf32, #tpu.memory_space<hbm>>
        %dma_start3A_725 = arith.constant 0 : i32
        %dma_start3A_726 = arith.constant 0 : i32
        %dma_start3A_727 = tpu.memref_slice %arg10[%dma_start3A_725, %dma_start3A_726] : memref<32x2048xf32, #tpu.memory_space<vmem>> -> memref<32x128xf32, #tpu.memory_space<vmem>>
        %dma_start3A_728 = arith.constant 0 : i32
        %dma_start3A_729 = tpu.memref_slice %arg4[%dma_start3A_728, %multiple_of3A_719] : memref<32x1000000xf32, #tpu.memory_space<hbm>> -> memref<32x128xf32, #tpu.memory_space<hbm>>
        tpu.enqueue_dma source(%dma_start3A_729 : memref<32x128xf32, #tpu.memory_space<hbm>>) target(%dma_start3A_727 : memref<32x128xf32, #tpu.memory_space<vmem>>) target_semaphore(%arg12 : memref<!tpu.dma_semaphore, #tpu.memory_space<semaphore_mem>>)
        %slice3A_730 = vector.extract_strided_slice %and3A_716 {offsets = [1], sizes = [1], strides = [1]} : vector<16xi32> to vector<1xi32>
        %squeeze3A_731 = vector.extract %slice3A_730[0] : i32 from vector<1xi32>
        %multiple_of3A_732 = tpu.assume_multiple %squeeze3A_731, 128 : i32
        %dma_start3A_733 = arith.constant 0 : i32
        %dma_start3A_734 = arith.constant 128 : i32
        %dma_start3A_735 = tpu.memref_slice %arg10[%dma_start3A_733, %dma_start3A_734] : memref<32x2048xf32, #tpu.memory_space<vmem>> -> memref<32x128xf32, #tpu.memory_space<vmem>>
        %dma_start3A_736 = arith.constant 0 : i32
        %dma_start3A_737 = tpu.memref_slice %arg4[%dma_start3A_736, %multiple_of3A_732] : memref<32x1000000xf32, #tpu.memory_space<hbm>> -> memref<32x128xf32, #tpu.memory_space<hbm>>
        %dma_start3A_738 = arith.constant 0 : i32
        %dma_start3A_739 = arith.constant 128 : i32
        %dma_start3A_740 = tpu.memref_slice %arg10[%dma_start3A_738, %dma_start3A_739] : memref<32x2048xf32, #tpu.memory_space<vmem>> -> memref<32x128xf32, #tpu.memory_space<vmem>>
        %dma_start3A_741 = arith.constant 0 : i32
        %dma_start3A_742 = tpu.memref_slice %arg4[%dma_start3A_741, %multiple_of3A_732] : memref<32x1000000xf32, #tpu.memory_space<hbm>> -> memref<32x128xf32, #tpu.memory_space<hbm>>
        tpu.enqueue_dma source(%dma_start3A_742 : memref<32x128xf32, #tpu.memory_space<hbm>>) target(%dma_start3A_740 : memref<32x128xf32, #tpu.memory_space<vmem>>) target_semaphore(%arg12 : memref<!tpu.dma_semaphore, #tpu.memory_space<semaphore_mem>>)
        %slice3A_743 = vector.extract_strided_slice %and3A_716 {offsets = [2], sizes = [1], strides = [1]} : vector<16xi32> to vector<1xi32>
        %squeeze3A_744 = vector.extract %slice3A_743[0] : i32 from vector<1xi32>
        %multiple_of3A_745 = tpu.assume_multiple %squeeze3A_744, 128 : i32
        %dma_start3A_746 = arith.constant 0 : i32
        %dma_start3A_747 = arith.constant 256 : i32
        %dma_start3A_748 = tpu.memref_slice %arg10[%dma_start3A_746, %dma_start3A_747] : memref<32x2048xf32, #tpu.memory_space<vmem>> -> memref<32x128xf32, #tpu.memory_space<vmem>>
        %dma_start3A_749 = arith.constant 0 : i32
        %dma_start3A_750 = tpu.memref_slice %arg4[%dma_start3A_749, %multiple_of3A_745] : memref<32x1000000xf32, #tpu.memory_space<hbm>> -> memref<32x128xf32, #tpu.memory_space<hbm>>
        %dma_start3A_751 = arith.constant 0 : i32
        %dma_start3A_752 = arith.constant 256 : i32
        %dma_start3A_753 = tpu.memref_slice %arg10[%dma_start3A_751, %dma_start3A_752] : memref<32x2048xf32, #tpu.memory_space<vmem>> -> memref<32x128xf32, #tpu.memory_space<vmem>>
        %dma_start3A_754 = arith.constant 0 : i32
        %dma_start3A_755 = tpu.memref_slice %arg4[%dma_start3A_754, %multiple_of3A_745] : memref<32x1000000xf32, #tpu.memory_space<hbm>> -> memref<32x128xf32, #tpu.memory_space<hbm>>
        tpu.enqueue_dma source(%dma_start3A_755 : memref<32x128xf32, #tpu.memory_space<hbm>>) target(%dma_start3A_753 : memref<32x128xf32, #tpu.memory_space<vmem>>) target_semaphore(%arg12 : memref<!tpu.dma_semaphore, #tpu.memory_space<semaphore_mem>>)
        %slice3A_756 = vector.extract_strided_slice %and3A_716 {offsets = [3], sizes = [1], strides = [1]} : vector<16xi32> to vector<1xi32>
        %squeeze3A_757 = vector.extract %slice3A_756[0] : i32 from vector<1xi32>
        %multiple_of3A_758 = tpu.assume_multiple %squeeze3A_757, 128 : i32
        %dma_start3A_759 = arith.constant 0 : i32
        %dma_start3A_760 = arith.constant 384 : i32
        %dma_start3A_761 = tpu.memref_slice %arg10[%dma_start3A_759, %dma_start3A_760] : memref<32x2048xf32, #tpu.memory_space<vmem>> -> memref<32x128xf32, #tpu.memory_space<vmem>>
        %dma_start3A_762 = arith.constant 0 : i32
        %dma_start3A_763 = tpu.memref_slice %arg4[%dma_start3A_762, %multiple_of3A_758] : memref<32x1000000xf32, #tpu.memory_space<hbm>> -> memref<32x128xf32, #tpu.memory_space<hbm>>
        %dma_start3A_764 = arith.constant 0 : i32
        %dma_start3A_765 = arith.constant 384 : i32
        %dma_start3A_766 = tpu.memref_slice %arg10[%dma_start3A_764, %dma_start3A_765] : memref<32x2048xf32, #tpu.memory_space<vmem>> -> memref<32x128xf32, #tpu.memory_space<vmem>>
        %dma_start3A_767 = arith.constant 0 : i32
        %dma_start3A_768 = tpu.memref_slice %arg4[%dma_start3A_767, %multiple_of3A_758] : memref<32x1000000xf32, #tpu.memory_space<hbm>> -> memref<32x128xf32, #tpu.memory_space<hbm>>
        tpu.enqueue_dma source(%dma_start3A_768 : memref<32x128xf32, #tpu.memory_space<hbm>>) target(%dma_start3A_766 : memref<32x128xf32, #tpu.memory_space<vmem>>) target_semaphore(%arg12 : memref<!tpu.dma_semaphore, #tpu.memory_space<semaphore_mem>>)
        %slice3A_769 = vector.extract_strided_slice %and3A_716 {offsets = [4], sizes = [1], strides = [1]} : vector<16xi32> to vector<1xi32>
        %squeeze3A_770 = vector.extract %slice3A_769[0] : i32 from vector<1xi32>
        %multiple_of3A_771 = tpu.assume_multiple %squeeze3A_770, 128 : i32
        %dma_start3A_772 = arith.constant 0 : i32
        %dma_start3A_773 = arith.constant 512 : i32
        %dma_start3A_774 = tpu.memref_slice %arg10[%dma_start3A_772, %dma_start3A_773] : memref<32x2048xf32, #tpu.memory_space<vmem>> -> memref<32x128xf32, #tpu.memory_space<vmem>>
        %dma_start3A_775 = arith.constant 0 : i32
        %dma_start3A_776 = tpu.memref_slice %arg4[%dma_start3A_775, %multiple_of3A_771] : memref<32x1000000xf32, #tpu.memory_space<hbm>> -> memref<32x128xf32, #tpu.memory_space<hbm>>
        %dma_start3A_777 = arith.constant 0 : i32
        %dma_start3A_778 = arith.constant 512 : i32
        %dma_start3A_779 = tpu.memref_slice %arg10[%dma_start3A_777, %dma_start3A_778] : memref<32x2048xf32, #tpu.memory_space<vmem>> -> memref<32x128xf32, #tpu.memory_space<vmem>>
        %dma_start3A_780 = arith.constant 0 : i32
        %dma_start3A_781 = tpu.memref_slice %arg4[%dma_start3A_780, %multiple_of3A_771] : memref<32x1000000xf32, #tpu.memory_space<hbm>> -> memref<32x128xf32, #tpu.memory_space<hbm>>
        tpu.enqueue_dma source(%dma_start3A_781 : memref<32x128xf32, #tpu.memory_space<hbm>>) target(%dma_start3A_779 : memref<32x128xf32, #tpu.memory_space<vmem>>) target_semaphore(%arg12 : memref<!tpu.dma_semaphore, #tpu.memory_space<semaphore_mem>>)
        %slice3A_782 = vector.extract_strided_slice %and3A_716 {offsets = [5], sizes = [1], strides = [1]} : vector<16xi32> to vector<1xi32>
        %squeeze3A_783 = vector.extract %slice3A_782[0] : i32 from vector<1xi32>
        %multiple_of3A_784 = tpu.assume_multiple %squeeze3A_783, 128 : i32
        %dma_start3A_785 = arith.constant 0 : i32
        %dma_start3A_786 = arith.constant 640 : i32
        %dma_start3A_787 = tpu.memref_slice %arg10[%dma_start3A_785, %dma_start3A_786] : memref<32x2048xf32, #tpu.memory_space<vmem>> -> memref<32x128xf32, #tpu.memory_space<vmem>>
        %dma_start3A_788 = arith.constant 0 : i32
        %dma_start3A_789 = tpu.memref_slice %arg4[%dma_start3A_788, %multiple_of3A_784] : memref<32x1000000xf32, #tpu.memory_space<hbm>> -> memref<32x128xf32, #tpu.memory_space<hbm>>
        %dma_start3A_790 = arith.constant 0 : i32
        %dma_start3A_791 = arith.constant 640 : i32
        %dma_start3A_792 = tpu.memref_slice %arg10[%dma_start3A_790, %dma_start3A_791] : memref<32x2048xf32, #tpu.memory_space<vmem>> -> memref<32x128xf32, #tpu.memory_space<vmem>>
        %dma_start3A_793 = arith.constant 0 : i32
        %dma_start3A_794 = tpu.memref_slice %arg4[%dma_start3A_793, %multiple_of3A_784] : memref<32x1000000xf32, #tpu.memory_space<hbm>> -> memref<32x128xf32, #tpu.memory_space<hbm>>
        tpu.enqueue_dma source(%dma_start3A_794 : memref<32x128xf32, #tpu.memory_space<hbm>>) target(%dma_start3A_792 : memref<32x128xf32, #tpu.memory_space<vmem>>) target_semaphore(%arg12 : memref<!tpu.dma_semaphore, #tpu.memory_space<semaphore_mem>>)
        %slice3A_795 = vector.extract_strided_slice %and3A_716 {offsets = [6], sizes = [1], strides = [1]} : vector<16xi32> to vector<1xi32>
        %squeeze3A_796 = vector.extract %slice3A_795[0] : i32 from vector<1xi32>
        %multiple_of3A_797 = tpu.assume_multiple %squeeze3A_796, 128 : i32
        %dma_start3A_798 = arith.constant 0 : i32
        %dma_start3A_799 = arith.constant 768 : i32
        %dma_start3A_800 = tpu.memref_slice %arg10[%dma_start3A_798, %dma_start3A_799] : memref<32x2048xf32, #tpu.memory_space<vmem>> -> memref<32x128xf32, #tpu.memory_space<vmem>>
        %dma_start3A_801 = arith.constant 0 : i32
        %dma_start3A_802 = tpu.memref_slice %arg4[%dma_start3A_801, %multiple_of3A_797] : memref<32x1000000xf32, #tpu.memory_space<hbm>> -> memref<32x128xf32, #tpu.memory_space<hbm>>
        %dma_start3A_803 = arith.constant 0 : i32
        %dma_start3A_804 = arith.constant 768 : i32
        %dma_start3A_805 = tpu.memref_slice %arg10[%dma_start3A_803, %dma_start3A_804] : memref<32x2048xf32, #tpu.memory_space<vmem>> -> memref<32x128xf32, #tpu.memory_space<vmem>>
        %dma_start3A_806 = arith.constant 0 : i32
        %dma_start3A_807 = tpu.memref_slice %arg4[%dma_start3A_806, %multiple_of3A_797] : memref<32x1000000xf32, #tpu.memory_space<hbm>> -> memref<32x128xf32, #tpu.memory_space<hbm>>
        tpu.enqueue_dma source(%dma_start3A_807 : memref<32x128xf32, #tpu.memory_space<hbm>>) target(%dma_start3A_805 : memref<32x128xf32, #tpu.memory_space<vmem>>) target_semaphore(%arg12 : memref<!tpu.dma_semaphore, #tpu.memory_space<semaphore_mem>>)
        %slice3A_808 = vector.extract_strided_slice %and3A_716 {offsets = [7], sizes = [1], strides = [1]} : vector<16xi32> to vector<1xi32>
        %squeeze3A_809 = vector.extract %slice3A_808[0] : i32 from vector<1xi32>
        %multiple_of3A_810 = tpu.assume_multiple %squeeze3A_809, 128 : i32
        %dma_start3A_811 = arith.constant 0 : i32
        %dma_start3A_812 = arith.constant 896 : i32
        %dma_start3A_813 = tpu.memref_slice %arg10[%dma_start3A_811, %dma_start3A_812] : memref<32x2048xf32, #tpu.memory_space<vmem>> -> memref<32x128xf32, #tpu.memory_space<vmem>>
        %dma_start3A_814 = arith.constant 0 : i32
        %dma_start3A_815 = tpu.memref_slice %arg4[%dma_start3A_814, %multiple_of3A_810] : memref<32x1000000xf32, #tpu.memory_space<hbm>> -> memref<32x128xf32, #tpu.memory_space<hbm>>
        %dma_start3A_816 = arith.constant 0 : i32
        %dma_start3A_817 = arith.constant 896 : i32
        %dma_start3A_818 = tpu.memref_slice %arg10[%dma_start3A_816, %dma_start3A_817] : memref<32x2048xf32, #tpu.memory_space<vmem>> -> memref<32x128xf32, #tpu.memory_space<vmem>>
        %dma_start3A_819 = arith.constant 0 : i32
        %dma_start3A_820 = tpu.memref_slice %arg4[%dma_start3A_819, %multiple_of3A_810] : memref<32x1000000xf32, #tpu.memory_space<hbm>> -> memref<32x128xf32, #tpu.memory_space<hbm>>
        tpu.enqueue_dma source(%dma_start3A_820 : memref<32x128xf32, #tpu.memory_space<hbm>>) target(%dma_start3A_818 : memref<32x128xf32, #tpu.memory_space<vmem>>) target_semaphore(%arg12 : memref<!tpu.dma_semaphore, #tpu.memory_space<semaphore_mem>>)
      } else {
      }
      %dma_wait3A_578 = arith.constant 0 : i32
      %dma_wait3A_579 = arith.constant 1024 : i32
      %dma_wait3A_580 = tpu.memref_slice %arg10[%dma_wait3A_578, %dma_wait3A_579] : memref<32x2048xf32, #tpu.memory_space<vmem>> -> memref<32x1024xf32, #tpu.memory_space<vmem>>
      %dma_wait3A_581 = arith.constant 0 : i32
      %dma_wait3A_582 = arith.constant 0 : i32
      %dma_wait3A_583 = tpu.memref_slice %arg4[%dma_wait3A_581, %dma_wait3A_582] : memref<32x1000000xf32, #tpu.memory_space<hbm>> -> memref<32x1024xf32, #tpu.memory_space<hbm>>
      %dma_wait3A_584 = arith.constant 0 : i32
      %dma_wait3A_585 = arith.constant 1024 : i32
      %dma_wait3A_586 = tpu.memref_slice %arg10[%dma_wait3A_584, %dma_wait3A_585] : memref<32x2048xf32, #tpu.memory_space<vmem>> -> memref<32x1024xf32, #tpu.memory_space<vmem>>
      %dma_wait3A_587 = arith.constant 0 : i32
      %dma_wait3A_588 = arith.constant 0 : i32
      %dma_wait3A_589 = tpu.memref_slice %arg4[%dma_wait3A_587, %dma_wait3A_588] : memref<32x1000000xf32, #tpu.memory_space<hbm>> -> memref<32x1024xf32, #tpu.memory_space<hbm>>
      tpu.wait_dma2 semaphore(%arg13 : memref<!tpu.dma_semaphore, #tpu.memory_space<semaphore_mem>>) src(%dma_wait3A_589 : memref<32x1024xf32, #tpu.memory_space<hbm>>) dst(%dma_wait3A_586 : memref<32x1024xf32, #tpu.memory_space<vmem>>)
      %add3A_590 = arith.constant 1 : i32
      %add3A_591 = arith.addi %mul3A_454, %add3A_590 : i32
      %mul3A_592 = arith.constant 8 : i32
      %mul3A_593 = arith.muli %add3A_591, %mul3A_592 : i32
      %get3A_594 = arith.index_cast %mul3A_593 : i32 to index
      %get3A_595 = tpu.vector_load %arg8[%get3A_594] {strides = array<i32>} : memref<528xi32, #tpu.memory_space<vmem>>, vector<16xi32>,
      %add3A_596 = arith.constant 1024 : i32
      %add3A_597 = vector.broadcast %add3A_596 : i32 to vector<16xi32>
      %add3A_598 = arith.addi %add3A_597, %mul3A_9 : vector<16xi32>
      %and3A_599 = arith.constant 127 : i32
      %and3A_600 = vector.broadcast %and3A_599 : i32 to vector<16xi32>
      %and3A_601 = arith.andi %get3A_595, %and3A_600 : vector<16xi32>
      %add3A_602 = arith.addi %add3A_598, %and3A_601 : vector<16xi32>
      %add3A_603 = vector.broadcast %mul3A_593 : i32 to vector<16xi32>
      %add3A_604 = arith.addi %add3A_603, %iota3A : vector<16xi32>
      %broadcast_in_dim3A_605 = arith.constant 0 : i32
      %broadcast_in_dim3A_606 = vector.broadcast %broadcast_in_dim3A_605 : i32 to vector<16xi32>
      %gather3A_607 = tpu.vector_load_idx %arg10[%broadcast_in_dim3A_606, %add3A_602] : memref<32x2048xf32, #tpu.memory_space<vmem>>[vector<16xi32>, vector<16xi32>], vector<16xf32>,
      tpu.vector_store_idx %arg11[%broadcast_in_dim3A_606, %add3A_604], %gather3A_607 masked %lt3A_4 : memref<32x512xf32, #tpu.memory_space<vmem>>[vector<16xi32>, vector<16xi32>], vector<16xf32>, vector<16xi1>
      %broadcast_in_dim3A_608 = arith.constant 1 : i32
      %broadcast_in_dim3A_609 = vector.broadcast %broadcast_in_dim3A_608 : i32 to vector<16xi32>
      %gather3A_610 = tpu.vector_load_idx %arg10[%broadcast_in_dim3A_609, %add3A_602] : memref<32x2048xf32, #tpu.memory_space<vmem>>[vector<16xi32>, vector<16xi32>], vector<16xf32>,
      tpu.vector_store_idx %arg11[%broadcast_in_dim3A_609, %add3A_604], %gather3A_610 masked %lt3A_4 : memref<32x512xf32, #tpu.memory_space<vmem>>[vector<16xi32>, vector<16xi32>], vector<16xf32>, vector<16xi1>
      %broadcast_in_dim3A_611 = arith.constant 2 : i32
      %broadcast_in_dim3A_612 = vector.broadcast %broadcast_in_dim3A_611 : i32 to vector<16xi32>
      %gather3A_613 = tpu.vector_load_idx %arg10[%broadcast_in_dim3A_612, %add3A_602] : memref<32x2048xf32, #tpu.memory_space<vmem>>[vector<16xi32>, vector<16xi32>], vector<16xf32>,
      tpu.vector_store_idx %arg11[%broadcast_in_dim3A_612, %add3A_604], %gather3A_613 masked %lt3A_4 : memref<32x512xf32, #tpu.memory_space<vmem>>[vector<16xi32>, vector<16xi32>], vector<16xf32>, vector<16xi1>
      %broadcast_in_dim3A_614 = arith.constant 3 : i32
      %broadcast_in_dim3A_615 = vector.broadcast %broadcast_in_dim3A_614 : i32 to vector<16xi32>
      %gather3A_616 = tpu.vector_load_idx %arg10[%broadcast_in_dim3A_615, %add3A_602] : memref<32x2048xf32, #tpu.memory_space<vmem>>[vector<16xi32>, vector<16xi32>], vector<16xf32>,
      tpu.vector_store_idx %arg11[%broadcast_in_dim3A_615, %add3A_604], %gather3A_616 masked %lt3A_4 : memref<32x512xf32, #tpu.memory_space<vmem>>[vector<16xi32>, vector<16xi32>], vector<16xf32>, vector<16xi1>
      %broadcast_in_dim3A_617 = arith.constant 4 : i32
      %broadcast_in_dim3A_618 = vector.broadcast %broadcast_in_dim3A_617 : i32 to vector<16xi32>
      %gather3A_619 = tpu.vector_load_idx %arg10[%broadcast_in_dim3A_618, %add3A_602] : memref<32x2048xf32, #tpu.memory_space<vmem>>[vector<16xi32>, vector<16xi32>], vector<16xf32>,
      tpu.vector_store_idx %arg11[%broadcast_in_dim3A_618, %add3A_604], %gather3A_619 masked %lt3A_4 : memref<32x512xf32, #tpu.memory_space<vmem>>[vector<16xi32>, vector<16xi32>], vector<16xf32>, vector<16xi1>
      %broadcast_in_dim3A_620 = arith.constant 5 : i32
      %broadcast_in_dim3A_621 = vector.broadcast %broadcast_in_dim3A_620 : i32 to vector<16xi32>
      %gather3A_622 = tpu.vector_load_idx %arg10[%broadcast_in_dim3A_621, %add3A_602] : memref<32x2048xf32, #tpu.memory_space<vmem>>[vector<16xi32>, vector<16xi32>], vector<16xf32>,
      tpu.vector_store_idx %arg11[%broadcast_in_dim3A_621, %add3A_604], %gather3A_622 masked %lt3A_4 : memref<32x512xf32, #tpu.memory_space<vmem>>[vector<16xi32>, vector<16xi32>], vector<16xf32>, vector<16xi1>
      %broadcast_in_dim3A_623 = arith.constant 6 : i32
      %broadcast_in_dim3A_624 = vector.broadcast %broadcast_in_dim3A_623 : i32 to vector<16xi32>
      %gather3A_625 = tpu.vector_load_idx %arg10[%broadcast_in_dim3A_624, %add3A_602] : memref<32x2048xf32, #tpu.memory_space<vmem>>[vector<16xi32>, vector<16xi32>], vector<16xf32>,
      tpu.vector_store_idx %arg11[%broadcast_in_dim3A_624, %add3A_604], %gather3A_625 masked %lt3A_4 : memref<32x512xf32, #tpu.memory_space<vmem>>[vector<16xi32>, vector<16xi32>], vector<16xf32>, vector<16xi1>
      %broadcast_in_dim3A_626 = arith.constant 7 : i32
      %broadcast_in_dim3A_627 = vector.broadcast %broadcast_in_dim3A_626 : i32 to vector<16xi32>
      %gather3A_628 = tpu.vector_load_idx %arg10[%broadcast_in_dim3A_627, %add3A_602] : memref<32x2048xf32, #tpu.memory_space<vmem>>[vector<16xi32>, vector<16xi32>], vector<16xf32>,
      tpu.vector_store_idx %arg11[%broadcast_in_dim3A_627, %add3A_604], %gather3A_628 masked %lt3A_4 : memref<32x512xf32, #tpu.memory_space<vmem>>[vector<16xi32>, vector<16xi32>], vector<16xf32>, vector<16xi1>
      %broadcast_in_dim3A_629 = arith.constant 8 : i32
      %broadcast_in_dim3A_630 = vector.broadcast %broadcast_in_dim3A_629 : i32 to vector<16xi32>
      %gather3A_631 = tpu.vector_load_idx %arg10[%broadcast_in_dim3A_630, %add3A_602] : memref<32x2048xf32, #tpu.memory_space<vmem>>[vector<16xi32>, vector<16xi32>], vector<16xf32>,
      tpu.vector_store_idx %arg11[%broadcast_in_dim3A_630, %add3A_604], %gather3A_631 masked %lt3A_4 : memref<32x512xf32, #tpu.memory_space<vmem>>[vector<16xi32>, vector<16xi32>], vector<16xf32>, vector<16xi1>
      %broadcast_in_dim3A_632 = arith.constant 9 : i32
      %broadcast_in_dim3A_633 = vector.broadcast %broadcast_in_dim3A_632 : i32 to vector<16xi32>
      %gather3A_634 = tpu.vector_load_idx %arg10[%broadcast_in_dim3A_633, %add3A_602] : memref<32x2048xf32, #tpu.memory_space<vmem>>[vector<16xi32>, vector<16xi32>], vector<16xf32>,
      tpu.vector_store_idx %arg11[%broadcast_in_dim3A_633, %add3A_604], %gather3A_634 masked %lt3A_4 : memref<32x512xf32, #tpu.memory_space<vmem>>[vector<16xi32>, vector<16xi32>], vector<16xf32>, vector<16xi1>
      %broadcast_in_dim3A_635 = arith.constant 10 : i32
      %broadcast_in_dim3A_636 = vector.broadcast %broadcast_in_dim3A_635 : i32 to vector<16xi32>
      %gather3A_637 = tpu.vector_load_idx %arg10[%broadcast_in_dim3A_636, %add3A_602] : memref<32x2048xf32, #tpu.memory_space<vmem>>[vector<16xi32>, vector<16xi32>], vector<16xf32>,
      tpu.vector_store_idx %arg11[%broadcast_in_dim3A_636, %add3A_604], %gather3A_637 masked %lt3A_4 : memref<32x512xf32, #tpu.memory_space<vmem>>[vector<16xi32>, vector<16xi32>], vector<16xf32>, vector<16xi1>
      %broadcast_in_dim3A_638 = arith.constant 11 : i32
      %broadcast_in_dim3A_639 = vector.broadcast %broadcast_in_dim3A_638 : i32 to vector<16xi32>
      %gather3A_640 = tpu.vector_load_idx %arg10[%broadcast_in_dim3A_639, %add3A_602] : memref<32x2048xf32, #tpu.memory_space<vmem>>[vector<16xi32>, vector<16xi32>], vector<16xf32>,
      tpu.vector_store_idx %arg11[%broadcast_in_dim3A_639, %add3A_604], %gather3A_640 masked %lt3A_4 : memref<32x512xf32, #tpu.memory_space<vmem>>[vector<16xi32>, vector<16xi32>], vector<16xf32>, vector<16xi1>
      %broadcast_in_dim3A_641 = arith.constant 12 : i32
      %broadcast_in_dim3A_642 = vector.broadcast %broadcast_in_dim3A_641 : i32 to vector<16xi32>
      %gather3A_643 = tpu.vector_load_idx %arg10[%broadcast_in_dim3A_642, %add3A_602] : memref<32x2048xf32, #tpu.memory_space<vmem>>[vector<16xi32>, vector<16xi32>], vector<16xf32>,
      tpu.vector_store_idx %arg11[%broadcast_in_dim3A_642, %add3A_604], %gather3A_643 masked %lt3A_4 : memref<32x512xf32, #tpu.memory_space<vmem>>[vector<16xi32>, vector<16xi32>], vector<16xf32>, vector<16xi1>
      %broadcast_in_dim3A_644 = arith.constant 13 : i32
      %broadcast_in_dim3A_645 = vector.broadcast %broadcast_in_dim3A_644 : i32 to vector<16xi32>
      %gather3A_646 = tpu.vector_load_idx %arg10[%broadcast_in_dim3A_645, %add3A_602] : memref<32x2048xf32, #tpu.memory_space<vmem>>[vector<16xi32>, vector<16xi32>], vector<16xf32>,
      tpu.vector_store_idx %arg11[%broadcast_in_dim3A_645, %add3A_604], %gather3A_646 masked %lt3A_4 : memref<32x512xf32, #tpu.memory_space<vmem>>[vector<16xi32>, vector<16xi32>], vector<16xf32>, vector<16xi1>
      %broadcast_in_dim3A_647 = arith.constant 14 : i32
      %broadcast_in_dim3A_648 = vector.broadcast %broadcast_in_dim3A_647 : i32 to vector<16xi32>
      %gather3A_649 = tpu.vector_load_idx %arg10[%broadcast_in_dim3A_648, %add3A_602] : memref<32x2048xf32, #tpu.memory_space<vmem>>[vector<16xi32>, vector<16xi32>], vector<16xf32>,
      tpu.vector_store_idx %arg11[%broadcast_in_dim3A_648, %add3A_604], %gather3A_649 masked %lt3A_4 : memref<32x512xf32, #tpu.memory_space<vmem>>[vector<16xi32>, vector<16xi32>], vector<16xf32>, vector<16xi1>
      %broadcast_in_dim3A_650 = arith.constant 15 : i32
      %broadcast_in_dim3A_651 = vector.broadcast %broadcast_in_dim3A_650 : i32 to vector<16xi32>
      %gather3A_652 = tpu.vector_load_idx %arg10[%broadcast_in_dim3A_651, %add3A_602] : memref<32x2048xf32, #tpu.memory_space<vmem>>[vector<16xi32>, vector<16xi32>], vector<16xf32>,
      tpu.vector_store_idx %arg11[%broadcast_in_dim3A_651, %add3A_604], %gather3A_652 masked %lt3A_4 : memref<32x512xf32, #tpu.memory_space<vmem>>[vector<16xi32>, vector<16xi32>], vector<16xf32>, vector<16xi1>
      %broadcast_in_dim3A_653 = arith.constant 16 : i32
      %broadcast_in_dim3A_654 = vector.broadcast %broadcast_in_dim3A_653 : i32 to vector<16xi32>
      %gather3A_655 = tpu.vector_load_idx %arg10[%broadcast_in_dim3A_654, %add3A_602] : memref<32x2048xf32, #tpu.memory_space<vmem>>[vector<16xi32>, vector<16xi32>], vector<16xf32>,
      tpu.vector_store_idx %arg11[%broadcast_in_dim3A_654, %add3A_604], %gather3A_655 masked %lt3A_4 : memref<32x512xf32, #tpu.memory_space<vmem>>[vector<16xi32>, vector<16xi32>], vector<16xf32>, vector<16xi1>
      %broadcast_in_dim3A_656 = arith.constant 17 : i32
      %broadcast_in_dim3A_657 = vector.broadcast %broadcast_in_dim3A_656 : i32 to vector<16xi32>
      %gather3A_658 = tpu.vector_load_idx %arg10[%broadcast_in_dim3A_657, %add3A_602] : memref<32x2048xf32, #tpu.memory_space<vmem>>[vector<16xi32>, vector<16xi32>], vector<16xf32>,
      tpu.vector_store_idx %arg11[%broadcast_in_dim3A_657, %add3A_604], %gather3A_658 masked %lt3A_4 : memref<32x512xf32, #tpu.memory_space<vmem>>[vector<16xi32>, vector<16xi32>], vector<16xf32>, vector<16xi1>
      %broadcast_in_dim3A_659 = arith.constant 18 : i32
      %broadcast_in_dim3A_660 = vector.broadcast %broadcast_in_dim3A_659 : i32 to vector<16xi32>
      %gather3A_661 = tpu.vector_load_idx %arg10[%broadcast_in_dim3A_660, %add3A_602] : memref<32x2048xf32, #tpu.memory_space<vmem>>[vector<16xi32>, vector<16xi32>], vector<16xf32>,
      tpu.vector_store_idx %arg11[%broadcast_in_dim3A_660, %add3A_604], %gather3A_661 masked %lt3A_4 : memref<32x512xf32, #tpu.memory_space<vmem>>[vector<16xi32>, vector<16xi32>], vector<16xf32>, vector<16xi1>
      %broadcast_in_dim3A_662 = arith.constant 19 : i32
      %broadcast_in_dim3A_663 = vector.broadcast %broadcast_in_dim3A_662 : i32 to vector<16xi32>
      %gather3A_664 = tpu.vector_load_idx %arg10[%broadcast_in_dim3A_663, %add3A_602] : memref<32x2048xf32, #tpu.memory_space<vmem>>[vector<16xi32>, vector<16xi32>], vector<16xf32>,
      tpu.vector_store_idx %arg11[%broadcast_in_dim3A_663, %add3A_604], %gather3A_664 masked %lt3A_4 : memref<32x512xf32, #tpu.memory_space<vmem>>[vector<16xi32>, vector<16xi32>], vector<16xf32>, vector<16xi1>
      %broadcast_in_dim3A_665 = arith.constant 20 : i32
      %broadcast_in_dim3A_666 = vector.broadcast %broadcast_in_dim3A_665 : i32 to vector<16xi32>
      %gather3A_667 = tpu.vector_load_idx %arg10[%broadcast_in_dim3A_666, %add3A_602] : memref<32x2048xf32, #tpu.memory_space<vmem>>[vector<16xi32>, vector<16xi32>], vector<16xf32>,
      tpu.vector_store_idx %arg11[%broadcast_in_dim3A_666, %add3A_604], %gather3A_667 masked %lt3A_4 : memref<32x512xf32, #tpu.memory_space<vmem>>[vector<16xi32>, vector<16xi32>], vector<16xf32>, vector<16xi1>
      %broadcast_in_dim3A_668 = arith.constant 21 : i32
      %broadcast_in_dim3A_669 = vector.broadcast %broadcast_in_dim3A_668 : i32 to vector<16xi32>
      %gather3A_670 = tpu.vector_load_idx %arg10[%broadcast_in_dim3A_669, %add3A_602] : memref<32x2048xf32, #tpu.memory_space<vmem>>[vector<16xi32>, vector<16xi32>], vector<16xf32>,
      tpu.vector_store_idx %arg11[%broadcast_in_dim3A_669, %add3A_604], %gather3A_670 masked %lt3A_4 : memref<32x512xf32, #tpu.memory_space<vmem>>[vector<16xi32>, vector<16xi32>], vector<16xf32>, vector<16xi1>
      %broadcast_in_dim3A_671 = arith.constant 22 : i32
      %broadcast_in_dim3A_672 = vector.broadcast %broadcast_in_dim3A_671 : i32 to vector<16xi32>
      %gather3A_673 = tpu.vector_load_idx %arg10[%broadcast_in_dim3A_672, %add3A_602] : memref<32x2048xf32, #tpu.memory_space<vmem>>[vector<16xi32>, vector<16xi32>], vector<16xf32>,
      tpu.vector_store_idx %arg11[%broadcast_in_dim3A_672, %add3A_604], %gather3A_673 masked %lt3A_4 : memref<32x512xf32, #tpu.memory_space<vmem>>[vector<16xi32>, vector<16xi32>], vector<16xf32>, vector<16xi1>
      %broadcast_in_dim3A_674 = arith.constant 23 : i32
      %broadcast_in_dim3A_675 = vector.broadcast %broadcast_in_dim3A_674 : i32 to vector<16xi32>
      %gather3A_676 = tpu.vector_load_idx %arg10[%broadcast_in_dim3A_675, %add3A_602] : memref<32x2048xf32, #tpu.memory_space<vmem>>[vector<16xi32>, vector<16xi32>], vector<16xf32>,
      tpu.vector_store_idx %arg11[%broadcast_in_dim3A_675, %add3A_604], %gather3A_676 masked %lt3A_4 : memref<32x512xf32, #tpu.memory_space<vmem>>[vector<16xi32>, vector<16xi32>], vector<16xf32>, vector<16xi1>
      %broadcast_in_dim3A_677 = arith.constant 24 : i32
      %broadcast_in_dim3A_678 = vector.broadcast %broadcast_in_dim3A_677 : i32 to vector<16xi32>
      %gather3A_679 = tpu.vector_load_idx %arg10[%broadcast_in_dim3A_678, %add3A_602] : memref<32x2048xf32, #tpu.memory_space<vmem>>[vector<16xi32>, vector<16xi32>], vector<16xf32>,
      tpu.vector_store_idx %arg11[%broadcast_in_dim3A_678, %add3A_604], %gather3A_679 masked %lt3A_4 : memref<32x512xf32, #tpu.memory_space<vmem>>[vector<16xi32>, vector<16xi32>], vector<16xf32>, vector<16xi1>
      %broadcast_in_dim3A_680 = arith.constant 25 : i32
      %broadcast_in_dim3A_681 = vector.broadcast %broadcast_in_dim3A_680 : i32 to vector<16xi32>
      %gather3A_682 = tpu.vector_load_idx %arg10[%broadcast_in_dim3A_681, %add3A_602] : memref<32x2048xf32, #tpu.memory_space<vmem>>[vector<16xi32>, vector<16xi32>], vector<16xf32>,
      tpu.vector_store_idx %arg11[%broadcast_in_dim3A_681, %add3A_604], %gather3A_682 masked %lt3A_4 : memref<32x512xf32, #tpu.memory_space<vmem>>[vector<16xi32>, vector<16xi32>], vector<16xf32>, vector<16xi1>
      %broadcast_in_dim3A_683 = arith.constant 26 : i32
      %broadcast_in_dim3A_684 = vector.broadcast %broadcast_in_dim3A_683 : i32 to vector<16xi32>
      %gather3A_685 = tpu.vector_load_idx %arg10[%broadcast_in_dim3A_684, %add3A_602] : memref<32x2048xf32, #tpu.memory_space<vmem>>[vector<16xi32>, vector<16xi32>], vector<16xf32>,
      tpu.vector_store_idx %arg11[%broadcast_in_dim3A_684, %add3A_604], %gather3A_685 masked %lt3A_4 : memref<32x512xf32, #tpu.memory_space<vmem>>[vector<16xi32>, vector<16xi32>], vector<16xf32>, vector<16xi1>
      %broadcast_in_dim3A_686 = arith.constant 27 : i32
      %broadcast_in_dim3A_687 = vector.broadcast %broadcast_in_dim3A_686 : i32 to vector<16xi32>
      %gather3A_688 = tpu.vector_load_idx %arg10[%broadcast_in_dim3A_687, %add3A_602] : memref<32x2048xf32, #tpu.memory_space<vmem>>[vector<16xi32>, vector<16xi32>], vector<16xf32>,
      tpu.vector_store_idx %arg11[%broadcast_in_dim3A_687, %add3A_604], %gather3A_688 masked %lt3A_4 : memref<32x512xf32, #tpu.memory_space<vmem>>[vector<16xi32>, vector<16xi32>], vector<16xf32>, vector<16xi1>
      %broadcast_in_dim3A_689 = arith.constant 28 : i32
      %broadcast_in_dim3A_690 = vector.broadcast %broadcast_in_dim3A_689 : i32 to vector<16xi32>
      %gather3A_691 = tpu.vector_load_idx %arg10[%broadcast_in_dim3A_690, %add3A_602] : memref<32x2048xf32, #tpu.memory_space<vmem>>[vector<16xi32>, vector<16xi32>], vector<16xf32>,
      tpu.vector_store_idx %arg11[%broadcast_in_dim3A_690, %add3A_604], %gather3A_691 masked %lt3A_4 : memref<32x512xf32, #tpu.memory_space<vmem>>[vector<16xi32>, vector<16xi32>], vector<16xf32>, vector<16xi1>
      %broadcast_in_dim3A_692 = arith.constant 29 : i32
      %broadcast_in_dim3A_693 = vector.broadcast %broadcast_in_dim3A_692 : i32 to vector<16xi32>
      %gather3A_694 = tpu.vector_load_idx %arg10[%broadcast_in_dim3A_693, %add3A_602] : memref<32x2048xf32, #tpu.memory_space<vmem>>[vector<16xi32>, vector<16xi32>], vector<16xf32>,
      tpu.vector_store_idx %arg11[%broadcast_in_dim3A_693, %add3A_604], %gather3A_694 masked %lt3A_4 : memref<32x512xf32, #tpu.memory_space<vmem>>[vector<16xi32>, vector<16xi32>], vector<16xf32>, vector<16xi1>
      %broadcast_in_dim3A_695 = arith.constant 30 : i32
      %broadcast_in_dim3A_696 = vector.broadcast %broadcast_in_dim3A_695 : i32 to vector<16xi32>
      %gather3A_697 = tpu.vector_load_idx %arg10[%broadcast_in_dim3A_696, %add3A_602] : memref<32x2048xf32, #tpu.memory_space<vmem>>[vector<16xi32>, vector<16xi32>], vector<16xf32>,
      tpu.vector_store_idx %arg11[%broadcast_in_dim3A_696, %add3A_604], %gather3A_697 masked %lt3A_4 : memref<32x512xf32, #tpu.memory_space<vmem>>[vector<16xi32>, vector<16xi32>], vector<16xf32>, vector<16xi1>
      %broadcast_in_dim3A_698 = arith.constant 31 : i32
      %broadcast_in_dim3A_699 = vector.broadcast %broadcast_in_dim3A_698 : i32 to vector<16xi32>
      %gather3A_700 = tpu.vector_load_idx %arg10[%broadcast_in_dim3A_699, %add3A_602] : memref<32x2048xf32, #tpu.memory_space<vmem>>[vector<16xi32>, vector<16xi32>], vector<16xf32>,
      tpu.vector_store_idx %arg11[%broadcast_in_dim3A_699, %add3A_604], %gather3A_700 masked %lt3A_4 : memref<32x512xf32, #tpu.memory_space<vmem>>[vector<16xi32>, vector<16xi32>], vector<16xf32>, vector<16xi1>
      %add3A_701 = arith.constant 3 : i32
      %add3A_702 = arith.addi %mul3A_454, %add3A_701 : i32
      %lt3A_703 = arith.constant 64 : i32
      %lt3A_704 = arith.cmpi slt, %add3A_702, %lt3A_703 : i32
      %convert_element_type3A_705 = arith.extui %lt3A_704 : i1 to i32
      %cond3A_706 = arith.constant 0 : i32
      %cond3A_707 = arith.cmpi ne, %convert_element_type3A_705, %cond3A_706 : i32
      scf.if %cond3A_707 {
        %add3A_708 = arith.constant 3 : i32
        %add3A_709 = arith.addi %mul3A_454, %add3A_708 : i32
        %mul3A_710 = arith.constant 8 : i32
        %mul3A_711 = arith.muli %add3A_709, %mul3A_710 : i32
        %get3A_712 = arith.index_cast %mul3A_711 : i32 to index
        %get3A_713 = tpu.vector_load %arg8[%get3A_712] {strides = array<i32>} : memref<528xi32, #tpu.memory_space<vmem>>, vector<16xi32>,
        %and3A_714 = arith.constant -128 : i32
        %and3A_715 = vector.broadcast %and3A_714 : i32 to vector<16xi32>
        %and3A_716 = arith.andi %get3A_713, %and3A_715 : vector<16xi32>
        %slice3A_717 = vector.extract_strided_slice %and3A_716 {offsets = [0], sizes = [1], strides = [1]} : vector<16xi32> to vector<1xi32>
        %squeeze3A_718 = vector.extract %slice3A_717[0] : i32 from vector<1xi32>
        %multiple_of3A_719 = tpu.assume_multiple %squeeze3A_718, 128 : i32
        %dma_start3A_720 = arith.constant 0 : i32
        %dma_start3A_721 = arith.constant 1024 : i32
        %dma_start3A_722 = tpu.memref_slice %arg10[%dma_start3A_720, %dma_start3A_721] : memref<32x2048xf32, #tpu.memory_space<vmem>> -> memref<32x128xf32, #tpu.memory_space<vmem>>
        %dma_start3A_723 = arith.constant 0 : i32
        %dma_start3A_724 = tpu.memref_slice %arg4[%dma_start3A_723, %multiple_of3A_719] : memref<32x1000000xf32, #tpu.memory_space<hbm>> -> memref<32x128xf32, #tpu.memory_space<hbm>>
        %dma_start3A_725 = arith.constant 0 : i32
        %dma_start3A_726 = arith.constant 1024 : i32
        %dma_start3A_727 = tpu.memref_slice %arg10[%dma_start3A_725, %dma_start3A_726] : memref<32x2048xf32, #tpu.memory_space<vmem>> -> memref<32x128xf32, #tpu.memory_space<vmem>>
        %dma_start3A_728 = arith.constant 0 : i32
        %dma_start3A_729 = tpu.memref_slice %arg4[%dma_start3A_728, %multiple_of3A_719] : memref<32x1000000xf32, #tpu.memory_space<hbm>> -> memref<32x128xf32, #tpu.memory_space<hbm>>
        tpu.enqueue_dma source(%dma_start3A_729 : memref<32x128xf32, #tpu.memory_space<hbm>>) target(%dma_start3A_727 : memref<32x128xf32, #tpu.memory_space<vmem>>) target_semaphore(%arg13 : memref<!tpu.dma_semaphore, #tpu.memory_space<semaphore_mem>>)
        %slice3A_730 = vector.extract_strided_slice %and3A_716 {offsets = [1], sizes = [1], strides = [1]} : vector<16xi32> to vector<1xi32>
        %squeeze3A_731 = vector.extract %slice3A_730[0] : i32 from vector<1xi32>
        %multiple_of3A_732 = tpu.assume_multiple %squeeze3A_731, 128 : i32
        %dma_start3A_733 = arith.constant 0 : i32
        %dma_start3A_734 = arith.constant 1152 : i32
        %dma_start3A_735 = tpu.memref_slice %arg10[%dma_start3A_733, %dma_start3A_734] : memref<32x2048xf32, #tpu.memory_space<vmem>> -> memref<32x128xf32, #tpu.memory_space<vmem>>
        %dma_start3A_736 = arith.constant 0 : i32
        %dma_start3A_737 = tpu.memref_slice %arg4[%dma_start3A_736, %multiple_of3A_732] : memref<32x1000000xf32, #tpu.memory_space<hbm>> -> memref<32x128xf32, #tpu.memory_space<hbm>>
        %dma_start3A_738 = arith.constant 0 : i32
        %dma_start3A_739 = arith.constant 1152 : i32
        %dma_start3A_740 = tpu.memref_slice %arg10[%dma_start3A_738, %dma_start3A_739] : memref<32x2048xf32, #tpu.memory_space<vmem>> -> memref<32x128xf32, #tpu.memory_space<vmem>>
        %dma_start3A_741 = arith.constant 0 : i32
        %dma_start3A_742 = tpu.memref_slice %arg4[%dma_start3A_741, %multiple_of3A_732] : memref<32x1000000xf32, #tpu.memory_space<hbm>> -> memref<32x128xf32, #tpu.memory_space<hbm>>
        tpu.enqueue_dma source(%dma_start3A_742 : memref<32x128xf32, #tpu.memory_space<hbm>>) target(%dma_start3A_740 : memref<32x128xf32, #tpu.memory_space<vmem>>) target_semaphore(%arg13 : memref<!tpu.dma_semaphore, #tpu.memory_space<semaphore_mem>>)
        %slice3A_743 = vector.extract_strided_slice %and3A_716 {offsets = [2], sizes = [1], strides = [1]} : vector<16xi32> to vector<1xi32>
        %squeeze3A_744 = vector.extract %slice3A_743[0] : i32 from vector<1xi32>
        %multiple_of3A_745 = tpu.assume_multiple %squeeze3A_744, 128 : i32
        %dma_start3A_746 = arith.constant 0 : i32
        %dma_start3A_747 = arith.constant 1280 : i32
        %dma_start3A_748 = tpu.memref_slice %arg10[%dma_start3A_746, %dma_start3A_747] : memref<32x2048xf32, #tpu.memory_space<vmem>> -> memref<32x128xf32, #tpu.memory_space<vmem>>
        %dma_start3A_749 = arith.constant 0 : i32
        %dma_start3A_750 = tpu.memref_slice %arg4[%dma_start3A_749, %multiple_of3A_745] : memref<32x1000000xf32, #tpu.memory_space<hbm>> -> memref<32x128xf32, #tpu.memory_space<hbm>>
        %dma_start3A_751 = arith.constant 0 : i32
        %dma_start3A_752 = arith.constant 1280 : i32
        %dma_start3A_753 = tpu.memref_slice %arg10[%dma_start3A_751, %dma_start3A_752] : memref<32x2048xf32, #tpu.memory_space<vmem>> -> memref<32x128xf32, #tpu.memory_space<vmem>>
        %dma_start3A_754 = arith.constant 0 : i32
        %dma_start3A_755 = tpu.memref_slice %arg4[%dma_start3A_754, %multiple_of3A_745] : memref<32x1000000xf32, #tpu.memory_space<hbm>> -> memref<32x128xf32, #tpu.memory_space<hbm>>
        tpu.enqueue_dma source(%dma_start3A_755 : memref<32x128xf32, #tpu.memory_space<hbm>>) target(%dma_start3A_753 : memref<32x128xf32, #tpu.memory_space<vmem>>) target_semaphore(%arg13 : memref<!tpu.dma_semaphore, #tpu.memory_space<semaphore_mem>>)
        %slice3A_756 = vector.extract_strided_slice %and3A_716 {offsets = [3], sizes = [1], strides = [1]} : vector<16xi32> to vector<1xi32>
        %squeeze3A_757 = vector.extract %slice3A_756[0] : i32 from vector<1xi32>
        %multiple_of3A_758 = tpu.assume_multiple %squeeze3A_757, 128 : i32
        %dma_start3A_759 = arith.constant 0 : i32
        %dma_start3A_760 = arith.constant 1408 : i32
        %dma_start3A_761 = tpu.memref_slice %arg10[%dma_start3A_759, %dma_start3A_760] : memref<32x2048xf32, #tpu.memory_space<vmem>> -> memref<32x128xf32, #tpu.memory_space<vmem>>
        %dma_start3A_762 = arith.constant 0 : i32
        %dma_start3A_763 = tpu.memref_slice %arg4[%dma_start3A_762, %multiple_of3A_758] : memref<32x1000000xf32, #tpu.memory_space<hbm>> -> memref<32x128xf32, #tpu.memory_space<hbm>>
        %dma_start3A_764 = arith.constant 0 : i32
        %dma_start3A_765 = arith.constant 1408 : i32
        %dma_start3A_766 = tpu.memref_slice %arg10[%dma_start3A_764, %dma_start3A_765] : memref<32x2048xf32, #tpu.memory_space<vmem>> -> memref<32x128xf32, #tpu.memory_space<vmem>>
        %dma_start3A_767 = arith.constant 0 : i32
        %dma_start3A_768 = tpu.memref_slice %arg4[%dma_start3A_767, %multiple_of3A_758] : memref<32x1000000xf32, #tpu.memory_space<hbm>> -> memref<32x128xf32, #tpu.memory_space<hbm>>
        tpu.enqueue_dma source(%dma_start3A_768 : memref<32x128xf32, #tpu.memory_space<hbm>>) target(%dma_start3A_766 : memref<32x128xf32, #tpu.memory_space<vmem>>) target_semaphore(%arg13 : memref<!tpu.dma_semaphore, #tpu.memory_space<semaphore_mem>>)
        %slice3A_769 = vector.extract_strided_slice %and3A_716 {offsets = [4], sizes = [1], strides = [1]} : vector<16xi32> to vector<1xi32>
        %squeeze3A_770 = vector.extract %slice3A_769[0] : i32 from vector<1xi32>
        %multiple_of3A_771 = tpu.assume_multiple %squeeze3A_770, 128 : i32
        %dma_start3A_772 = arith.constant 0 : i32
        %dma_start3A_773 = arith.constant 1536 : i32
        %dma_start3A_774 = tpu.memref_slice %arg10[%dma_start3A_772, %dma_start3A_773] : memref<32x2048xf32, #tpu.memory_space<vmem>> -> memref<32x128xf32, #tpu.memory_space<vmem>>
        %dma_start3A_775 = arith.constant 0 : i32
        %dma_start3A_776 = tpu.memref_slice %arg4[%dma_start3A_775, %multiple_of3A_771] : memref<32x1000000xf32, #tpu.memory_space<hbm>> -> memref<32x128xf32, #tpu.memory_space<hbm>>
        %dma_start3A_777 = arith.constant 0 : i32
        %dma_start3A_778 = arith.constant 1536 : i32
        %dma_start3A_779 = tpu.memref_slice %arg10[%dma_start3A_777, %dma_start3A_778] : memref<32x2048xf32, #tpu.memory_space<vmem>> -> memref<32x128xf32, #tpu.memory_space<vmem>>
        %dma_start3A_780 = arith.constant 0 : i32
        %dma_start3A_781 = tpu.memref_slice %arg4[%dma_start3A_780, %multiple_of3A_771] : memref<32x1000000xf32, #tpu.memory_space<hbm>> -> memref<32x128xf32, #tpu.memory_space<hbm>>
        tpu.enqueue_dma source(%dma_start3A_781 : memref<32x128xf32, #tpu.memory_space<hbm>>) target(%dma_start3A_779 : memref<32x128xf32, #tpu.memory_space<vmem>>) target_semaphore(%arg13 : memref<!tpu.dma_semaphore, #tpu.memory_space<semaphore_mem>>)
        %slice3A_782 = vector.extract_strided_slice %and3A_716 {offsets = [5], sizes = [1], strides = [1]} : vector<16xi32> to vector<1xi32>
        %squeeze3A_783 = vector.extract %slice3A_782[0] : i32 from vector<1xi32>
        %multiple_of3A_784 = tpu.assume_multiple %squeeze3A_783, 128 : i32
        %dma_start3A_785 = arith.constant 0 : i32
        %dma_start3A_786 = arith.constant 1664 : i32
        %dma_start3A_787 = tpu.memref_slice %arg10[%dma_start3A_785, %dma_start3A_786] : memref<32x2048xf32, #tpu.memory_space<vmem>> -> memref<32x128xf32, #tpu.memory_space<vmem>>
        %dma_start3A_788 = arith.constant 0 : i32
        %dma_start3A_789 = tpu.memref_slice %arg4[%dma_start3A_788, %multiple_of3A_784] : memref<32x1000000xf32, #tpu.memory_space<hbm>> -> memref<32x128xf32, #tpu.memory_space<hbm>>
        %dma_start3A_790 = arith.constant 0 : i32
        %dma_start3A_791 = arith.constant 1664 : i32
        %dma_start3A_792 = tpu.memref_slice %arg10[%dma_start3A_790, %dma_start3A_791] : memref<32x2048xf32, #tpu.memory_space<vmem>> -> memref<32x128xf32, #tpu.memory_space<vmem>>
        %dma_start3A_793 = arith.constant 0 : i32
        %dma_start3A_794 = tpu.memref_slice %arg4[%dma_start3A_793, %multiple_of3A_784] : memref<32x1000000xf32, #tpu.memory_space<hbm>> -> memref<32x128xf32, #tpu.memory_space<hbm>>
        tpu.enqueue_dma source(%dma_start3A_794 : memref<32x128xf32, #tpu.memory_space<hbm>>) target(%dma_start3A_792 : memref<32x128xf32, #tpu.memory_space<vmem>>) target_semaphore(%arg13 : memref<!tpu.dma_semaphore, #tpu.memory_space<semaphore_mem>>)
        %slice3A_795 = vector.extract_strided_slice %and3A_716 {offsets = [6], sizes = [1], strides = [1]} : vector<16xi32> to vector<1xi32>
        %squeeze3A_796 = vector.extract %slice3A_795[0] : i32 from vector<1xi32>
        %multiple_of3A_797 = tpu.assume_multiple %squeeze3A_796, 128 : i32
        %dma_start3A_798 = arith.constant 0 : i32
        %dma_start3A_799 = arith.constant 1792 : i32
        %dma_start3A_800 = tpu.memref_slice %arg10[%dma_start3A_798, %dma_start3A_799] : memref<32x2048xf32, #tpu.memory_space<vmem>> -> memref<32x128xf32, #tpu.memory_space<vmem>>
        %dma_start3A_801 = arith.constant 0 : i32
        %dma_start3A_802 = tpu.memref_slice %arg4[%dma_start3A_801, %multiple_of3A_797] : memref<32x1000000xf32, #tpu.memory_space<hbm>> -> memref<32x128xf32, #tpu.memory_space<hbm>>
        %dma_start3A_803 = arith.constant 0 : i32
        %dma_start3A_804 = arith.constant 1792 : i32
        %dma_start3A_805 = tpu.memref_slice %arg10[%dma_start3A_803, %dma_start3A_804] : memref<32x2048xf32, #tpu.memory_space<vmem>> -> memref<32x128xf32, #tpu.memory_space<vmem>>
        %dma_start3A_806 = arith.constant 0 : i32
        %dma_start3A_807 = tpu.memref_slice %arg4[%dma_start3A_806, %multiple_of3A_797] : memref<32x1000000xf32, #tpu.memory_space<hbm>> -> memref<32x128xf32, #tpu.memory_space<hbm>>
        tpu.enqueue_dma source(%dma_start3A_807 : memref<32x128xf32, #tpu.memory_space<hbm>>) target(%dma_start3A_805 : memref<32x128xf32, #tpu.memory_space<vmem>>) target_semaphore(%arg13 : memref<!tpu.dma_semaphore, #tpu.memory_space<semaphore_mem>>)
        %slice3A_808 = vector.extract_strided_slice %and3A_716 {offsets = [7], sizes = [1], strides = [1]} : vector<16xi32> to vector<1xi32>
        %squeeze3A_809 = vector.extract %slice3A_808[0] : i32 from vector<1xi32>
        %multiple_of3A_810 = tpu.assume_multiple %squeeze3A_809, 128 : i32
        %dma_start3A_811 = arith.constant 0 : i32
        %dma_start3A_812 = arith.constant 1920 : i32
        %dma_start3A_813 = tpu.memref_slice %arg10[%dma_start3A_811, %dma_start3A_812] : memref<32x2048xf32, #tpu.memory_space<vmem>> -> memref<32x128xf32, #tpu.memory_space<vmem>>
        %dma_start3A_814 = arith.constant 0 : i32
        %dma_start3A_815 = tpu.memref_slice %arg4[%dma_start3A_814, %multiple_of3A_810] : memref<32x1000000xf32, #tpu.memory_space<hbm>> -> memref<32x128xf32, #tpu.memory_space<hbm>>
        %dma_start3A_816 = arith.constant 0 : i32
        %dma_start3A_817 = arith.constant 1920 : i32
        %dma_start3A_818 = tpu.memref_slice %arg10[%dma_start3A_816, %dma_start3A_817] : memref<32x2048xf32, #tpu.memory_space<vmem>> -> memref<32x128xf32, #tpu.memory_space<vmem>>
        %dma_start3A_819 = arith.constant 0 : i32
        %dma_start3A_820 = tpu.memref_slice %arg4[%dma_start3A_819, %multiple_of3A_810] : memref<32x1000000xf32, #tpu.memory_space<hbm>> -> memref<32x128xf32, #tpu.memory_space<hbm>>
        tpu.enqueue_dma source(%dma_start3A_820 : memref<32x128xf32, #tpu.memory_space<hbm>>) target(%dma_start3A_818 : memref<32x128xf32, #tpu.memory_space<vmem>>) target_semaphore(%arg13 : memref<!tpu.dma_semaphore, #tpu.memory_space<semaphore_mem>>)
      } else {
      }
    }
    %scan3A_227 = arith.constant 32 : i32
    "tpu.region"() ({
      %run_scoped3A = tpu.sem_alloc : memref<!tpu.dma_semaphore, #tpu.memory_space<semaphore_mem>>
      %dma_start3A_452 = arith.constant 0 : i32
      %dma_start3A_453 = tpu.memref_slice %arg6[%dma_start3A_452, %mul3A_2] : memref<32x16384xf32, #tpu.memory_space<hbm>> -> memref<32x512xf32, #tpu.memory_space<hbm>>
      %dma_start3A_454 = arith.constant 0 : i32
      %dma_start3A_455 = tpu.memref_slice %arg6[%dma_start3A_454, %mul3A_2] : memref<32x16384xf32, #tpu.memory_space<hbm>> -> memref<32x512xf32, #tpu.memory_space<hbm>>
      tpu.enqueue_dma source(%arg11 : memref<32x512xf32, #tpu.memory_space<vmem>>) target(%dma_start3A_455 : memref<32x512xf32, #tpu.memory_space<hbm>>) target_semaphore(%run_scoped3A : memref<!tpu.dma_semaphore, #tpu.memory_space<semaphore_mem>>)
      %dma_wait3A = arith.constant 0 : i32
      %dma_wait3A_456 = tpu.memref_slice %arg6[%dma_wait3A, %mul3A_2] : memref<32x16384xf32, #tpu.memory_space<hbm>> -> memref<32x512xf32, #tpu.memory_space<hbm>>
      %dma_wait3A_457 = arith.constant 0 : i32
      %dma_wait3A_458 = tpu.memref_slice %arg6[%dma_wait3A_457, %mul3A_2] : memref<32x16384xf32, #tpu.memory_space<hbm>> -> memref<32x512xf32, #tpu.memory_space<hbm>>
      tpu.wait_dma2 semaphore(%run_scoped3A : memref<!tpu.dma_semaphore, #tpu.memory_space<semaphore_mem>>) src(%arg11 : memref<32x512xf32, #tpu.memory_space<vmem>>) dst(%dma_wait3A_458 : memref<32x512xf32, #tpu.memory_space<hbm>>)
      tpu.yield
    }) : () -> ()
    %get3A_228 = arith.constant 0 : index
    %get3A_229 = tpu.vector_load %arg9[%get3A_228] {strides = array<i32>} : memref<528xi32, #tpu.memory_space<vmem>>, vector<16xi32>,
    %and3A_230 = arith.constant -128 : i32
    %and3A_231 = vector.broadcast %and3A_230 : i32 to vector<16xi32>
    %and3A_232 = arith.andi %get3A_229, %and3A_231 : vector<16xi32>
    %slice3A_233 = vector.extract_strided_slice %and3A_232 {offsets = [0], sizes = [1], strides = [1]} : vector<16xi32> to vector<1xi32>
    %squeeze3A_234 = vector.extract %slice3A_233[0] : i32 from vector<1xi32>
    %multiple_of3A_235 = tpu.assume_multiple %squeeze3A_234, 128 : i32
    %dma_start3A_236 = arith.constant 0 : i32
    %dma_start3A_237 = arith.constant 0 : i32
    %dma_start3A_238 = tpu.memref_slice %arg10[%dma_start3A_236, %dma_start3A_237] : memref<32x2048xf32, #tpu.memory_space<vmem>> -> memref<32x128xf32, #tpu.memory_space<vmem>>
    %dma_start3A_239 = arith.constant 0 : i32
    %dma_start3A_240 = tpu.memref_slice %arg5[%dma_start3A_239, %multiple_of3A_235] : memref<32x1000000xf32, #tpu.memory_space<hbm>> -> memref<32x128xf32, #tpu.memory_space<hbm>>
    %dma_start3A_241 = arith.constant 0 : i32
    %dma_start3A_242 = arith.constant 0 : i32
    %dma_start3A_243 = tpu.memref_slice %arg10[%dma_start3A_241, %dma_start3A_242] : memref<32x2048xf32, #tpu.memory_space<vmem>> -> memref<32x128xf32, #tpu.memory_space<vmem>>
    %dma_start3A_244 = arith.constant 0 : i32
    %dma_start3A_245 = tpu.memref_slice %arg5[%dma_start3A_244, %multiple_of3A_235] : memref<32x1000000xf32, #tpu.memory_space<hbm>> -> memref<32x128xf32, #tpu.memory_space<hbm>>
    tpu.enqueue_dma source(%dma_start3A_245 : memref<32x128xf32, #tpu.memory_space<hbm>>) target(%dma_start3A_243 : memref<32x128xf32, #tpu.memory_space<vmem>>) target_semaphore(%arg12 : memref<!tpu.dma_semaphore, #tpu.memory_space<semaphore_mem>>)
    %slice3A_246 = vector.extract_strided_slice %and3A_232 {offsets = [1], sizes = [1], strides = [1]} : vector<16xi32> to vector<1xi32>
    %squeeze3A_247 = vector.extract %slice3A_246[0] : i32 from vector<1xi32>
    %multiple_of3A_248 = tpu.assume_multiple %squeeze3A_247, 128 : i32
    %dma_start3A_249 = arith.constant 0 : i32
    %dma_start3A_250 = arith.constant 128 : i32
    %dma_start3A_251 = tpu.memref_slice %arg10[%dma_start3A_249, %dma_start3A_250] : memref<32x2048xf32, #tpu.memory_space<vmem>> -> memref<32x128xf32, #tpu.memory_space<vmem>>
    %dma_start3A_252 = arith.constant 0 : i32
    %dma_start3A_253 = tpu.memref_slice %arg5[%dma_start3A_252, %multiple_of3A_248] : memref<32x1000000xf32, #tpu.memory_space<hbm>> -> memref<32x128xf32, #tpu.memory_space<hbm>>
    %dma_start3A_254 = arith.constant 0 : i32
    %dma_start3A_255 = arith.constant 128 : i32
    %dma_start3A_256 = tpu.memref_slice %arg10[%dma_start3A_254, %dma_start3A_255] : memref<32x2048xf32, #tpu.memory_space<vmem>> -> memref<32x128xf32, #tpu.memory_space<vmem>>
    %dma_start3A_257 = arith.constant 0 : i32
    %dma_start3A_258 = tpu.memref_slice %arg5[%dma_start3A_257, %multiple_of3A_248] : memref<32x1000000xf32, #tpu.memory_space<hbm>> -> memref<32x128xf32, #tpu.memory_space<hbm>>
    tpu.enqueue_dma source(%dma_start3A_258 : memref<32x128xf32, #tpu.memory_space<hbm>>) target(%dma_start3A_256 : memref<32x128xf32, #tpu.memory_space<vmem>>) target_semaphore(%arg12 : memref<!tpu.dma_semaphore, #tpu.memory_space<semaphore_mem>>)
    %slice3A_259 = vector.extract_strided_slice %and3A_232 {offsets = [2], sizes = [1], strides = [1]} : vector<16xi32> to vector<1xi32>
    %squeeze3A_260 = vector.extract %slice3A_259[0] : i32 from vector<1xi32>
    %multiple_of3A_261 = tpu.assume_multiple %squeeze3A_260, 128 : i32
    %dma_start3A_262 = arith.constant 0 : i32
    %dma_start3A_263 = arith.constant 256 : i32
    %dma_start3A_264 = tpu.memref_slice %arg10[%dma_start3A_262, %dma_start3A_263] : memref<32x2048xf32, #tpu.memory_space<vmem>> -> memref<32x128xf32, #tpu.memory_space<vmem>>
    %dma_start3A_265 = arith.constant 0 : i32
    %dma_start3A_266 = tpu.memref_slice %arg5[%dma_start3A_265, %multiple_of3A_261] : memref<32x1000000xf32, #tpu.memory_space<hbm>> -> memref<32x128xf32, #tpu.memory_space<hbm>>
    %dma_start3A_267 = arith.constant 0 : i32
    %dma_start3A_268 = arith.constant 256 : i32
    %dma_start3A_269 = tpu.memref_slice %arg10[%dma_start3A_267, %dma_start3A_268] : memref<32x2048xf32, #tpu.memory_space<vmem>> -> memref<32x128xf32, #tpu.memory_space<vmem>>
    %dma_start3A_270 = arith.constant 0 : i32
    %dma_start3A_271 = tpu.memref_slice %arg5[%dma_start3A_270, %multiple_of3A_261] : memref<32x1000000xf32, #tpu.memory_space<hbm>> -> memref<32x128xf32, #tpu.memory_space<hbm>>
    tpu.enqueue_dma source(%dma_start3A_271 : memref<32x128xf32, #tpu.memory_space<hbm>>) target(%dma_start3A_269 : memref<32x128xf32, #tpu.memory_space<vmem>>) target_semaphore(%arg12 : memref<!tpu.dma_semaphore, #tpu.memory_space<semaphore_mem>>)
    %slice3A_272 = vector.extract_strided_slice %and3A_232 {offsets = [3], sizes = [1], strides = [1]} : vector<16xi32> to vector<1xi32>
    %squeeze3A_273 = vector.extract %slice3A_272[0] : i32 from vector<1xi32>
    %multiple_of3A_274 = tpu.assume_multiple %squeeze3A_273, 128 : i32
    %dma_start3A_275 = arith.constant 0 : i32
    %dma_start3A_276 = arith.constant 384 : i32
    %dma_start3A_277 = tpu.memref_slice %arg10[%dma_start3A_275, %dma_start3A_276] : memref<32x2048xf32, #tpu.memory_space<vmem>> -> memref<32x128xf32, #tpu.memory_space<vmem>>
    %dma_start3A_278 = arith.constant 0 : i32
    %dma_start3A_279 = tpu.memref_slice %arg5[%dma_start3A_278, %multiple_of3A_274] : memref<32x1000000xf32, #tpu.memory_space<hbm>> -> memref<32x128xf32, #tpu.memory_space<hbm>>
    %dma_start3A_280 = arith.constant 0 : i32
    %dma_start3A_281 = arith.constant 384 : i32
    %dma_start3A_282 = tpu.memref_slice %arg10[%dma_start3A_280, %dma_start3A_281] : memref<32x2048xf32, #tpu.memory_space<vmem>> -> memref<32x128xf32, #tpu.memory_space<vmem>>
    %dma_start3A_283 = arith.constant 0 : i32
    %dma_start3A_284 = tpu.memref_slice %arg5[%dma_start3A_283, %multiple_of3A_274] : memref<32x1000000xf32, #tpu.memory_space<hbm>> -> memref<32x128xf32, #tpu.memory_space<hbm>>
    tpu.enqueue_dma source(%dma_start3A_284 : memref<32x128xf32, #tpu.memory_space<hbm>>) target(%dma_start3A_282 : memref<32x128xf32, #tpu.memory_space<vmem>>) target_semaphore(%arg12 : memref<!tpu.dma_semaphore, #tpu.memory_space<semaphore_mem>>)
    %slice3A_285 = vector.extract_strided_slice %and3A_232 {offsets = [4], sizes = [1], strides = [1]} : vector<16xi32> to vector<1xi32>
    %squeeze3A_286 = vector.extract %slice3A_285[0] : i32 from vector<1xi32>
    %multiple_of3A_287 = tpu.assume_multiple %squeeze3A_286, 128 : i32
    %dma_start3A_288 = arith.constant 0 : i32
    %dma_start3A_289 = arith.constant 512 : i32
    %dma_start3A_290 = tpu.memref_slice %arg10[%dma_start3A_288, %dma_start3A_289] : memref<32x2048xf32, #tpu.memory_space<vmem>> -> memref<32x128xf32, #tpu.memory_space<vmem>>
    %dma_start3A_291 = arith.constant 0 : i32
    %dma_start3A_292 = tpu.memref_slice %arg5[%dma_start3A_291, %multiple_of3A_287] : memref<32x1000000xf32, #tpu.memory_space<hbm>> -> memref<32x128xf32, #tpu.memory_space<hbm>>
    %dma_start3A_293 = arith.constant 0 : i32
    %dma_start3A_294 = arith.constant 512 : i32
    %dma_start3A_295 = tpu.memref_slice %arg10[%dma_start3A_293, %dma_start3A_294] : memref<32x2048xf32, #tpu.memory_space<vmem>> -> memref<32x128xf32, #tpu.memory_space<vmem>>
    %dma_start3A_296 = arith.constant 0 : i32
    %dma_start3A_297 = tpu.memref_slice %arg5[%dma_start3A_296, %multiple_of3A_287] : memref<32x1000000xf32, #tpu.memory_space<hbm>> -> memref<32x128xf32, #tpu.memory_space<hbm>>
    tpu.enqueue_dma source(%dma_start3A_297 : memref<32x128xf32, #tpu.memory_space<hbm>>) target(%dma_start3A_295 : memref<32x128xf32, #tpu.memory_space<vmem>>) target_semaphore(%arg12 : memref<!tpu.dma_semaphore, #tpu.memory_space<semaphore_mem>>)
    %slice3A_298 = vector.extract_strided_slice %and3A_232 {offsets = [5], sizes = [1], strides = [1]} : vector<16xi32> to vector<1xi32>
    %squeeze3A_299 = vector.extract %slice3A_298[0] : i32 from vector<1xi32>
    %multiple_of3A_300 = tpu.assume_multiple %squeeze3A_299, 128 : i32
    %dma_start3A_301 = arith.constant 0 : i32
    %dma_start3A_302 = arith.constant 640 : i32
    %dma_start3A_303 = tpu.memref_slice %arg10[%dma_start3A_301, %dma_start3A_302] : memref<32x2048xf32, #tpu.memory_space<vmem>> -> memref<32x128xf32, #tpu.memory_space<vmem>>
    %dma_start3A_304 = arith.constant 0 : i32
    %dma_start3A_305 = tpu.memref_slice %arg5[%dma_start3A_304, %multiple_of3A_300] : memref<32x1000000xf32, #tpu.memory_space<hbm>> -> memref<32x128xf32, #tpu.memory_space<hbm>>
    %dma_start3A_306 = arith.constant 0 : i32
    %dma_start3A_307 = arith.constant 640 : i32
    %dma_start3A_308 = tpu.memref_slice %arg10[%dma_start3A_306, %dma_start3A_307] : memref<32x2048xf32, #tpu.memory_space<vmem>> -> memref<32x128xf32, #tpu.memory_space<vmem>>
    %dma_start3A_309 = arith.constant 0 : i32
    %dma_start3A_310 = tpu.memref_slice %arg5[%dma_start3A_309, %multiple_of3A_300] : memref<32x1000000xf32, #tpu.memory_space<hbm>> -> memref<32x128xf32, #tpu.memory_space<hbm>>
    tpu.enqueue_dma source(%dma_start3A_310 : memref<32x128xf32, #tpu.memory_space<hbm>>) target(%dma_start3A_308 : memref<32x128xf32, #tpu.memory_space<vmem>>) target_semaphore(%arg12 : memref<!tpu.dma_semaphore, #tpu.memory_space<semaphore_mem>>)
    %slice3A_311 = vector.extract_strided_slice %and3A_232 {offsets = [6], sizes = [1], strides = [1]} : vector<16xi32> to vector<1xi32>
    %squeeze3A_312 = vector.extract %slice3A_311[0] : i32 from vector<1xi32>
    %multiple_of3A_313 = tpu.assume_multiple %squeeze3A_312, 128 : i32
    %dma_start3A_314 = arith.constant 0 : i32
    %dma_start3A_315 = arith.constant 768 : i32
    %dma_start3A_316 = tpu.memref_slice %arg10[%dma_start3A_314, %dma_start3A_315] : memref<32x2048xf32, #tpu.memory_space<vmem>> -> memref<32x128xf32, #tpu.memory_space<vmem>>
    %dma_start3A_317 = arith.constant 0 : i32
    %dma_start3A_318 = tpu.memref_slice %arg5[%dma_start3A_317, %multiple_of3A_313] : memref<32x1000000xf32, #tpu.memory_space<hbm>> -> memref<32x128xf32, #tpu.memory_space<hbm>>
    %dma_start3A_319 = arith.constant 0 : i32
    %dma_start3A_320 = arith.constant 768 : i32
    %dma_start3A_321 = tpu.memref_slice %arg10[%dma_start3A_319, %dma_start3A_320] : memref<32x2048xf32, #tpu.memory_space<vmem>> -> memref<32x128xf32, #tpu.memory_space<vmem>>
    %dma_start3A_322 = arith.constant 0 : i32
    %dma_start3A_323 = tpu.memref_slice %arg5[%dma_start3A_322, %multiple_of3A_313] : memref<32x1000000xf32, #tpu.memory_space<hbm>> -> memref<32x128xf32, #tpu.memory_space<hbm>>
    tpu.enqueue_dma source(%dma_start3A_323 : memref<32x128xf32, #tpu.memory_space<hbm>>) target(%dma_start3A_321 : memref<32x128xf32, #tpu.memory_space<vmem>>) target_semaphore(%arg12 : memref<!tpu.dma_semaphore, #tpu.memory_space<semaphore_mem>>)
    %slice3A_324 = vector.extract_strided_slice %and3A_232 {offsets = [7], sizes = [1], strides = [1]} : vector<16xi32> to vector<1xi32>
    %squeeze3A_325 = vector.extract %slice3A_324[0] : i32 from vector<1xi32>
    %multiple_of3A_326 = tpu.assume_multiple %squeeze3A_325, 128 : i32
    %dma_start3A_327 = arith.constant 0 : i32
    %dma_start3A_328 = arith.constant 896 : i32
    %dma_start3A_329 = tpu.memref_slice %arg10[%dma_start3A_327, %dma_start3A_328] : memref<32x2048xf32, #tpu.memory_space<vmem>> -> memref<32x128xf32, #tpu.memory_space<vmem>>
    %dma_start3A_330 = arith.constant 0 : i32
    %dma_start3A_331 = tpu.memref_slice %arg5[%dma_start3A_330, %multiple_of3A_326] : memref<32x1000000xf32, #tpu.memory_space<hbm>> -> memref<32x128xf32, #tpu.memory_space<hbm>>
    %dma_start3A_332 = arith.constant 0 : i32
    %dma_start3A_333 = arith.constant 896 : i32
    %dma_start3A_334 = tpu.memref_slice %arg10[%dma_start3A_332, %dma_start3A_333] : memref<32x2048xf32, #tpu.memory_space<vmem>> -> memref<32x128xf32, #tpu.memory_space<vmem>>
    %dma_start3A_335 = arith.constant 0 : i32
    %dma_start3A_336 = tpu.memref_slice %arg5[%dma_start3A_335, %multiple_of3A_326] : memref<32x1000000xf32, #tpu.memory_space<hbm>> -> memref<32x128xf32, #tpu.memory_space<hbm>>
    tpu.enqueue_dma source(%dma_start3A_336 : memref<32x128xf32, #tpu.memory_space<hbm>>) target(%dma_start3A_334 : memref<32x128xf32, #tpu.memory_space<vmem>>) target_semaphore(%arg12 : memref<!tpu.dma_semaphore, #tpu.memory_space<semaphore_mem>>)
    %get3A_337 = arith.constant 8 : index
    %get3A_338 = tpu.vector_load %arg9[%get3A_337] {strides = array<i32>} : memref<528xi32, #tpu.memory_space<vmem>>, vector<16xi32>,
    %and3A_339 = arith.constant -128 : i32
    %and3A_340 = vector.broadcast %and3A_339 : i32 to vector<16xi32>
    %and3A_341 = arith.andi %get3A_338, %and3A_340 : vector<16xi32>
    %slice3A_342 = vector.extract_strided_slice %and3A_341 {offsets = [0], sizes = [1], strides = [1]} : vector<16xi32> to vector<1xi32>
    %squeeze3A_343 = vector.extract %slice3A_342[0] : i32 from vector<1xi32>
    %multiple_of3A_344 = tpu.assume_multiple %squeeze3A_343, 128 : i32
    %dma_start3A_345 = arith.constant 0 : i32
    %dma_start3A_346 = arith.constant 1024 : i32
    %dma_start3A_347 = tpu.memref_slice %arg10[%dma_start3A_345, %dma_start3A_346] : memref<32x2048xf32, #tpu.memory_space<vmem>> -> memref<32x128xf32, #tpu.memory_space<vmem>>
    %dma_start3A_348 = arith.constant 0 : i32
    %dma_start3A_349 = tpu.memref_slice %arg5[%dma_start3A_348, %multiple_of3A_344] : memref<32x1000000xf32, #tpu.memory_space<hbm>> -> memref<32x128xf32, #tpu.memory_space<hbm>>
    %dma_start3A_350 = arith.constant 0 : i32
    %dma_start3A_351 = arith.constant 1024 : i32
    %dma_start3A_352 = tpu.memref_slice %arg10[%dma_start3A_350, %dma_start3A_351] : memref<32x2048xf32, #tpu.memory_space<vmem>> -> memref<32x128xf32, #tpu.memory_space<vmem>>
    %dma_start3A_353 = arith.constant 0 : i32
    %dma_start3A_354 = tpu.memref_slice %arg5[%dma_start3A_353, %multiple_of3A_344] : memref<32x1000000xf32, #tpu.memory_space<hbm>> -> memref<32x128xf32, #tpu.memory_space<hbm>>
    tpu.enqueue_dma source(%dma_start3A_354 : memref<32x128xf32, #tpu.memory_space<hbm>>) target(%dma_start3A_352 : memref<32x128xf32, #tpu.memory_space<vmem>>) target_semaphore(%arg13 : memref<!tpu.dma_semaphore, #tpu.memory_space<semaphore_mem>>)
    %slice3A_355 = vector.extract_strided_slice %and3A_341 {offsets = [1], sizes = [1], strides = [1]} : vector<16xi32> to vector<1xi32>
    %squeeze3A_356 = vector.extract %slice3A_355[0] : i32 from vector<1xi32>
    %multiple_of3A_357 = tpu.assume_multiple %squeeze3A_356, 128 : i32
    %dma_start3A_358 = arith.constant 0 : i32
    %dma_start3A_359 = arith.constant 1152 : i32
    %dma_start3A_360 = tpu.memref_slice %arg10[%dma_start3A_358, %dma_start3A_359] : memref<32x2048xf32, #tpu.memory_space<vmem>> -> memref<32x128xf32, #tpu.memory_space<vmem>>
    %dma_start3A_361 = arith.constant 0 : i32
    %dma_start3A_362 = tpu.memref_slice %arg5[%dma_start3A_361, %multiple_of3A_357] : memref<32x1000000xf32, #tpu.memory_space<hbm>> -> memref<32x128xf32, #tpu.memory_space<hbm>>
    %dma_start3A_363 = arith.constant 0 : i32
    %dma_start3A_364 = arith.constant 1152 : i32
    %dma_start3A_365 = tpu.memref_slice %arg10[%dma_start3A_363, %dma_start3A_364] : memref<32x2048xf32, #tpu.memory_space<vmem>> -> memref<32x128xf32, #tpu.memory_space<vmem>>
    %dma_start3A_366 = arith.constant 0 : i32
    %dma_start3A_367 = tpu.memref_slice %arg5[%dma_start3A_366, %multiple_of3A_357] : memref<32x1000000xf32, #tpu.memory_space<hbm>> -> memref<32x128xf32, #tpu.memory_space<hbm>>
    tpu.enqueue_dma source(%dma_start3A_367 : memref<32x128xf32, #tpu.memory_space<hbm>>) target(%dma_start3A_365 : memref<32x128xf32, #tpu.memory_space<vmem>>) target_semaphore(%arg13 : memref<!tpu.dma_semaphore, #tpu.memory_space<semaphore_mem>>)
    %slice3A_368 = vector.extract_strided_slice %and3A_341 {offsets = [2], sizes = [1], strides = [1]} : vector<16xi32> to vector<1xi32>
    %squeeze3A_369 = vector.extract %slice3A_368[0] : i32 from vector<1xi32>
    %multiple_of3A_370 = tpu.assume_multiple %squeeze3A_369, 128 : i32
    %dma_start3A_371 = arith.constant 0 : i32
    %dma_start3A_372 = arith.constant 1280 : i32
    %dma_start3A_373 = tpu.memref_slice %arg10[%dma_start3A_371, %dma_start3A_372] : memref<32x2048xf32, #tpu.memory_space<vmem>> -> memref<32x128xf32, #tpu.memory_space<vmem>>
    %dma_start3A_374 = arith.constant 0 : i32
    %dma_start3A_375 = tpu.memref_slice %arg5[%dma_start3A_374, %multiple_of3A_370] : memref<32x1000000xf32, #tpu.memory_space<hbm>> -> memref<32x128xf32, #tpu.memory_space<hbm>>
    %dma_start3A_376 = arith.constant 0 : i32
    %dma_start3A_377 = arith.constant 1280 : i32
    %dma_start3A_378 = tpu.memref_slice %arg10[%dma_start3A_376, %dma_start3A_377] : memref<32x2048xf32, #tpu.memory_space<vmem>> -> memref<32x128xf32, #tpu.memory_space<vmem>>
    %dma_start3A_379 = arith.constant 0 : i32
    %dma_start3A_380 = tpu.memref_slice %arg5[%dma_start3A_379, %multiple_of3A_370] : memref<32x1000000xf32, #tpu.memory_space<hbm>> -> memref<32x128xf32, #tpu.memory_space<hbm>>
    tpu.enqueue_dma source(%dma_start3A_380 : memref<32x128xf32, #tpu.memory_space<hbm>>) target(%dma_start3A_378 : memref<32x128xf32, #tpu.memory_space<vmem>>) target_semaphore(%arg13 : memref<!tpu.dma_semaphore, #tpu.memory_space<semaphore_mem>>)
    %slice3A_381 = vector.extract_strided_slice %and3A_341 {offsets = [3], sizes = [1], strides = [1]} : vector<16xi32> to vector<1xi32>
    %squeeze3A_382 = vector.extract %slice3A_381[0] : i32 from vector<1xi32>
    %multiple_of3A_383 = tpu.assume_multiple %squeeze3A_382, 128 : i32
    %dma_start3A_384 = arith.constant 0 : i32
    %dma_start3A_385 = arith.constant 1408 : i32
    %dma_start3A_386 = tpu.memref_slice %arg10[%dma_start3A_384, %dma_start3A_385] : memref<32x2048xf32, #tpu.memory_space<vmem>> -> memref<32x128xf32, #tpu.memory_space<vmem>>
    %dma_start3A_387 = arith.constant 0 : i32
    %dma_start3A_388 = tpu.memref_slice %arg5[%dma_start3A_387, %multiple_of3A_383] : memref<32x1000000xf32, #tpu.memory_space<hbm>> -> memref<32x128xf32, #tpu.memory_space<hbm>>
    %dma_start3A_389 = arith.constant 0 : i32
    %dma_start3A_390 = arith.constant 1408 : i32
    %dma_start3A_391 = tpu.memref_slice %arg10[%dma_start3A_389, %dma_start3A_390] : memref<32x2048xf32, #tpu.memory_space<vmem>> -> memref<32x128xf32, #tpu.memory_space<vmem>>
    %dma_start3A_392 = arith.constant 0 : i32
    %dma_start3A_393 = tpu.memref_slice %arg5[%dma_start3A_392, %multiple_of3A_383] : memref<32x1000000xf32, #tpu.memory_space<hbm>> -> memref<32x128xf32, #tpu.memory_space<hbm>>
    tpu.enqueue_dma source(%dma_start3A_393 : memref<32x128xf32, #tpu.memory_space<hbm>>) target(%dma_start3A_391 : memref<32x128xf32, #tpu.memory_space<vmem>>) target_semaphore(%arg13 : memref<!tpu.dma_semaphore, #tpu.memory_space<semaphore_mem>>)
    %slice3A_394 = vector.extract_strided_slice %and3A_341 {offsets = [4], sizes = [1], strides = [1]} : vector<16xi32> to vector<1xi32>
    %squeeze3A_395 = vector.extract %slice3A_394[0] : i32 from vector<1xi32>
    %multiple_of3A_396 = tpu.assume_multiple %squeeze3A_395, 128 : i32
    %dma_start3A_397 = arith.constant 0 : i32
    %dma_start3A_398 = arith.constant 1536 : i32
    %dma_start3A_399 = tpu.memref_slice %arg10[%dma_start3A_397, %dma_start3A_398] : memref<32x2048xf32, #tpu.memory_space<vmem>> -> memref<32x128xf32, #tpu.memory_space<vmem>>
    %dma_start3A_400 = arith.constant 0 : i32
    %dma_start3A_401 = tpu.memref_slice %arg5[%dma_start3A_400, %multiple_of3A_396] : memref<32x1000000xf32, #tpu.memory_space<hbm>> -> memref<32x128xf32, #tpu.memory_space<hbm>>
    %dma_start3A_402 = arith.constant 0 : i32
    %dma_start3A_403 = arith.constant 1536 : i32
    %dma_start3A_404 = tpu.memref_slice %arg10[%dma_start3A_402, %dma_start3A_403] : memref<32x2048xf32, #tpu.memory_space<vmem>> -> memref<32x128xf32, #tpu.memory_space<vmem>>
    %dma_start3A_405 = arith.constant 0 : i32
    %dma_start3A_406 = tpu.memref_slice %arg5[%dma_start3A_405, %multiple_of3A_396] : memref<32x1000000xf32, #tpu.memory_space<hbm>> -> memref<32x128xf32, #tpu.memory_space<hbm>>
    tpu.enqueue_dma source(%dma_start3A_406 : memref<32x128xf32, #tpu.memory_space<hbm>>) target(%dma_start3A_404 : memref<32x128xf32, #tpu.memory_space<vmem>>) target_semaphore(%arg13 : memref<!tpu.dma_semaphore, #tpu.memory_space<semaphore_mem>>)
    %slice3A_407 = vector.extract_strided_slice %and3A_341 {offsets = [5], sizes = [1], strides = [1]} : vector<16xi32> to vector<1xi32>
    %squeeze3A_408 = vector.extract %slice3A_407[0] : i32 from vector<1xi32>
    %multiple_of3A_409 = tpu.assume_multiple %squeeze3A_408, 128 : i32
    %dma_start3A_410 = arith.constant 0 : i32
    %dma_start3A_411 = arith.constant 1664 : i32
    %dma_start3A_412 = tpu.memref_slice %arg10[%dma_start3A_410, %dma_start3A_411] : memref<32x2048xf32, #tpu.memory_space<vmem>> -> memref<32x128xf32, #tpu.memory_space<vmem>>
    %dma_start3A_413 = arith.constant 0 : i32
    %dma_start3A_414 = tpu.memref_slice %arg5[%dma_start3A_413, %multiple_of3A_409] : memref<32x1000000xf32, #tpu.memory_space<hbm>> -> memref<32x128xf32, #tpu.memory_space<hbm>>
    %dma_start3A_415 = arith.constant 0 : i32
    %dma_start3A_416 = arith.constant 1664 : i32
    %dma_start3A_417 = tpu.memref_slice %arg10[%dma_start3A_415, %dma_start3A_416] : memref<32x2048xf32, #tpu.memory_space<vmem>> -> memref<32x128xf32, #tpu.memory_space<vmem>>
    %dma_start3A_418 = arith.constant 0 : i32
    %dma_start3A_419 = tpu.memref_slice %arg5[%dma_start3A_418, %multiple_of3A_409] : memref<32x1000000xf32, #tpu.memory_space<hbm>> -> memref<32x128xf32, #tpu.memory_space<hbm>>
    tpu.enqueue_dma source(%dma_start3A_419 : memref<32x128xf32, #tpu.memory_space<hbm>>) target(%dma_start3A_417 : memref<32x128xf32, #tpu.memory_space<vmem>>) target_semaphore(%arg13 : memref<!tpu.dma_semaphore, #tpu.memory_space<semaphore_mem>>)
    %slice3A_420 = vector.extract_strided_slice %and3A_341 {offsets = [6], sizes = [1], strides = [1]} : vector<16xi32> to vector<1xi32>
    %squeeze3A_421 = vector.extract %slice3A_420[0] : i32 from vector<1xi32>
    %multiple_of3A_422 = tpu.assume_multiple %squeeze3A_421, 128 : i32
    %dma_start3A_423 = arith.constant 0 : i32
    %dma_start3A_424 = arith.constant 1792 : i32
    %dma_start3A_425 = tpu.memref_slice %arg10[%dma_start3A_423, %dma_start3A_424] : memref<32x2048xf32, #tpu.memory_space<vmem>> -> memref<32x128xf32, #tpu.memory_space<vmem>>
    %dma_start3A_426 = arith.constant 0 : i32
    %dma_start3A_427 = tpu.memref_slice %arg5[%dma_start3A_426, %multiple_of3A_422] : memref<32x1000000xf32, #tpu.memory_space<hbm>> -> memref<32x128xf32, #tpu.memory_space<hbm>>
    %dma_start3A_428 = arith.constant 0 : i32
    %dma_start3A_429 = arith.constant 1792 : i32
    %dma_start3A_430 = tpu.memref_slice %arg10[%dma_start3A_428, %dma_start3A_429] : memref<32x2048xf32, #tpu.memory_space<vmem>> -> memref<32x128xf32, #tpu.memory_space<vmem>>
    %dma_start3A_431 = arith.constant 0 : i32
    %dma_start3A_432 = tpu.memref_slice %arg5[%dma_start3A_431, %multiple_of3A_422] : memref<32x1000000xf32, #tpu.memory_space<hbm>> -> memref<32x128xf32, #tpu.memory_space<hbm>>
    tpu.enqueue_dma source(%dma_start3A_432 : memref<32x128xf32, #tpu.memory_space<hbm>>) target(%dma_start3A_430 : memref<32x128xf32, #tpu.memory_space<vmem>>) target_semaphore(%arg13 : memref<!tpu.dma_semaphore, #tpu.memory_space<semaphore_mem>>)
    %slice3A_433 = vector.extract_strided_slice %and3A_341 {offsets = [7], sizes = [1], strides = [1]} : vector<16xi32> to vector<1xi32>
    %squeeze3A_434 = vector.extract %slice3A_433[0] : i32 from vector<1xi32>
    %multiple_of3A_435 = tpu.assume_multiple %squeeze3A_434, 128 : i32
    %dma_start3A_436 = arith.constant 0 : i32
    %dma_start3A_437 = arith.constant 1920 : i32
    %dma_start3A_438 = tpu.memref_slice %arg10[%dma_start3A_436, %dma_start3A_437] : memref<32x2048xf32, #tpu.memory_space<vmem>> -> memref<32x128xf32, #tpu.memory_space<vmem>>
    %dma_start3A_439 = arith.constant 0 : i32
    %dma_start3A_440 = tpu.memref_slice %arg5[%dma_start3A_439, %multiple_of3A_435] : memref<32x1000000xf32, #tpu.memory_space<hbm>> -> memref<32x128xf32, #tpu.memory_space<hbm>>
    %dma_start3A_441 = arith.constant 0 : i32
    %dma_start3A_442 = arith.constant 1920 : i32
    %dma_start3A_443 = tpu.memref_slice %arg10[%dma_start3A_441, %dma_start3A_442] : memref<32x2048xf32, #tpu.memory_space<vmem>> -> memref<32x128xf32, #tpu.memory_space<vmem>>
    %dma_start3A_444 = arith.constant 0 : i32
    %dma_start3A_445 = tpu.memref_slice %arg5[%dma_start3A_444, %multiple_of3A_435] : memref<32x1000000xf32, #tpu.memory_space<hbm>> -> memref<32x128xf32, #tpu.memory_space<hbm>>
    tpu.enqueue_dma source(%dma_start3A_445 : memref<32x128xf32, #tpu.memory_space<hbm>>) target(%dma_start3A_443 : memref<32x128xf32, #tpu.memory_space<vmem>>) target_semaphore(%arg13 : memref<!tpu.dma_semaphore, #tpu.memory_space<semaphore_mem>>)
    %scan3A_446 = arith.constant 0 : i32
    %scan3A_447 = arith.constant 0 : i32
    %scan3A_448 = arith.constant 32 : i32
    %scan3A_449 = arith.addi %scan3A_447, %scan3A_448 : i32
    %scan3A_450 = arith.constant 1 : i32
    scf.for %scan3A_452 = %scan3A_447 to %scan3A_449 step %scan3A_450  : i32 {
      %mul3A_453 = arith.constant 2 : i32
      %mul3A_454 = arith.muli %mul3A_453, %scan3A_452 : i32
      %dma_wait3A = arith.constant 0 : i32
      %dma_wait3A_455 = arith.constant 0 : i32
      %dma_wait3A_456 = tpu.memref_slice %arg10[%dma_wait3A, %dma_wait3A_455] : memref<32x2048xf32, #tpu.memory_space<vmem>> -> memref<32x1024xf32, #tpu.memory_space<vmem>>
      %dma_wait3A_457 = arith.constant 0 : i32
      %dma_wait3A_458 = arith.constant 0 : i32
      %dma_wait3A_459 = tpu.memref_slice %arg5[%dma_wait3A_457, %dma_wait3A_458] : memref<32x1000000xf32, #tpu.memory_space<hbm>> -> memref<32x1024xf32, #tpu.memory_space<hbm>>
      %dma_wait3A_460 = arith.constant 0 : i32
      %dma_wait3A_461 = arith.constant 0 : i32
      %dma_wait3A_462 = tpu.memref_slice %arg10[%dma_wait3A_460, %dma_wait3A_461] : memref<32x2048xf32, #tpu.memory_space<vmem>> -> memref<32x1024xf32, #tpu.memory_space<vmem>>
      %dma_wait3A_463 = arith.constant 0 : i32
      %dma_wait3A_464 = arith.constant 0 : i32
      %dma_wait3A_465 = tpu.memref_slice %arg5[%dma_wait3A_463, %dma_wait3A_464] : memref<32x1000000xf32, #tpu.memory_space<hbm>> -> memref<32x1024xf32, #tpu.memory_space<hbm>>
      tpu.wait_dma2 semaphore(%arg12 : memref<!tpu.dma_semaphore, #tpu.memory_space<semaphore_mem>>) src(%dma_wait3A_465 : memref<32x1024xf32, #tpu.memory_space<hbm>>) dst(%dma_wait3A_462 : memref<32x1024xf32, #tpu.memory_space<vmem>>)
      %mul3A_466 = arith.constant 8 : i32
      %mul3A_467 = arith.muli %mul3A_454, %mul3A_466 : i32
      %get3A_468 = arith.index_cast %mul3A_467 : i32 to index
      %get3A_469 = tpu.vector_load %arg9[%get3A_468] {strides = array<i32>} : memref<528xi32, #tpu.memory_space<vmem>>, vector<16xi32>,
      %add3A_470 = arith.constant 0 : i32
      %add3A_471 = vector.broadcast %add3A_470 : i32 to vector<16xi32>
      %add3A_472 = arith.addi %add3A_471, %mul3A_9 : vector<16xi32>
      %and3A_473 = arith.constant 127 : i32
      %and3A_474 = vector.broadcast %and3A_473 : i32 to vector<16xi32>
      %and3A_475 = arith.andi %get3A_469, %and3A_474 : vector<16xi32>
      %add3A_476 = arith.addi %add3A_472, %and3A_475 : vector<16xi32>
      %add3A_477 = vector.broadcast %mul3A_467 : i32 to vector<16xi32>
      %add3A_478 = arith.addi %add3A_477, %iota3A : vector<16xi32>
      %broadcast_in_dim3A = arith.constant 0 : i32
      %broadcast_in_dim3A_479 = vector.broadcast %broadcast_in_dim3A : i32 to vector<16xi32>
      %gather3A = tpu.vector_load_idx %arg10[%broadcast_in_dim3A_479, %add3A_476] : memref<32x2048xf32, #tpu.memory_space<vmem>>[vector<16xi32>, vector<16xi32>], vector<16xf32>,
      tpu.vector_store_idx %arg11[%broadcast_in_dim3A_479, %add3A_478], %gather3A masked %lt3A_4 : memref<32x512xf32, #tpu.memory_space<vmem>>[vector<16xi32>, vector<16xi32>], vector<16xf32>, vector<16xi1>
      %broadcast_in_dim3A_480 = arith.constant 1 : i32
      %broadcast_in_dim3A_481 = vector.broadcast %broadcast_in_dim3A_480 : i32 to vector<16xi32>
      %gather3A_482 = tpu.vector_load_idx %arg10[%broadcast_in_dim3A_481, %add3A_476] : memref<32x2048xf32, #tpu.memory_space<vmem>>[vector<16xi32>, vector<16xi32>], vector<16xf32>,
      tpu.vector_store_idx %arg11[%broadcast_in_dim3A_481, %add3A_478], %gather3A_482 masked %lt3A_4 : memref<32x512xf32, #tpu.memory_space<vmem>>[vector<16xi32>, vector<16xi32>], vector<16xf32>, vector<16xi1>
      %broadcast_in_dim3A_483 = arith.constant 2 : i32
      %broadcast_in_dim3A_484 = vector.broadcast %broadcast_in_dim3A_483 : i32 to vector<16xi32>
      %gather3A_485 = tpu.vector_load_idx %arg10[%broadcast_in_dim3A_484, %add3A_476] : memref<32x2048xf32, #tpu.memory_space<vmem>>[vector<16xi32>, vector<16xi32>], vector<16xf32>,
      tpu.vector_store_idx %arg11[%broadcast_in_dim3A_484, %add3A_478], %gather3A_485 masked %lt3A_4 : memref<32x512xf32, #tpu.memory_space<vmem>>[vector<16xi32>, vector<16xi32>], vector<16xf32>, vector<16xi1>
      %broadcast_in_dim3A_486 = arith.constant 3 : i32
      %broadcast_in_dim3A_487 = vector.broadcast %broadcast_in_dim3A_486 : i32 to vector<16xi32>
      %gather3A_488 = tpu.vector_load_idx %arg10[%broadcast_in_dim3A_487, %add3A_476] : memref<32x2048xf32, #tpu.memory_space<vmem>>[vector<16xi32>, vector<16xi32>], vector<16xf32>,
      tpu.vector_store_idx %arg11[%broadcast_in_dim3A_487, %add3A_478], %gather3A_488 masked %lt3A_4 : memref<32x512xf32, #tpu.memory_space<vmem>>[vector<16xi32>, vector<16xi32>], vector<16xf32>, vector<16xi1>
      %broadcast_in_dim3A_489 = arith.constant 4 : i32
      %broadcast_in_dim3A_490 = vector.broadcast %broadcast_in_dim3A_489 : i32 to vector<16xi32>
      %gather3A_491 = tpu.vector_load_idx %arg10[%broadcast_in_dim3A_490, %add3A_476] : memref<32x2048xf32, #tpu.memory_space<vmem>>[vector<16xi32>, vector<16xi32>], vector<16xf32>,
      tpu.vector_store_idx %arg11[%broadcast_in_dim3A_490, %add3A_478], %gather3A_491 masked %lt3A_4 : memref<32x512xf32, #tpu.memory_space<vmem>>[vector<16xi32>, vector<16xi32>], vector<16xf32>, vector<16xi1>
      %broadcast_in_dim3A_492 = arith.constant 5 : i32
      %broadcast_in_dim3A_493 = vector.broadcast %broadcast_in_dim3A_492 : i32 to vector<16xi32>
      %gather3A_494 = tpu.vector_load_idx %arg10[%broadcast_in_dim3A_493, %add3A_476] : memref<32x2048xf32, #tpu.memory_space<vmem>>[vector<16xi32>, vector<16xi32>], vector<16xf32>,
      tpu.vector_store_idx %arg11[%broadcast_in_dim3A_493, %add3A_478], %gather3A_494 masked %lt3A_4 : memref<32x512xf32, #tpu.memory_space<vmem>>[vector<16xi32>, vector<16xi32>], vector<16xf32>, vector<16xi1>
      %broadcast_in_dim3A_495 = arith.constant 6 : i32
      %broadcast_in_dim3A_496 = vector.broadcast %broadcast_in_dim3A_495 : i32 to vector<16xi32>
      %gather3A_497 = tpu.vector_load_idx %arg10[%broadcast_in_dim3A_496, %add3A_476] : memref<32x2048xf32, #tpu.memory_space<vmem>>[vector<16xi32>, vector<16xi32>], vector<16xf32>,
      tpu.vector_store_idx %arg11[%broadcast_in_dim3A_496, %add3A_478], %gather3A_497 masked %lt3A_4 : memref<32x512xf32, #tpu.memory_space<vmem>>[vector<16xi32>, vector<16xi32>], vector<16xf32>, vector<16xi1>
      %broadcast_in_dim3A_498 = arith.constant 7 : i32
      %broadcast_in_dim3A_499 = vector.broadcast %broadcast_in_dim3A_498 : i32 to vector<16xi32>
      %gather3A_500 = tpu.vector_load_idx %arg10[%broadcast_in_dim3A_499, %add3A_476] : memref<32x2048xf32, #tpu.memory_space<vmem>>[vector<16xi32>, vector<16xi32>], vector<16xf32>,
      tpu.vector_store_idx %arg11[%broadcast_in_dim3A_499, %add3A_478], %gather3A_500 masked %lt3A_4 : memref<32x512xf32, #tpu.memory_space<vmem>>[vector<16xi32>, vector<16xi32>], vector<16xf32>, vector<16xi1>
      %broadcast_in_dim3A_501 = arith.constant 8 : i32
      %broadcast_in_dim3A_502 = vector.broadcast %broadcast_in_dim3A_501 : i32 to vector<16xi32>
      %gather3A_503 = tpu.vector_load_idx %arg10[%broadcast_in_dim3A_502, %add3A_476] : memref<32x2048xf32, #tpu.memory_space<vmem>>[vector<16xi32>, vector<16xi32>], vector<16xf32>,
      tpu.vector_store_idx %arg11[%broadcast_in_dim3A_502, %add3A_478], %gather3A_503 masked %lt3A_4 : memref<32x512xf32, #tpu.memory_space<vmem>>[vector<16xi32>, vector<16xi32>], vector<16xf32>, vector<16xi1>
      %broadcast_in_dim3A_504 = arith.constant 9 : i32
      %broadcast_in_dim3A_505 = vector.broadcast %broadcast_in_dim3A_504 : i32 to vector<16xi32>
      %gather3A_506 = tpu.vector_load_idx %arg10[%broadcast_in_dim3A_505, %add3A_476] : memref<32x2048xf32, #tpu.memory_space<vmem>>[vector<16xi32>, vector<16xi32>], vector<16xf32>,
      tpu.vector_store_idx %arg11[%broadcast_in_dim3A_505, %add3A_478], %gather3A_506 masked %lt3A_4 : memref<32x512xf32, #tpu.memory_space<vmem>>[vector<16xi32>, vector<16xi32>], vector<16xf32>, vector<16xi1>
      %broadcast_in_dim3A_507 = arith.constant 10 : i32
      %broadcast_in_dim3A_508 = vector.broadcast %broadcast_in_dim3A_507 : i32 to vector<16xi32>
      %gather3A_509 = tpu.vector_load_idx %arg10[%broadcast_in_dim3A_508, %add3A_476] : memref<32x2048xf32, #tpu.memory_space<vmem>>[vector<16xi32>, vector<16xi32>], vector<16xf32>,
      tpu.vector_store_idx %arg11[%broadcast_in_dim3A_508, %add3A_478], %gather3A_509 masked %lt3A_4 : memref<32x512xf32, #tpu.memory_space<vmem>>[vector<16xi32>, vector<16xi32>], vector<16xf32>, vector<16xi1>
      %broadcast_in_dim3A_510 = arith.constant 11 : i32
      %broadcast_in_dim3A_511 = vector.broadcast %broadcast_in_dim3A_510 : i32 to vector<16xi32>
      %gather3A_512 = tpu.vector_load_idx %arg10[%broadcast_in_dim3A_511, %add3A_476] : memref<32x2048xf32, #tpu.memory_space<vmem>>[vector<16xi32>, vector<16xi32>], vector<16xf32>,
      tpu.vector_store_idx %arg11[%broadcast_in_dim3A_511, %add3A_478], %gather3A_512 masked %lt3A_4 : memref<32x512xf32, #tpu.memory_space<vmem>>[vector<16xi32>, vector<16xi32>], vector<16xf32>, vector<16xi1>
      %broadcast_in_dim3A_513 = arith.constant 12 : i32
      %broadcast_in_dim3A_514 = vector.broadcast %broadcast_in_dim3A_513 : i32 to vector<16xi32>
      %gather3A_515 = tpu.vector_load_idx %arg10[%broadcast_in_dim3A_514, %add3A_476] : memref<32x2048xf32, #tpu.memory_space<vmem>>[vector<16xi32>, vector<16xi32>], vector<16xf32>,
      tpu.vector_store_idx %arg11[%broadcast_in_dim3A_514, %add3A_478], %gather3A_515 masked %lt3A_4 : memref<32x512xf32, #tpu.memory_space<vmem>>[vector<16xi32>, vector<16xi32>], vector<16xf32>, vector<16xi1>
      %broadcast_in_dim3A_516 = arith.constant 13 : i32
      %broadcast_in_dim3A_517 = vector.broadcast %broadcast_in_dim3A_516 : i32 to vector<16xi32>
      %gather3A_518 = tpu.vector_load_idx %arg10[%broadcast_in_dim3A_517, %add3A_476] : memref<32x2048xf32, #tpu.memory_space<vmem>>[vector<16xi32>, vector<16xi32>], vector<16xf32>,
      tpu.vector_store_idx %arg11[%broadcast_in_dim3A_517, %add3A_478], %gather3A_518 masked %lt3A_4 : memref<32x512xf32, #tpu.memory_space<vmem>>[vector<16xi32>, vector<16xi32>], vector<16xf32>, vector<16xi1>
      %broadcast_in_dim3A_519 = arith.constant 14 : i32
      %broadcast_in_dim3A_520 = vector.broadcast %broadcast_in_dim3A_519 : i32 to vector<16xi32>
      %gather3A_521 = tpu.vector_load_idx %arg10[%broadcast_in_dim3A_520, %add3A_476] : memref<32x2048xf32, #tpu.memory_space<vmem>>[vector<16xi32>, vector<16xi32>], vector<16xf32>,
      tpu.vector_store_idx %arg11[%broadcast_in_dim3A_520, %add3A_478], %gather3A_521 masked %lt3A_4 : memref<32x512xf32, #tpu.memory_space<vmem>>[vector<16xi32>, vector<16xi32>], vector<16xf32>, vector<16xi1>
      %broadcast_in_dim3A_522 = arith.constant 15 : i32
      %broadcast_in_dim3A_523 = vector.broadcast %broadcast_in_dim3A_522 : i32 to vector<16xi32>
      %gather3A_524 = tpu.vector_load_idx %arg10[%broadcast_in_dim3A_523, %add3A_476] : memref<32x2048xf32, #tpu.memory_space<vmem>>[vector<16xi32>, vector<16xi32>], vector<16xf32>,
      tpu.vector_store_idx %arg11[%broadcast_in_dim3A_523, %add3A_478], %gather3A_524 masked %lt3A_4 : memref<32x512xf32, #tpu.memory_space<vmem>>[vector<16xi32>, vector<16xi32>], vector<16xf32>, vector<16xi1>
      %broadcast_in_dim3A_525 = arith.constant 16 : i32
      %broadcast_in_dim3A_526 = vector.broadcast %broadcast_in_dim3A_525 : i32 to vector<16xi32>
      %gather3A_527 = tpu.vector_load_idx %arg10[%broadcast_in_dim3A_526, %add3A_476] : memref<32x2048xf32, #tpu.memory_space<vmem>>[vector<16xi32>, vector<16xi32>], vector<16xf32>,
      tpu.vector_store_idx %arg11[%broadcast_in_dim3A_526, %add3A_478], %gather3A_527 masked %lt3A_4 : memref<32x512xf32, #tpu.memory_space<vmem>>[vector<16xi32>, vector<16xi32>], vector<16xf32>, vector<16xi1>
      %broadcast_in_dim3A_528 = arith.constant 17 : i32
      %broadcast_in_dim3A_529 = vector.broadcast %broadcast_in_dim3A_528 : i32 to vector<16xi32>
      %gather3A_530 = tpu.vector_load_idx %arg10[%broadcast_in_dim3A_529, %add3A_476] : memref<32x2048xf32, #tpu.memory_space<vmem>>[vector<16xi32>, vector<16xi32>], vector<16xf32>,
      tpu.vector_store_idx %arg11[%broadcast_in_dim3A_529, %add3A_478], %gather3A_530 masked %lt3A_4 : memref<32x512xf32, #tpu.memory_space<vmem>>[vector<16xi32>, vector<16xi32>], vector<16xf32>, vector<16xi1>
      %broadcast_in_dim3A_531 = arith.constant 18 : i32
      %broadcast_in_dim3A_532 = vector.broadcast %broadcast_in_dim3A_531 : i32 to vector<16xi32>
      %gather3A_533 = tpu.vector_load_idx %arg10[%broadcast_in_dim3A_532, %add3A_476] : memref<32x2048xf32, #tpu.memory_space<vmem>>[vector<16xi32>, vector<16xi32>], vector<16xf32>,
      tpu.vector_store_idx %arg11[%broadcast_in_dim3A_532, %add3A_478], %gather3A_533 masked %lt3A_4 : memref<32x512xf32, #tpu.memory_space<vmem>>[vector<16xi32>, vector<16xi32>], vector<16xf32>, vector<16xi1>
      %broadcast_in_dim3A_534 = arith.constant 19 : i32
      %broadcast_in_dim3A_535 = vector.broadcast %broadcast_in_dim3A_534 : i32 to vector<16xi32>
      %gather3A_536 = tpu.vector_load_idx %arg10[%broadcast_in_dim3A_535, %add3A_476] : memref<32x2048xf32, #tpu.memory_space<vmem>>[vector<16xi32>, vector<16xi32>], vector<16xf32>,
      tpu.vector_store_idx %arg11[%broadcast_in_dim3A_535, %add3A_478], %gather3A_536 masked %lt3A_4 : memref<32x512xf32, #tpu.memory_space<vmem>>[vector<16xi32>, vector<16xi32>], vector<16xf32>, vector<16xi1>
      %broadcast_in_dim3A_537 = arith.constant 20 : i32
      %broadcast_in_dim3A_538 = vector.broadcast %broadcast_in_dim3A_537 : i32 to vector<16xi32>
      %gather3A_539 = tpu.vector_load_idx %arg10[%broadcast_in_dim3A_538, %add3A_476] : memref<32x2048xf32, #tpu.memory_space<vmem>>[vector<16xi32>, vector<16xi32>], vector<16xf32>,
      tpu.vector_store_idx %arg11[%broadcast_in_dim3A_538, %add3A_478], %gather3A_539 masked %lt3A_4 : memref<32x512xf32, #tpu.memory_space<vmem>>[vector<16xi32>, vector<16xi32>], vector<16xf32>, vector<16xi1>
      %broadcast_in_dim3A_540 = arith.constant 21 : i32
      %broadcast_in_dim3A_541 = vector.broadcast %broadcast_in_dim3A_540 : i32 to vector<16xi32>
      %gather3A_542 = tpu.vector_load_idx %arg10[%broadcast_in_dim3A_541, %add3A_476] : memref<32x2048xf32, #tpu.memory_space<vmem>>[vector<16xi32>, vector<16xi32>], vector<16xf32>,
      tpu.vector_store_idx %arg11[%broadcast_in_dim3A_541, %add3A_478], %gather3A_542 masked %lt3A_4 : memref<32x512xf32, #tpu.memory_space<vmem>>[vector<16xi32>, vector<16xi32>], vector<16xf32>, vector<16xi1>
      %broadcast_in_dim3A_543 = arith.constant 22 : i32
      %broadcast_in_dim3A_544 = vector.broadcast %broadcast_in_dim3A_543 : i32 to vector<16xi32>
      %gather3A_545 = tpu.vector_load_idx %arg10[%broadcast_in_dim3A_544, %add3A_476] : memref<32x2048xf32, #tpu.memory_space<vmem>>[vector<16xi32>, vector<16xi32>], vector<16xf32>,
      tpu.vector_store_idx %arg11[%broadcast_in_dim3A_544, %add3A_478], %gather3A_545 masked %lt3A_4 : memref<32x512xf32, #tpu.memory_space<vmem>>[vector<16xi32>, vector<16xi32>], vector<16xf32>, vector<16xi1>
      %broadcast_in_dim3A_546 = arith.constant 23 : i32
      %broadcast_in_dim3A_547 = vector.broadcast %broadcast_in_dim3A_546 : i32 to vector<16xi32>
      %gather3A_548 = tpu.vector_load_idx %arg10[%broadcast_in_dim3A_547, %add3A_476] : memref<32x2048xf32, #tpu.memory_space<vmem>>[vector<16xi32>, vector<16xi32>], vector<16xf32>,
      tpu.vector_store_idx %arg11[%broadcast_in_dim3A_547, %add3A_478], %gather3A_548 masked %lt3A_4 : memref<32x512xf32, #tpu.memory_space<vmem>>[vector<16xi32>, vector<16xi32>], vector<16xf32>, vector<16xi1>
      %broadcast_in_dim3A_549 = arith.constant 24 : i32
      %broadcast_in_dim3A_550 = vector.broadcast %broadcast_in_dim3A_549 : i32 to vector<16xi32>
      %gather3A_551 = tpu.vector_load_idx %arg10[%broadcast_in_dim3A_550, %add3A_476] : memref<32x2048xf32, #tpu.memory_space<vmem>>[vector<16xi32>, vector<16xi32>], vector<16xf32>,
      tpu.vector_store_idx %arg11[%broadcast_in_dim3A_550, %add3A_478], %gather3A_551 masked %lt3A_4 : memref<32x512xf32, #tpu.memory_space<vmem>>[vector<16xi32>, vector<16xi32>], vector<16xf32>, vector<16xi1>
      %broadcast_in_dim3A_552 = arith.constant 25 : i32
      %broadcast_in_dim3A_553 = vector.broadcast %broadcast_in_dim3A_552 : i32 to vector<16xi32>
      %gather3A_554 = tpu.vector_load_idx %arg10[%broadcast_in_dim3A_553, %add3A_476] : memref<32x2048xf32, #tpu.memory_space<vmem>>[vector<16xi32>, vector<16xi32>], vector<16xf32>,
      tpu.vector_store_idx %arg11[%broadcast_in_dim3A_553, %add3A_478], %gather3A_554 masked %lt3A_4 : memref<32x512xf32, #tpu.memory_space<vmem>>[vector<16xi32>, vector<16xi32>], vector<16xf32>, vector<16xi1>
      %broadcast_in_dim3A_555 = arith.constant 26 : i32
      %broadcast_in_dim3A_556 = vector.broadcast %broadcast_in_dim3A_555 : i32 to vector<16xi32>
      %gather3A_557 = tpu.vector_load_idx %arg10[%broadcast_in_dim3A_556, %add3A_476] : memref<32x2048xf32, #tpu.memory_space<vmem>>[vector<16xi32>, vector<16xi32>], vector<16xf32>,
      tpu.vector_store_idx %arg11[%broadcast_in_dim3A_556, %add3A_478], %gather3A_557 masked %lt3A_4 : memref<32x512xf32, #tpu.memory_space<vmem>>[vector<16xi32>, vector<16xi32>], vector<16xf32>, vector<16xi1>
      %broadcast_in_dim3A_558 = arith.constant 27 : i32
      %broadcast_in_dim3A_559 = vector.broadcast %broadcast_in_dim3A_558 : i32 to vector<16xi32>
      %gather3A_560 = tpu.vector_load_idx %arg10[%broadcast_in_dim3A_559, %add3A_476] : memref<32x2048xf32, #tpu.memory_space<vmem>>[vector<16xi32>, vector<16xi32>], vector<16xf32>,
      tpu.vector_store_idx %arg11[%broadcast_in_dim3A_559, %add3A_478], %gather3A_560 masked %lt3A_4 : memref<32x512xf32, #tpu.memory_space<vmem>>[vector<16xi32>, vector<16xi32>], vector<16xf32>, vector<16xi1>
      %broadcast_in_dim3A_561 = arith.constant 28 : i32
      %broadcast_in_dim3A_562 = vector.broadcast %broadcast_in_dim3A_561 : i32 to vector<16xi32>
      %gather3A_563 = tpu.vector_load_idx %arg10[%broadcast_in_dim3A_562, %add3A_476] : memref<32x2048xf32, #tpu.memory_space<vmem>>[vector<16xi32>, vector<16xi32>], vector<16xf32>,
      tpu.vector_store_idx %arg11[%broadcast_in_dim3A_562, %add3A_478], %gather3A_563 masked %lt3A_4 : memref<32x512xf32, #tpu.memory_space<vmem>>[vector<16xi32>, vector<16xi32>], vector<16xf32>, vector<16xi1>
      %broadcast_in_dim3A_564 = arith.constant 29 : i32
      %broadcast_in_dim3A_565 = vector.broadcast %broadcast_in_dim3A_564 : i32 to vector<16xi32>
      %gather3A_566 = tpu.vector_load_idx %arg10[%broadcast_in_dim3A_565, %add3A_476] : memref<32x2048xf32, #tpu.memory_space<vmem>>[vector<16xi32>, vector<16xi32>], vector<16xf32>,
      tpu.vector_store_idx %arg11[%broadcast_in_dim3A_565, %add3A_478], %gather3A_566 masked %lt3A_4 : memref<32x512xf32, #tpu.memory_space<vmem>>[vector<16xi32>, vector<16xi32>], vector<16xf32>, vector<16xi1>
      %broadcast_in_dim3A_567 = arith.constant 30 : i32
      %broadcast_in_dim3A_568 = vector.broadcast %broadcast_in_dim3A_567 : i32 to vector<16xi32>
      %gather3A_569 = tpu.vector_load_idx %arg10[%broadcast_in_dim3A_568, %add3A_476] : memref<32x2048xf32, #tpu.memory_space<vmem>>[vector<16xi32>, vector<16xi32>], vector<16xf32>,
      tpu.vector_store_idx %arg11[%broadcast_in_dim3A_568, %add3A_478], %gather3A_569 masked %lt3A_4 : memref<32x512xf32, #tpu.memory_space<vmem>>[vector<16xi32>, vector<16xi32>], vector<16xf32>, vector<16xi1>
      %broadcast_in_dim3A_570 = arith.constant 31 : i32
      %broadcast_in_dim3A_571 = vector.broadcast %broadcast_in_dim3A_570 : i32 to vector<16xi32>
      %gather3A_572 = tpu.vector_load_idx %arg10[%broadcast_in_dim3A_571, %add3A_476] : memref<32x2048xf32, #tpu.memory_space<vmem>>[vector<16xi32>, vector<16xi32>], vector<16xf32>,
      tpu.vector_store_idx %arg11[%broadcast_in_dim3A_571, %add3A_478], %gather3A_572 masked %lt3A_4 : memref<32x512xf32, #tpu.memory_space<vmem>>[vector<16xi32>, vector<16xi32>], vector<16xf32>, vector<16xi1>
      %add3A_573 = arith.constant 2 : i32
      %add3A_574 = arith.addi %mul3A_454, %add3A_573 : i32
      %lt3A_575 = arith.constant 64 : i32
      %lt3A_576 = arith.cmpi slt, %add3A_574, %lt3A_575 : i32
      %convert_element_type3A = arith.extui %lt3A_576 : i1 to i32
      %cond3A = arith.constant 0 : i32
      %cond3A_577 = arith.cmpi ne, %convert_element_type3A, %cond3A : i32
      scf.if %cond3A_577 {
        %add3A_708 = arith.constant 2 : i32
        %add3A_709 = arith.addi %mul3A_454, %add3A_708 : i32
        %mul3A_710 = arith.constant 8 : i32
        %mul3A_711 = arith.muli %add3A_709, %mul3A_710 : i32
        %get3A_712 = arith.index_cast %mul3A_711 : i32 to index
        %get3A_713 = tpu.vector_load %arg9[%get3A_712] {strides = array<i32>} : memref<528xi32, #tpu.memory_space<vmem>>, vector<16xi32>,
        %and3A_714 = arith.constant -128 : i32
        %and3A_715 = vector.broadcast %and3A_714 : i32 to vector<16xi32>
        %and3A_716 = arith.andi %get3A_713, %and3A_715 : vector<16xi32>
        %slice3A_717 = vector.extract_strided_slice %and3A_716 {offsets = [0], sizes = [1], strides = [1]} : vector<16xi32> to vector<1xi32>
        %squeeze3A_718 = vector.extract %slice3A_717[0] : i32 from vector<1xi32>
        %multiple_of3A_719 = tpu.assume_multiple %squeeze3A_718, 128 : i32
        %dma_start3A_720 = arith.constant 0 : i32
        %dma_start3A_721 = arith.constant 0 : i32
        %dma_start3A_722 = tpu.memref_slice %arg10[%dma_start3A_720, %dma_start3A_721] : memref<32x2048xf32, #tpu.memory_space<vmem>> -> memref<32x128xf32, #tpu.memory_space<vmem>>
        %dma_start3A_723 = arith.constant 0 : i32
        %dma_start3A_724 = tpu.memref_slice %arg5[%dma_start3A_723, %multiple_of3A_719] : memref<32x1000000xf32, #tpu.memory_space<hbm>> -> memref<32x128xf32, #tpu.memory_space<hbm>>
        %dma_start3A_725 = arith.constant 0 : i32
        %dma_start3A_726 = arith.constant 0 : i32
        %dma_start3A_727 = tpu.memref_slice %arg10[%dma_start3A_725, %dma_start3A_726] : memref<32x2048xf32, #tpu.memory_space<vmem>> -> memref<32x128xf32, #tpu.memory_space<vmem>>
        %dma_start3A_728 = arith.constant 0 : i32
        %dma_start3A_729 = tpu.memref_slice %arg5[%dma_start3A_728, %multiple_of3A_719] : memref<32x1000000xf32, #tpu.memory_space<hbm>> -> memref<32x128xf32, #tpu.memory_space<hbm>>
        tpu.enqueue_dma source(%dma_start3A_729 : memref<32x128xf32, #tpu.memory_space<hbm>>) target(%dma_start3A_727 : memref<32x128xf32, #tpu.memory_space<vmem>>) target_semaphore(%arg12 : memref<!tpu.dma_semaphore, #tpu.memory_space<semaphore_mem>>)
        %slice3A_730 = vector.extract_strided_slice %and3A_716 {offsets = [1], sizes = [1], strides = [1]} : vector<16xi32> to vector<1xi32>
        %squeeze3A_731 = vector.extract %slice3A_730[0] : i32 from vector<1xi32>
        %multiple_of3A_732 = tpu.assume_multiple %squeeze3A_731, 128 : i32
        %dma_start3A_733 = arith.constant 0 : i32
        %dma_start3A_734 = arith.constant 128 : i32
        %dma_start3A_735 = tpu.memref_slice %arg10[%dma_start3A_733, %dma_start3A_734] : memref<32x2048xf32, #tpu.memory_space<vmem>> -> memref<32x128xf32, #tpu.memory_space<vmem>>
        %dma_start3A_736 = arith.constant 0 : i32
        %dma_start3A_737 = tpu.memref_slice %arg5[%dma_start3A_736, %multiple_of3A_732] : memref<32x1000000xf32, #tpu.memory_space<hbm>> -> memref<32x128xf32, #tpu.memory_space<hbm>>
        %dma_start3A_738 = arith.constant 0 : i32
        %dma_start3A_739 = arith.constant 128 : i32
        %dma_start3A_740 = tpu.memref_slice %arg10[%dma_start3A_738, %dma_start3A_739] : memref<32x2048xf32, #tpu.memory_space<vmem>> -> memref<32x128xf32, #tpu.memory_space<vmem>>
        %dma_start3A_741 = arith.constant 0 : i32
        %dma_start3A_742 = tpu.memref_slice %arg5[%dma_start3A_741, %multiple_of3A_732] : memref<32x1000000xf32, #tpu.memory_space<hbm>> -> memref<32x128xf32, #tpu.memory_space<hbm>>
        tpu.enqueue_dma source(%dma_start3A_742 : memref<32x128xf32, #tpu.memory_space<hbm>>) target(%dma_start3A_740 : memref<32x128xf32, #tpu.memory_space<vmem>>) target_semaphore(%arg12 : memref<!tpu.dma_semaphore, #tpu.memory_space<semaphore_mem>>)
        %slice3A_743 = vector.extract_strided_slice %and3A_716 {offsets = [2], sizes = [1], strides = [1]} : vector<16xi32> to vector<1xi32>
        %squeeze3A_744 = vector.extract %slice3A_743[0] : i32 from vector<1xi32>
        %multiple_of3A_745 = tpu.assume_multiple %squeeze3A_744, 128 : i32
        %dma_start3A_746 = arith.constant 0 : i32
        %dma_start3A_747 = arith.constant 256 : i32
        %dma_start3A_748 = tpu.memref_slice %arg10[%dma_start3A_746, %dma_start3A_747] : memref<32x2048xf32, #tpu.memory_space<vmem>> -> memref<32x128xf32, #tpu.memory_space<vmem>>
        %dma_start3A_749 = arith.constant 0 : i32
        %dma_start3A_750 = tpu.memref_slice %arg5[%dma_start3A_749, %multiple_of3A_745] : memref<32x1000000xf32, #tpu.memory_space<hbm>> -> memref<32x128xf32, #tpu.memory_space<hbm>>
        %dma_start3A_751 = arith.constant 0 : i32
        %dma_start3A_752 = arith.constant 256 : i32
        %dma_start3A_753 = tpu.memref_slice %arg10[%dma_start3A_751, %dma_start3A_752] : memref<32x2048xf32, #tpu.memory_space<vmem>> -> memref<32x128xf32, #tpu.memory_space<vmem>>
        %dma_start3A_754 = arith.constant 0 : i32
        %dma_start3A_755 = tpu.memref_slice %arg5[%dma_start3A_754, %multiple_of3A_745] : memref<32x1000000xf32, #tpu.memory_space<hbm>> -> memref<32x128xf32, #tpu.memory_space<hbm>>
        tpu.enqueue_dma source(%dma_start3A_755 : memref<32x128xf32, #tpu.memory_space<hbm>>) target(%dma_start3A_753 : memref<32x128xf32, #tpu.memory_space<vmem>>) target_semaphore(%arg12 : memref<!tpu.dma_semaphore, #tpu.memory_space<semaphore_mem>>)
        %slice3A_756 = vector.extract_strided_slice %and3A_716 {offsets = [3], sizes = [1], strides = [1]} : vector<16xi32> to vector<1xi32>
        %squeeze3A_757 = vector.extract %slice3A_756[0] : i32 from vector<1xi32>
        %multiple_of3A_758 = tpu.assume_multiple %squeeze3A_757, 128 : i32
        %dma_start3A_759 = arith.constant 0 : i32
        %dma_start3A_760 = arith.constant 384 : i32
        %dma_start3A_761 = tpu.memref_slice %arg10[%dma_start3A_759, %dma_start3A_760] : memref<32x2048xf32, #tpu.memory_space<vmem>> -> memref<32x128xf32, #tpu.memory_space<vmem>>
        %dma_start3A_762 = arith.constant 0 : i32
        %dma_start3A_763 = tpu.memref_slice %arg5[%dma_start3A_762, %multiple_of3A_758] : memref<32x1000000xf32, #tpu.memory_space<hbm>> -> memref<32x128xf32, #tpu.memory_space<hbm>>
        %dma_start3A_764 = arith.constant 0 : i32
        %dma_start3A_765 = arith.constant 384 : i32
        %dma_start3A_766 = tpu.memref_slice %arg10[%dma_start3A_764, %dma_start3A_765] : memref<32x2048xf32, #tpu.memory_space<vmem>> -> memref<32x128xf32, #tpu.memory_space<vmem>>
        %dma_start3A_767 = arith.constant 0 : i32
        %dma_start3A_768 = tpu.memref_slice %arg5[%dma_start3A_767, %multiple_of3A_758] : memref<32x1000000xf32, #tpu.memory_space<hbm>> -> memref<32x128xf32, #tpu.memory_space<hbm>>
        tpu.enqueue_dma source(%dma_start3A_768 : memref<32x128xf32, #tpu.memory_space<hbm>>) target(%dma_start3A_766 : memref<32x128xf32, #tpu.memory_space<vmem>>) target_semaphore(%arg12 : memref<!tpu.dma_semaphore, #tpu.memory_space<semaphore_mem>>)
        %slice3A_769 = vector.extract_strided_slice %and3A_716 {offsets = [4], sizes = [1], strides = [1]} : vector<16xi32> to vector<1xi32>
        %squeeze3A_770 = vector.extract %slice3A_769[0] : i32 from vector<1xi32>
        %multiple_of3A_771 = tpu.assume_multiple %squeeze3A_770, 128 : i32
        %dma_start3A_772 = arith.constant 0 : i32
        %dma_start3A_773 = arith.constant 512 : i32
        %dma_start3A_774 = tpu.memref_slice %arg10[%dma_start3A_772, %dma_start3A_773] : memref<32x2048xf32, #tpu.memory_space<vmem>> -> memref<32x128xf32, #tpu.memory_space<vmem>>
        %dma_start3A_775 = arith.constant 0 : i32
        %dma_start3A_776 = tpu.memref_slice %arg5[%dma_start3A_775, %multiple_of3A_771] : memref<32x1000000xf32, #tpu.memory_space<hbm>> -> memref<32x128xf32, #tpu.memory_space<hbm>>
        %dma_start3A_777 = arith.constant 0 : i32
        %dma_start3A_778 = arith.constant 512 : i32
        %dma_start3A_779 = tpu.memref_slice %arg10[%dma_start3A_777, %dma_start3A_778] : memref<32x2048xf32, #tpu.memory_space<vmem>> -> memref<32x128xf32, #tpu.memory_space<vmem>>
        %dma_start3A_780 = arith.constant 0 : i32
        %dma_start3A_781 = tpu.memref_slice %arg5[%dma_start3A_780, %multiple_of3A_771] : memref<32x1000000xf32, #tpu.memory_space<hbm>> -> memref<32x128xf32, #tpu.memory_space<hbm>>
        tpu.enqueue_dma source(%dma_start3A_781 : memref<32x128xf32, #tpu.memory_space<hbm>>) target(%dma_start3A_779 : memref<32x128xf32, #tpu.memory_space<vmem>>) target_semaphore(%arg12 : memref<!tpu.dma_semaphore, #tpu.memory_space<semaphore_mem>>)
        %slice3A_782 = vector.extract_strided_slice %and3A_716 {offsets = [5], sizes = [1], strides = [1]} : vector<16xi32> to vector<1xi32>
        %squeeze3A_783 = vector.extract %slice3A_782[0] : i32 from vector<1xi32>
        %multiple_of3A_784 = tpu.assume_multiple %squeeze3A_783, 128 : i32
        %dma_start3A_785 = arith.constant 0 : i32
        %dma_start3A_786 = arith.constant 640 : i32
        %dma_start3A_787 = tpu.memref_slice %arg10[%dma_start3A_785, %dma_start3A_786] : memref<32x2048xf32, #tpu.memory_space<vmem>> -> memref<32x128xf32, #tpu.memory_space<vmem>>
        %dma_start3A_788 = arith.constant 0 : i32
        %dma_start3A_789 = tpu.memref_slice %arg5[%dma_start3A_788, %multiple_of3A_784] : memref<32x1000000xf32, #tpu.memory_space<hbm>> -> memref<32x128xf32, #tpu.memory_space<hbm>>
        %dma_start3A_790 = arith.constant 0 : i32
        %dma_start3A_791 = arith.constant 640 : i32
        %dma_start3A_792 = tpu.memref_slice %arg10[%dma_start3A_790, %dma_start3A_791] : memref<32x2048xf32, #tpu.memory_space<vmem>> -> memref<32x128xf32, #tpu.memory_space<vmem>>
        %dma_start3A_793 = arith.constant 0 : i32
        %dma_start3A_794 = tpu.memref_slice %arg5[%dma_start3A_793, %multiple_of3A_784] : memref<32x1000000xf32, #tpu.memory_space<hbm>> -> memref<32x128xf32, #tpu.memory_space<hbm>>
        tpu.enqueue_dma source(%dma_start3A_794 : memref<32x128xf32, #tpu.memory_space<hbm>>) target(%dma_start3A_792 : memref<32x128xf32, #tpu.memory_space<vmem>>) target_semaphore(%arg12 : memref<!tpu.dma_semaphore, #tpu.memory_space<semaphore_mem>>)
        %slice3A_795 = vector.extract_strided_slice %and3A_716 {offsets = [6], sizes = [1], strides = [1]} : vector<16xi32> to vector<1xi32>
        %squeeze3A_796 = vector.extract %slice3A_795[0] : i32 from vector<1xi32>
        %multiple_of3A_797 = tpu.assume_multiple %squeeze3A_796, 128 : i32
        %dma_start3A_798 = arith.constant 0 : i32
        %dma_start3A_799 = arith.constant 768 : i32
        %dma_start3A_800 = tpu.memref_slice %arg10[%dma_start3A_798, %dma_start3A_799] : memref<32x2048xf32, #tpu.memory_space<vmem>> -> memref<32x128xf32, #tpu.memory_space<vmem>>
        %dma_start3A_801 = arith.constant 0 : i32
        %dma_start3A_802 = tpu.memref_slice %arg5[%dma_start3A_801, %multiple_of3A_797] : memref<32x1000000xf32, #tpu.memory_space<hbm>> -> memref<32x128xf32, #tpu.memory_space<hbm>>
        %dma_start3A_803 = arith.constant 0 : i32
        %dma_start3A_804 = arith.constant 768 : i32
        %dma_start3A_805 = tpu.memref_slice %arg10[%dma_start3A_803, %dma_start3A_804] : memref<32x2048xf32, #tpu.memory_space<vmem>> -> memref<32x128xf32, #tpu.memory_space<vmem>>
        %dma_start3A_806 = arith.constant 0 : i32
        %dma_start3A_807 = tpu.memref_slice %arg5[%dma_start3A_806, %multiple_of3A_797] : memref<32x1000000xf32, #tpu.memory_space<hbm>> -> memref<32x128xf32, #tpu.memory_space<hbm>>
        tpu.enqueue_dma source(%dma_start3A_807 : memref<32x128xf32, #tpu.memory_space<hbm>>) target(%dma_start3A_805 : memref<32x128xf32, #tpu.memory_space<vmem>>) target_semaphore(%arg12 : memref<!tpu.dma_semaphore, #tpu.memory_space<semaphore_mem>>)
        %slice3A_808 = vector.extract_strided_slice %and3A_716 {offsets = [7], sizes = [1], strides = [1]} : vector<16xi32> to vector<1xi32>
        %squeeze3A_809 = vector.extract %slice3A_808[0] : i32 from vector<1xi32>
        %multiple_of3A_810 = tpu.assume_multiple %squeeze3A_809, 128 : i32
        %dma_start3A_811 = arith.constant 0 : i32
        %dma_start3A_812 = arith.constant 896 : i32
        %dma_start3A_813 = tpu.memref_slice %arg10[%dma_start3A_811, %dma_start3A_812] : memref<32x2048xf32, #tpu.memory_space<vmem>> -> memref<32x128xf32, #tpu.memory_space<vmem>>
        %dma_start3A_814 = arith.constant 0 : i32
        %dma_start3A_815 = tpu.memref_slice %arg5[%dma_start3A_814, %multiple_of3A_810] : memref<32x1000000xf32, #tpu.memory_space<hbm>> -> memref<32x128xf32, #tpu.memory_space<hbm>>
        %dma_start3A_816 = arith.constant 0 : i32
        %dma_start3A_817 = arith.constant 896 : i32
        %dma_start3A_818 = tpu.memref_slice %arg10[%dma_start3A_816, %dma_start3A_817] : memref<32x2048xf32, #tpu.memory_space<vmem>> -> memref<32x128xf32, #tpu.memory_space<vmem>>
        %dma_start3A_819 = arith.constant 0 : i32
        %dma_start3A_820 = tpu.memref_slice %arg5[%dma_start3A_819, %multiple_of3A_810] : memref<32x1000000xf32, #tpu.memory_space<hbm>> -> memref<32x128xf32, #tpu.memory_space<hbm>>
        tpu.enqueue_dma source(%dma_start3A_820 : memref<32x128xf32, #tpu.memory_space<hbm>>) target(%dma_start3A_818 : memref<32x128xf32, #tpu.memory_space<vmem>>) target_semaphore(%arg12 : memref<!tpu.dma_semaphore, #tpu.memory_space<semaphore_mem>>)
      } else {
      }
      %dma_wait3A_578 = arith.constant 0 : i32
      %dma_wait3A_579 = arith.constant 1024 : i32
      %dma_wait3A_580 = tpu.memref_slice %arg10[%dma_wait3A_578, %dma_wait3A_579] : memref<32x2048xf32, #tpu.memory_space<vmem>> -> memref<32x1024xf32, #tpu.memory_space<vmem>>
      %dma_wait3A_581 = arith.constant 0 : i32
      %dma_wait3A_582 = arith.constant 0 : i32
      %dma_wait3A_583 = tpu.memref_slice %arg5[%dma_wait3A_581, %dma_wait3A_582] : memref<32x1000000xf32, #tpu.memory_space<hbm>> -> memref<32x1024xf32, #tpu.memory_space<hbm>>
      %dma_wait3A_584 = arith.constant 0 : i32
      %dma_wait3A_585 = arith.constant 1024 : i32
      %dma_wait3A_586 = tpu.memref_slice %arg10[%dma_wait3A_584, %dma_wait3A_585] : memref<32x2048xf32, #tpu.memory_space<vmem>> -> memref<32x1024xf32, #tpu.memory_space<vmem>>
      %dma_wait3A_587 = arith.constant 0 : i32
      %dma_wait3A_588 = arith.constant 0 : i32
      %dma_wait3A_589 = tpu.memref_slice %arg5[%dma_wait3A_587, %dma_wait3A_588] : memref<32x1000000xf32, #tpu.memory_space<hbm>> -> memref<32x1024xf32, #tpu.memory_space<hbm>>
      tpu.wait_dma2 semaphore(%arg13 : memref<!tpu.dma_semaphore, #tpu.memory_space<semaphore_mem>>) src(%dma_wait3A_589 : memref<32x1024xf32, #tpu.memory_space<hbm>>) dst(%dma_wait3A_586 : memref<32x1024xf32, #tpu.memory_space<vmem>>)
      %add3A_590 = arith.constant 1 : i32
      %add3A_591 = arith.addi %mul3A_454, %add3A_590 : i32
      %mul3A_592 = arith.constant 8 : i32
      %mul3A_593 = arith.muli %add3A_591, %mul3A_592 : i32
      %get3A_594 = arith.index_cast %mul3A_593 : i32 to index
      %get3A_595 = tpu.vector_load %arg9[%get3A_594] {strides = array<i32>} : memref<528xi32, #tpu.memory_space<vmem>>, vector<16xi32>,
      %add3A_596 = arith.constant 1024 : i32
      %add3A_597 = vector.broadcast %add3A_596 : i32 to vector<16xi32>
      %add3A_598 = arith.addi %add3A_597, %mul3A_9 : vector<16xi32>
      %and3A_599 = arith.constant 127 : i32
      %and3A_600 = vector.broadcast %and3A_599 : i32 to vector<16xi32>
      %and3A_601 = arith.andi %get3A_595, %and3A_600 : vector<16xi32>
      %add3A_602 = arith.addi %add3A_598, %and3A_601 : vector<16xi32>
      %add3A_603 = vector.broadcast %mul3A_593 : i32 to vector<16xi32>
      %add3A_604 = arith.addi %add3A_603, %iota3A : vector<16xi32>
      %broadcast_in_dim3A_605 = arith.constant 0 : i32
      %broadcast_in_dim3A_606 = vector.broadcast %broadcast_in_dim3A_605 : i32 to vector<16xi32>
      %gather3A_607 = tpu.vector_load_idx %arg10[%broadcast_in_dim3A_606, %add3A_602] : memref<32x2048xf32, #tpu.memory_space<vmem>>[vector<16xi32>, vector<16xi32>], vector<16xf32>,
      tpu.vector_store_idx %arg11[%broadcast_in_dim3A_606, %add3A_604], %gather3A_607 masked %lt3A_4 : memref<32x512xf32, #tpu.memory_space<vmem>>[vector<16xi32>, vector<16xi32>], vector<16xf32>, vector<16xi1>
      %broadcast_in_dim3A_608 = arith.constant 1 : i32
      %broadcast_in_dim3A_609 = vector.broadcast %broadcast_in_dim3A_608 : i32 to vector<16xi32>
      %gather3A_610 = tpu.vector_load_idx %arg10[%broadcast_in_dim3A_609, %add3A_602] : memref<32x2048xf32, #tpu.memory_space<vmem>>[vector<16xi32>, vector<16xi32>], vector<16xf32>,
      tpu.vector_store_idx %arg11[%broadcast_in_dim3A_609, %add3A_604], %gather3A_610 masked %lt3A_4 : memref<32x512xf32, #tpu.memory_space<vmem>>[vector<16xi32>, vector<16xi32>], vector<16xf32>, vector<16xi1>
      %broadcast_in_dim3A_611 = arith.constant 2 : i32
      %broadcast_in_dim3A_612 = vector.broadcast %broadcast_in_dim3A_611 : i32 to vector<16xi32>
      %gather3A_613 = tpu.vector_load_idx %arg10[%broadcast_in_dim3A_612, %add3A_602] : memref<32x2048xf32, #tpu.memory_space<vmem>>[vector<16xi32>, vector<16xi32>], vector<16xf32>,
      tpu.vector_store_idx %arg11[%broadcast_in_dim3A_612, %add3A_604], %gather3A_613 masked %lt3A_4 : memref<32x512xf32, #tpu.memory_space<vmem>>[vector<16xi32>, vector<16xi32>], vector<16xf32>, vector<16xi1>
      %broadcast_in_dim3A_614 = arith.constant 3 : i32
      %broadcast_in_dim3A_615 = vector.broadcast %broadcast_in_dim3A_614 : i32 to vector<16xi32>
      %gather3A_616 = tpu.vector_load_idx %arg10[%broadcast_in_dim3A_615, %add3A_602] : memref<32x2048xf32, #tpu.memory_space<vmem>>[vector<16xi32>, vector<16xi32>], vector<16xf32>,
      tpu.vector_store_idx %arg11[%broadcast_in_dim3A_615, %add3A_604], %gather3A_616 masked %lt3A_4 : memref<32x512xf32, #tpu.memory_space<vmem>>[vector<16xi32>, vector<16xi32>], vector<16xf32>, vector<16xi1>
      %broadcast_in_dim3A_617 = arith.constant 4 : i32
      %broadcast_in_dim3A_618 = vector.broadcast %broadcast_in_dim3A_617 : i32 to vector<16xi32>
      %gather3A_619 = tpu.vector_load_idx %arg10[%broadcast_in_dim3A_618, %add3A_602] : memref<32x2048xf32, #tpu.memory_space<vmem>>[vector<16xi32>, vector<16xi32>], vector<16xf32>,
      tpu.vector_store_idx %arg11[%broadcast_in_dim3A_618, %add3A_604], %gather3A_619 masked %lt3A_4 : memref<32x512xf32, #tpu.memory_space<vmem>>[vector<16xi32>, vector<16xi32>], vector<16xf32>, vector<16xi1>
      %broadcast_in_dim3A_620 = arith.constant 5 : i32
      %broadcast_in_dim3A_621 = vector.broadcast %broadcast_in_dim3A_620 : i32 to vector<16xi32>
      %gather3A_622 = tpu.vector_load_idx %arg10[%broadcast_in_dim3A_621, %add3A_602] : memref<32x2048xf32, #tpu.memory_space<vmem>>[vector<16xi32>, vector<16xi32>], vector<16xf32>,
      tpu.vector_store_idx %arg11[%broadcast_in_dim3A_621, %add3A_604], %gather3A_622 masked %lt3A_4 : memref<32x512xf32, #tpu.memory_space<vmem>>[vector<16xi32>, vector<16xi32>], vector<16xf32>, vector<16xi1>
      %broadcast_in_dim3A_623 = arith.constant 6 : i32
      %broadcast_in_dim3A_624 = vector.broadcast %broadcast_in_dim3A_623 : i32 to vector<16xi32>
      %gather3A_625 = tpu.vector_load_idx %arg10[%broadcast_in_dim3A_624, %add3A_602] : memref<32x2048xf32, #tpu.memory_space<vmem>>[vector<16xi32>, vector<16xi32>], vector<16xf32>,
      tpu.vector_store_idx %arg11[%broadcast_in_dim3A_624, %add3A_604], %gather3A_625 masked %lt3A_4 : memref<32x512xf32, #tpu.memory_space<vmem>>[vector<16xi32>, vector<16xi32>], vector<16xf32>, vector<16xi1>
      %broadcast_in_dim3A_626 = arith.constant 7 : i32
      %broadcast_in_dim3A_627 = vector.broadcast %broadcast_in_dim3A_626 : i32 to vector<16xi32>
      %gather3A_628 = tpu.vector_load_idx %arg10[%broadcast_in_dim3A_627, %add3A_602] : memref<32x2048xf32, #tpu.memory_space<vmem>>[vector<16xi32>, vector<16xi32>], vector<16xf32>,
      tpu.vector_store_idx %arg11[%broadcast_in_dim3A_627, %add3A_604], %gather3A_628 masked %lt3A_4 : memref<32x512xf32, #tpu.memory_space<vmem>>[vector<16xi32>, vector<16xi32>], vector<16xf32>, vector<16xi1>
      %broadcast_in_dim3A_629 = arith.constant 8 : i32
      %broadcast_in_dim3A_630 = vector.broadcast %broadcast_in_dim3A_629 : i32 to vector<16xi32>
      %gather3A_631 = tpu.vector_load_idx %arg10[%broadcast_in_dim3A_630, %add3A_602] : memref<32x2048xf32, #tpu.memory_space<vmem>>[vector<16xi32>, vector<16xi32>], vector<16xf32>,
      tpu.vector_store_idx %arg11[%broadcast_in_dim3A_630, %add3A_604], %gather3A_631 masked %lt3A_4 : memref<32x512xf32, #tpu.memory_space<vmem>>[vector<16xi32>, vector<16xi32>], vector<16xf32>, vector<16xi1>
      %broadcast_in_dim3A_632 = arith.constant 9 : i32
      %broadcast_in_dim3A_633 = vector.broadcast %broadcast_in_dim3A_632 : i32 to vector<16xi32>
      %gather3A_634 = tpu.vector_load_idx %arg10[%broadcast_in_dim3A_633, %add3A_602] : memref<32x2048xf32, #tpu.memory_space<vmem>>[vector<16xi32>, vector<16xi32>], vector<16xf32>,
      tpu.vector_store_idx %arg11[%broadcast_in_dim3A_633, %add3A_604], %gather3A_634 masked %lt3A_4 : memref<32x512xf32, #tpu.memory_space<vmem>>[vector<16xi32>, vector<16xi32>], vector<16xf32>, vector<16xi1>
      %broadcast_in_dim3A_635 = arith.constant 10 : i32
      %broadcast_in_dim3A_636 = vector.broadcast %broadcast_in_dim3A_635 : i32 to vector<16xi32>
      %gather3A_637 = tpu.vector_load_idx %arg10[%broadcast_in_dim3A_636, %add3A_602] : memref<32x2048xf32, #tpu.memory_space<vmem>>[vector<16xi32>, vector<16xi32>], vector<16xf32>,
      tpu.vector_store_idx %arg11[%broadcast_in_dim3A_636, %add3A_604], %gather3A_637 masked %lt3A_4 : memref<32x512xf32, #tpu.memory_space<vmem>>[vector<16xi32>, vector<16xi32>], vector<16xf32>, vector<16xi1>
      %broadcast_in_dim3A_638 = arith.constant 11 : i32
      %broadcast_in_dim3A_639 = vector.broadcast %broadcast_in_dim3A_638 : i32 to vector<16xi32>
      %gather3A_640 = tpu.vector_load_idx %arg10[%broadcast_in_dim3A_639, %add3A_602] : memref<32x2048xf32, #tpu.memory_space<vmem>>[vector<16xi32>, vector<16xi32>], vector<16xf32>,
      tpu.vector_store_idx %arg11[%broadcast_in_dim3A_639, %add3A_604], %gather3A_640 masked %lt3A_4 : memref<32x512xf32, #tpu.memory_space<vmem>>[vector<16xi32>, vector<16xi32>], vector<16xf32>, vector<16xi1>
      %broadcast_in_dim3A_641 = arith.constant 12 : i32
      %broadcast_in_dim3A_642 = vector.broadcast %broadcast_in_dim3A_641 : i32 to vector<16xi32>
      %gather3A_643 = tpu.vector_load_idx %arg10[%broadcast_in_dim3A_642, %add3A_602] : memref<32x2048xf32, #tpu.memory_space<vmem>>[vector<16xi32>, vector<16xi32>], vector<16xf32>,
      tpu.vector_store_idx %arg11[%broadcast_in_dim3A_642, %add3A_604], %gather3A_643 masked %lt3A_4 : memref<32x512xf32, #tpu.memory_space<vmem>>[vector<16xi32>, vector<16xi32>], vector<16xf32>, vector<16xi1>
      %broadcast_in_dim3A_644 = arith.constant 13 : i32
      %broadcast_in_dim3A_645 = vector.broadcast %broadcast_in_dim3A_644 : i32 to vector<16xi32>
      %gather3A_646 = tpu.vector_load_idx %arg10[%broadcast_in_dim3A_645, %add3A_602] : memref<32x2048xf32, #tpu.memory_space<vmem>>[vector<16xi32>, vector<16xi32>], vector<16xf32>,
      tpu.vector_store_idx %arg11[%broadcast_in_dim3A_645, %add3A_604], %gather3A_646 masked %lt3A_4 : memref<32x512xf32, #tpu.memory_space<vmem>>[vector<16xi32>, vector<16xi32>], vector<16xf32>, vector<16xi1>
      %broadcast_in_dim3A_647 = arith.constant 14 : i32
      %broadcast_in_dim3A_648 = vector.broadcast %broadcast_in_dim3A_647 : i32 to vector<16xi32>
      %gather3A_649 = tpu.vector_load_idx %arg10[%broadcast_in_dim3A_648, %add3A_602] : memref<32x2048xf32, #tpu.memory_space<vmem>>[vector<16xi32>, vector<16xi32>], vector<16xf32>,
      tpu.vector_store_idx %arg11[%broadcast_in_dim3A_648, %add3A_604], %gather3A_649 masked %lt3A_4 : memref<32x512xf32, #tpu.memory_space<vmem>>[vector<16xi32>, vector<16xi32>], vector<16xf32>, vector<16xi1>
      %broadcast_in_dim3A_650 = arith.constant 15 : i32
      %broadcast_in_dim3A_651 = vector.broadcast %broadcast_in_dim3A_650 : i32 to vector<16xi32>
      %gather3A_652 = tpu.vector_load_idx %arg10[%broadcast_in_dim3A_651, %add3A_602] : memref<32x2048xf32, #tpu.memory_space<vmem>>[vector<16xi32>, vector<16xi32>], vector<16xf32>,
      tpu.vector_store_idx %arg11[%broadcast_in_dim3A_651, %add3A_604], %gather3A_652 masked %lt3A_4 : memref<32x512xf32, #tpu.memory_space<vmem>>[vector<16xi32>, vector<16xi32>], vector<16xf32>, vector<16xi1>
      %broadcast_in_dim3A_653 = arith.constant 16 : i32
      %broadcast_in_dim3A_654 = vector.broadcast %broadcast_in_dim3A_653 : i32 to vector<16xi32>
      %gather3A_655 = tpu.vector_load_idx %arg10[%broadcast_in_dim3A_654, %add3A_602] : memref<32x2048xf32, #tpu.memory_space<vmem>>[vector<16xi32>, vector<16xi32>], vector<16xf32>,
      tpu.vector_store_idx %arg11[%broadcast_in_dim3A_654, %add3A_604], %gather3A_655 masked %lt3A_4 : memref<32x512xf32, #tpu.memory_space<vmem>>[vector<16xi32>, vector<16xi32>], vector<16xf32>, vector<16xi1>
      %broadcast_in_dim3A_656 = arith.constant 17 : i32
      %broadcast_in_dim3A_657 = vector.broadcast %broadcast_in_dim3A_656 : i32 to vector<16xi32>
      %gather3A_658 = tpu.vector_load_idx %arg10[%broadcast_in_dim3A_657, %add3A_602] : memref<32x2048xf32, #tpu.memory_space<vmem>>[vector<16xi32>, vector<16xi32>], vector<16xf32>,
      tpu.vector_store_idx %arg11[%broadcast_in_dim3A_657, %add3A_604], %gather3A_658 masked %lt3A_4 : memref<32x512xf32, #tpu.memory_space<vmem>>[vector<16xi32>, vector<16xi32>], vector<16xf32>, vector<16xi1>
      %broadcast_in_dim3A_659 = arith.constant 18 : i32
      %broadcast_in_dim3A_660 = vector.broadcast %broadcast_in_dim3A_659 : i32 to vector<16xi32>
      %gather3A_661 = tpu.vector_load_idx %arg10[%broadcast_in_dim3A_660, %add3A_602] : memref<32x2048xf32, #tpu.memory_space<vmem>>[vector<16xi32>, vector<16xi32>], vector<16xf32>,
      tpu.vector_store_idx %arg11[%broadcast_in_dim3A_660, %add3A_604], %gather3A_661 masked %lt3A_4 : memref<32x512xf32, #tpu.memory_space<vmem>>[vector<16xi32>, vector<16xi32>], vector<16xf32>, vector<16xi1>
      %broadcast_in_dim3A_662 = arith.constant 19 : i32
      %broadcast_in_dim3A_663 = vector.broadcast %broadcast_in_dim3A_662 : i32 to vector<16xi32>
      %gather3A_664 = tpu.vector_load_idx %arg10[%broadcast_in_dim3A_663, %add3A_602] : memref<32x2048xf32, #tpu.memory_space<vmem>>[vector<16xi32>, vector<16xi32>], vector<16xf32>,
      tpu.vector_store_idx %arg11[%broadcast_in_dim3A_663, %add3A_604], %gather3A_664 masked %lt3A_4 : memref<32x512xf32, #tpu.memory_space<vmem>>[vector<16xi32>, vector<16xi32>], vector<16xf32>, vector<16xi1>
      %broadcast_in_dim3A_665 = arith.constant 20 : i32
      %broadcast_in_dim3A_666 = vector.broadcast %broadcast_in_dim3A_665 : i32 to vector<16xi32>
      %gather3A_667 = tpu.vector_load_idx %arg10[%broadcast_in_dim3A_666, %add3A_602] : memref<32x2048xf32, #tpu.memory_space<vmem>>[vector<16xi32>, vector<16xi32>], vector<16xf32>,
      tpu.vector_store_idx %arg11[%broadcast_in_dim3A_666, %add3A_604], %gather3A_667 masked %lt3A_4 : memref<32x512xf32, #tpu.memory_space<vmem>>[vector<16xi32>, vector<16xi32>], vector<16xf32>, vector<16xi1>
      %broadcast_in_dim3A_668 = arith.constant 21 : i32
      %broadcast_in_dim3A_669 = vector.broadcast %broadcast_in_dim3A_668 : i32 to vector<16xi32>
      %gather3A_670 = tpu.vector_load_idx %arg10[%broadcast_in_dim3A_669, %add3A_602] : memref<32x2048xf32, #tpu.memory_space<vmem>>[vector<16xi32>, vector<16xi32>], vector<16xf32>,
      tpu.vector_store_idx %arg11[%broadcast_in_dim3A_669, %add3A_604], %gather3A_670 masked %lt3A_4 : memref<32x512xf32, #tpu.memory_space<vmem>>[vector<16xi32>, vector<16xi32>], vector<16xf32>, vector<16xi1>
      %broadcast_in_dim3A_671 = arith.constant 22 : i32
      %broadcast_in_dim3A_672 = vector.broadcast %broadcast_in_dim3A_671 : i32 to vector<16xi32>
      %gather3A_673 = tpu.vector_load_idx %arg10[%broadcast_in_dim3A_672, %add3A_602] : memref<32x2048xf32, #tpu.memory_space<vmem>>[vector<16xi32>, vector<16xi32>], vector<16xf32>,
      tpu.vector_store_idx %arg11[%broadcast_in_dim3A_672, %add3A_604], %gather3A_673 masked %lt3A_4 : memref<32x512xf32, #tpu.memory_space<vmem>>[vector<16xi32>, vector<16xi32>], vector<16xf32>, vector<16xi1>
      %broadcast_in_dim3A_674 = arith.constant 23 : i32
      %broadcast_in_dim3A_675 = vector.broadcast %broadcast_in_dim3A_674 : i32 to vector<16xi32>
      %gather3A_676 = tpu.vector_load_idx %arg10[%broadcast_in_dim3A_675, %add3A_602] : memref<32x2048xf32, #tpu.memory_space<vmem>>[vector<16xi32>, vector<16xi32>], vector<16xf32>,
      tpu.vector_store_idx %arg11[%broadcast_in_dim3A_675, %add3A_604], %gather3A_676 masked %lt3A_4 : memref<32x512xf32, #tpu.memory_space<vmem>>[vector<16xi32>, vector<16xi32>], vector<16xf32>, vector<16xi1>
      %broadcast_in_dim3A_677 = arith.constant 24 : i32
      %broadcast_in_dim3A_678 = vector.broadcast %broadcast_in_dim3A_677 : i32 to vector<16xi32>
      %gather3A_679 = tpu.vector_load_idx %arg10[%broadcast_in_dim3A_678, %add3A_602] : memref<32x2048xf32, #tpu.memory_space<vmem>>[vector<16xi32>, vector<16xi32>], vector<16xf32>,
      tpu.vector_store_idx %arg11[%broadcast_in_dim3A_678, %add3A_604], %gather3A_679 masked %lt3A_4 : memref<32x512xf32, #tpu.memory_space<vmem>>[vector<16xi32>, vector<16xi32>], vector<16xf32>, vector<16xi1>
      %broadcast_in_dim3A_680 = arith.constant 25 : i32
      %broadcast_in_dim3A_681 = vector.broadcast %broadcast_in_dim3A_680 : i32 to vector<16xi32>
      %gather3A_682 = tpu.vector_load_idx %arg10[%broadcast_in_dim3A_681, %add3A_602] : memref<32x2048xf32, #tpu.memory_space<vmem>>[vector<16xi32>, vector<16xi32>], vector<16xf32>,
      tpu.vector_store_idx %arg11[%broadcast_in_dim3A_681, %add3A_604], %gather3A_682 masked %lt3A_4 : memref<32x512xf32, #tpu.memory_space<vmem>>[vector<16xi32>, vector<16xi32>], vector<16xf32>, vector<16xi1>
      %broadcast_in_dim3A_683 = arith.constant 26 : i32
      %broadcast_in_dim3A_684 = vector.broadcast %broadcast_in_dim3A_683 : i32 to vector<16xi32>
      %gather3A_685 = tpu.vector_load_idx %arg10[%broadcast_in_dim3A_684, %add3A_602] : memref<32x2048xf32, #tpu.memory_space<vmem>>[vector<16xi32>, vector<16xi32>], vector<16xf32>,
      tpu.vector_store_idx %arg11[%broadcast_in_dim3A_684, %add3A_604], %gather3A_685 masked %lt3A_4 : memref<32x512xf32, #tpu.memory_space<vmem>>[vector<16xi32>, vector<16xi32>], vector<16xf32>, vector<16xi1>
      %broadcast_in_dim3A_686 = arith.constant 27 : i32
      %broadcast_in_dim3A_687 = vector.broadcast %broadcast_in_dim3A_686 : i32 to vector<16xi32>
      %gather3A_688 = tpu.vector_load_idx %arg10[%broadcast_in_dim3A_687, %add3A_602] : memref<32x2048xf32, #tpu.memory_space<vmem>>[vector<16xi32>, vector<16xi32>], vector<16xf32>,
      tpu.vector_store_idx %arg11[%broadcast_in_dim3A_687, %add3A_604], %gather3A_688 masked %lt3A_4 : memref<32x512xf32, #tpu.memory_space<vmem>>[vector<16xi32>, vector<16xi32>], vector<16xf32>, vector<16xi1>
      %broadcast_in_dim3A_689 = arith.constant 28 : i32
      %broadcast_in_dim3A_690 = vector.broadcast %broadcast_in_dim3A_689 : i32 to vector<16xi32>
      %gather3A_691 = tpu.vector_load_idx %arg10[%broadcast_in_dim3A_690, %add3A_602] : memref<32x2048xf32, #tpu.memory_space<vmem>>[vector<16xi32>, vector<16xi32>], vector<16xf32>,
      tpu.vector_store_idx %arg11[%broadcast_in_dim3A_690, %add3A_604], %gather3A_691 masked %lt3A_4 : memref<32x512xf32, #tpu.memory_space<vmem>>[vector<16xi32>, vector<16xi32>], vector<16xf32>, vector<16xi1>
      %broadcast_in_dim3A_692 = arith.constant 29 : i32
      %broadcast_in_dim3A_693 = vector.broadcast %broadcast_in_dim3A_692 : i32 to vector<16xi32>
      %gather3A_694 = tpu.vector_load_idx %arg10[%broadcast_in_dim3A_693, %add3A_602] : memref<32x2048xf32, #tpu.memory_space<vmem>>[vector<16xi32>, vector<16xi32>], vector<16xf32>,
      tpu.vector_store_idx %arg11[%broadcast_in_dim3A_693, %add3A_604], %gather3A_694 masked %lt3A_4 : memref<32x512xf32, #tpu.memory_space<vmem>>[vector<16xi32>, vector<16xi32>], vector<16xf32>, vector<16xi1>
      %broadcast_in_dim3A_695 = arith.constant 30 : i32
      %broadcast_in_dim3A_696 = vector.broadcast %broadcast_in_dim3A_695 : i32 to vector<16xi32>
      %gather3A_697 = tpu.vector_load_idx %arg10[%broadcast_in_dim3A_696, %add3A_602] : memref<32x2048xf32, #tpu.memory_space<vmem>>[vector<16xi32>, vector<16xi32>], vector<16xf32>,
      tpu.vector_store_idx %arg11[%broadcast_in_dim3A_696, %add3A_604], %gather3A_697 masked %lt3A_4 : memref<32x512xf32, #tpu.memory_space<vmem>>[vector<16xi32>, vector<16xi32>], vector<16xf32>, vector<16xi1>
      %broadcast_in_dim3A_698 = arith.constant 31 : i32
      %broadcast_in_dim3A_699 = vector.broadcast %broadcast_in_dim3A_698 : i32 to vector<16xi32>
      %gather3A_700 = tpu.vector_load_idx %arg10[%broadcast_in_dim3A_699, %add3A_602] : memref<32x2048xf32, #tpu.memory_space<vmem>>[vector<16xi32>, vector<16xi32>], vector<16xf32>,
      tpu.vector_store_idx %arg11[%broadcast_in_dim3A_699, %add3A_604], %gather3A_700 masked %lt3A_4 : memref<32x512xf32, #tpu.memory_space<vmem>>[vector<16xi32>, vector<16xi32>], vector<16xf32>, vector<16xi1>
      %add3A_701 = arith.constant 3 : i32
      %add3A_702 = arith.addi %mul3A_454, %add3A_701 : i32
      %lt3A_703 = arith.constant 64 : i32
      %lt3A_704 = arith.cmpi slt, %add3A_702, %lt3A_703 : i32
      %convert_element_type3A_705 = arith.extui %lt3A_704 : i1 to i32
      %cond3A_706 = arith.constant 0 : i32
      %cond3A_707 = arith.cmpi ne, %convert_element_type3A_705, %cond3A_706 : i32
      scf.if %cond3A_707 {
        %add3A_708 = arith.constant 3 : i32
        %add3A_709 = arith.addi %mul3A_454, %add3A_708 : i32
        %mul3A_710 = arith.constant 8 : i32
        %mul3A_711 = arith.muli %add3A_709, %mul3A_710 : i32
        %get3A_712 = arith.index_cast %mul3A_711 : i32 to index
        %get3A_713 = tpu.vector_load %arg9[%get3A_712] {strides = array<i32>} : memref<528xi32, #tpu.memory_space<vmem>>, vector<16xi32>,
        %and3A_714 = arith.constant -128 : i32
        %and3A_715 = vector.broadcast %and3A_714 : i32 to vector<16xi32>
        %and3A_716 = arith.andi %get3A_713, %and3A_715 : vector<16xi32>
        %slice3A_717 = vector.extract_strided_slice %and3A_716 {offsets = [0], sizes = [1], strides = [1]} : vector<16xi32> to vector<1xi32>
        %squeeze3A_718 = vector.extract %slice3A_717[0] : i32 from vector<1xi32>
        %multiple_of3A_719 = tpu.assume_multiple %squeeze3A_718, 128 : i32
        %dma_start3A_720 = arith.constant 0 : i32
        %dma_start3A_721 = arith.constant 1024 : i32
        %dma_start3A_722 = tpu.memref_slice %arg10[%dma_start3A_720, %dma_start3A_721] : memref<32x2048xf32, #tpu.memory_space<vmem>> -> memref<32x128xf32, #tpu.memory_space<vmem>>
        %dma_start3A_723 = arith.constant 0 : i32
        %dma_start3A_724 = tpu.memref_slice %arg5[%dma_start3A_723, %multiple_of3A_719] : memref<32x1000000xf32, #tpu.memory_space<hbm>> -> memref<32x128xf32, #tpu.memory_space<hbm>>
        %dma_start3A_725 = arith.constant 0 : i32
        %dma_start3A_726 = arith.constant 1024 : i32
        %dma_start3A_727 = tpu.memref_slice %arg10[%dma_start3A_725, %dma_start3A_726] : memref<32x2048xf32, #tpu.memory_space<vmem>> -> memref<32x128xf32, #tpu.memory_space<vmem>>
        %dma_start3A_728 = arith.constant 0 : i32
        %dma_start3A_729 = tpu.memref_slice %arg5[%dma_start3A_728, %multiple_of3A_719] : memref<32x1000000xf32, #tpu.memory_space<hbm>> -> memref<32x128xf32, #tpu.memory_space<hbm>>
        tpu.enqueue_dma source(%dma_start3A_729 : memref<32x128xf32, #tpu.memory_space<hbm>>) target(%dma_start3A_727 : memref<32x128xf32, #tpu.memory_space<vmem>>) target_semaphore(%arg13 : memref<!tpu.dma_semaphore, #tpu.memory_space<semaphore_mem>>)
        %slice3A_730 = vector.extract_strided_slice %and3A_716 {offsets = [1], sizes = [1], strides = [1]} : vector<16xi32> to vector<1xi32>
        %squeeze3A_731 = vector.extract %slice3A_730[0] : i32 from vector<1xi32>
        %multiple_of3A_732 = tpu.assume_multiple %squeeze3A_731, 128 : i32
        %dma_start3A_733 = arith.constant 0 : i32
        %dma_start3A_734 = arith.constant 1152 : i32
        %dma_start3A_735 = tpu.memref_slice %arg10[%dma_start3A_733, %dma_start3A_734] : memref<32x2048xf32, #tpu.memory_space<vmem>> -> memref<32x128xf32, #tpu.memory_space<vmem>>
        %dma_start3A_736 = arith.constant 0 : i32
        %dma_start3A_737 = tpu.memref_slice %arg5[%dma_start3A_736, %multiple_of3A_732] : memref<32x1000000xf32, #tpu.memory_space<hbm>> -> memref<32x128xf32, #tpu.memory_space<hbm>>
        %dma_start3A_738 = arith.constant 0 : i32
        %dma_start3A_739 = arith.constant 1152 : i32
        %dma_start3A_740 = tpu.memref_slice %arg10[%dma_start3A_738, %dma_start3A_739] : memref<32x2048xf32, #tpu.memory_space<vmem>> -> memref<32x128xf32, #tpu.memory_space<vmem>>
        %dma_start3A_741 = arith.constant 0 : i32
        %dma_start3A_742 = tpu.memref_slice %arg5[%dma_start3A_741, %multiple_of3A_732] : memref<32x1000000xf32, #tpu.memory_space<hbm>> -> memref<32x128xf32, #tpu.memory_space<hbm>>
        tpu.enqueue_dma source(%dma_start3A_742 : memref<32x128xf32, #tpu.memory_space<hbm>>) target(%dma_start3A_740 : memref<32x128xf32, #tpu.memory_space<vmem>>) target_semaphore(%arg13 : memref<!tpu.dma_semaphore, #tpu.memory_space<semaphore_mem>>)
        %slice3A_743 = vector.extract_strided_slice %and3A_716 {offsets = [2], sizes = [1], strides = [1]} : vector<16xi32> to vector<1xi32>
        %squeeze3A_744 = vector.extract %slice3A_743[0] : i32 from vector<1xi32>
        %multiple_of3A_745 = tpu.assume_multiple %squeeze3A_744, 128 : i32
        %dma_start3A_746 = arith.constant 0 : i32
        %dma_start3A_747 = arith.constant 1280 : i32
        %dma_start3A_748 = tpu.memref_slice %arg10[%dma_start3A_746, %dma_start3A_747] : memref<32x2048xf32, #tpu.memory_space<vmem>> -> memref<32x128xf32, #tpu.memory_space<vmem>>
        %dma_start3A_749 = arith.constant 0 : i32
        %dma_start3A_750 = tpu.memref_slice %arg5[%dma_start3A_749, %multiple_of3A_745] : memref<32x1000000xf32, #tpu.memory_space<hbm>> -> memref<32x128xf32, #tpu.memory_space<hbm>>
        %dma_start3A_751 = arith.constant 0 : i32
        %dma_start3A_752 = arith.constant 1280 : i32
        %dma_start3A_753 = tpu.memref_slice %arg10[%dma_start3A_751, %dma_start3A_752] : memref<32x2048xf32, #tpu.memory_space<vmem>> -> memref<32x128xf32, #tpu.memory_space<vmem>>
        %dma_start3A_754 = arith.constant 0 : i32
        %dma_start3A_755 = tpu.memref_slice %arg5[%dma_start3A_754, %multiple_of3A_745] : memref<32x1000000xf32, #tpu.memory_space<hbm>> -> memref<32x128xf32, #tpu.memory_space<hbm>>
        tpu.enqueue_dma source(%dma_start3A_755 : memref<32x128xf32, #tpu.memory_space<hbm>>) target(%dma_start3A_753 : memref<32x128xf32, #tpu.memory_space<vmem>>) target_semaphore(%arg13 : memref<!tpu.dma_semaphore, #tpu.memory_space<semaphore_mem>>)
        %slice3A_756 = vector.extract_strided_slice %and3A_716 {offsets = [3], sizes = [1], strides = [1]} : vector<16xi32> to vector<1xi32>
        %squeeze3A_757 = vector.extract %slice3A_756[0] : i32 from vector<1xi32>
        %multiple_of3A_758 = tpu.assume_multiple %squeeze3A_757, 128 : i32
        %dma_start3A_759 = arith.constant 0 : i32
        %dma_start3A_760 = arith.constant 1408 : i32
        %dma_start3A_761 = tpu.memref_slice %arg10[%dma_start3A_759, %dma_start3A_760] : memref<32x2048xf32, #tpu.memory_space<vmem>> -> memref<32x128xf32, #tpu.memory_space<vmem>>
        %dma_start3A_762 = arith.constant 0 : i32
        %dma_start3A_763 = tpu.memref_slice %arg5[%dma_start3A_762, %multiple_of3A_758] : memref<32x1000000xf32, #tpu.memory_space<hbm>> -> memref<32x128xf32, #tpu.memory_space<hbm>>
        %dma_start3A_764 = arith.constant 0 : i32
        %dma_start3A_765 = arith.constant 1408 : i32
        %dma_start3A_766 = tpu.memref_slice %arg10[%dma_start3A_764, %dma_start3A_765] : memref<32x2048xf32, #tpu.memory_space<vmem>> -> memref<32x128xf32, #tpu.memory_space<vmem>>
        %dma_start3A_767 = arith.constant 0 : i32
        %dma_start3A_768 = tpu.memref_slice %arg5[%dma_start3A_767, %multiple_of3A_758] : memref<32x1000000xf32, #tpu.memory_space<hbm>> -> memref<32x128xf32, #tpu.memory_space<hbm>>
        tpu.enqueue_dma source(%dma_start3A_768 : memref<32x128xf32, #tpu.memory_space<hbm>>) target(%dma_start3A_766 : memref<32x128xf32, #tpu.memory_space<vmem>>) target_semaphore(%arg13 : memref<!tpu.dma_semaphore, #tpu.memory_space<semaphore_mem>>)
        %slice3A_769 = vector.extract_strided_slice %and3A_716 {offsets = [4], sizes = [1], strides = [1]} : vector<16xi32> to vector<1xi32>
        %squeeze3A_770 = vector.extract %slice3A_769[0] : i32 from vector<1xi32>
        %multiple_of3A_771 = tpu.assume_multiple %squeeze3A_770, 128 : i32
        %dma_start3A_772 = arith.constant 0 : i32
        %dma_start3A_773 = arith.constant 1536 : i32
        %dma_start3A_774 = tpu.memref_slice %arg10[%dma_start3A_772, %dma_start3A_773] : memref<32x2048xf32, #tpu.memory_space<vmem>> -> memref<32x128xf32, #tpu.memory_space<vmem>>
        %dma_start3A_775 = arith.constant 0 : i32
        %dma_start3A_776 = tpu.memref_slice %arg5[%dma_start3A_775, %multiple_of3A_771] : memref<32x1000000xf32, #tpu.memory_space<hbm>> -> memref<32x128xf32, #tpu.memory_space<hbm>>
        %dma_start3A_777 = arith.constant 0 : i32
        %dma_start3A_778 = arith.constant 1536 : i32
        %dma_start3A_779 = tpu.memref_slice %arg10[%dma_start3A_777, %dma_start3A_778] : memref<32x2048xf32, #tpu.memory_space<vmem>> -> memref<32x128xf32, #tpu.memory_space<vmem>>
        %dma_start3A_780 = arith.constant 0 : i32
        %dma_start3A_781 = tpu.memref_slice %arg5[%dma_start3A_780, %multiple_of3A_771] : memref<32x1000000xf32, #tpu.memory_space<hbm>> -> memref<32x128xf32, #tpu.memory_space<hbm>>
        tpu.enqueue_dma source(%dma_start3A_781 : memref<32x128xf32, #tpu.memory_space<hbm>>) target(%dma_start3A_779 : memref<32x128xf32, #tpu.memory_space<vmem>>) target_semaphore(%arg13 : memref<!tpu.dma_semaphore, #tpu.memory_space<semaphore_mem>>)
        %slice3A_782 = vector.extract_strided_slice %and3A_716 {offsets = [5], sizes = [1], strides = [1]} : vector<16xi32> to vector<1xi32>
        %squeeze3A_783 = vector.extract %slice3A_782[0] : i32 from vector<1xi32>
        %multiple_of3A_784 = tpu.assume_multiple %squeeze3A_783, 128 : i32
        %dma_start3A_785 = arith.constant 0 : i32
        %dma_start3A_786 = arith.constant 1664 : i32
        %dma_start3A_787 = tpu.memref_slice %arg10[%dma_start3A_785, %dma_start3A_786] : memref<32x2048xf32, #tpu.memory_space<vmem>> -> memref<32x128xf32, #tpu.memory_space<vmem>>
        %dma_start3A_788 = arith.constant 0 : i32
        %dma_start3A_789 = tpu.memref_slice %arg5[%dma_start3A_788, %multiple_of3A_784] : memref<32x1000000xf32, #tpu.memory_space<hbm>> -> memref<32x128xf32, #tpu.memory_space<hbm>>
        %dma_start3A_790 = arith.constant 0 : i32
        %dma_start3A_791 = arith.constant 1664 : i32
        %dma_start3A_792 = tpu.memref_slice %arg10[%dma_start3A_790, %dma_start3A_791] : memref<32x2048xf32, #tpu.memory_space<vmem>> -> memref<32x128xf32, #tpu.memory_space<vmem>>
        %dma_start3A_793 = arith.constant 0 : i32
        %dma_start3A_794 = tpu.memref_slice %arg5[%dma_start3A_793, %multiple_of3A_784] : memref<32x1000000xf32, #tpu.memory_space<hbm>> -> memref<32x128xf32, #tpu.memory_space<hbm>>
        tpu.enqueue_dma source(%dma_start3A_794 : memref<32x128xf32, #tpu.memory_space<hbm>>) target(%dma_start3A_792 : memref<32x128xf32, #tpu.memory_space<vmem>>) target_semaphore(%arg13 : memref<!tpu.dma_semaphore, #tpu.memory_space<semaphore_mem>>)
        %slice3A_795 = vector.extract_strided_slice %and3A_716 {offsets = [6], sizes = [1], strides = [1]} : vector<16xi32> to vector<1xi32>
        %squeeze3A_796 = vector.extract %slice3A_795[0] : i32 from vector<1xi32>
        %multiple_of3A_797 = tpu.assume_multiple %squeeze3A_796, 128 : i32
        %dma_start3A_798 = arith.constant 0 : i32
        %dma_start3A_799 = arith.constant 1792 : i32
        %dma_start3A_800 = tpu.memref_slice %arg10[%dma_start3A_798, %dma_start3A_799] : memref<32x2048xf32, #tpu.memory_space<vmem>> -> memref<32x128xf32, #tpu.memory_space<vmem>>
        %dma_start3A_801 = arith.constant 0 : i32
        %dma_start3A_802 = tpu.memref_slice %arg5[%dma_start3A_801, %multiple_of3A_797] : memref<32x1000000xf32, #tpu.memory_space<hbm>> -> memref<32x128xf32, #tpu.memory_space<hbm>>
        %dma_start3A_803 = arith.constant 0 : i32
        %dma_start3A_804 = arith.constant 1792 : i32
        %dma_start3A_805 = tpu.memref_slice %arg10[%dma_start3A_803, %dma_start3A_804] : memref<32x2048xf32, #tpu.memory_space<vmem>> -> memref<32x128xf32, #tpu.memory_space<vmem>>
        %dma_start3A_806 = arith.constant 0 : i32
        %dma_start3A_807 = tpu.memref_slice %arg5[%dma_start3A_806, %multiple_of3A_797] : memref<32x1000000xf32, #tpu.memory_space<hbm>> -> memref<32x128xf32, #tpu.memory_space<hbm>>
        tpu.enqueue_dma source(%dma_start3A_807 : memref<32x128xf32, #tpu.memory_space<hbm>>) target(%dma_start3A_805 : memref<32x128xf32, #tpu.memory_space<vmem>>) target_semaphore(%arg13 : memref<!tpu.dma_semaphore, #tpu.memory_space<semaphore_mem>>)
        %slice3A_808 = vector.extract_strided_slice %and3A_716 {offsets = [7], sizes = [1], strides = [1]} : vector<16xi32> to vector<1xi32>
        %squeeze3A_809 = vector.extract %slice3A_808[0] : i32 from vector<1xi32>
        %multiple_of3A_810 = tpu.assume_multiple %squeeze3A_809, 128 : i32
        %dma_start3A_811 = arith.constant 0 : i32
        %dma_start3A_812 = arith.constant 1920 : i32
        %dma_start3A_813 = tpu.memref_slice %arg10[%dma_start3A_811, %dma_start3A_812] : memref<32x2048xf32, #tpu.memory_space<vmem>> -> memref<32x128xf32, #tpu.memory_space<vmem>>
        %dma_start3A_814 = arith.constant 0 : i32
        %dma_start3A_815 = tpu.memref_slice %arg5[%dma_start3A_814, %multiple_of3A_810] : memref<32x1000000xf32, #tpu.memory_space<hbm>> -> memref<32x128xf32, #tpu.memory_space<hbm>>
        %dma_start3A_816 = arith.constant 0 : i32
        %dma_start3A_817 = arith.constant 1920 : i32
        %dma_start3A_818 = tpu.memref_slice %arg10[%dma_start3A_816, %dma_start3A_817] : memref<32x2048xf32, #tpu.memory_space<vmem>> -> memref<32x128xf32, #tpu.memory_space<vmem>>
        %dma_start3A_819 = arith.constant 0 : i32
        %dma_start3A_820 = tpu.memref_slice %arg5[%dma_start3A_819, %multiple_of3A_810] : memref<32x1000000xf32, #tpu.memory_space<hbm>> -> memref<32x128xf32, #tpu.memory_space<hbm>>
        tpu.enqueue_dma source(%dma_start3A_820 : memref<32x128xf32, #tpu.memory_space<hbm>>) target(%dma_start3A_818 : memref<32x128xf32, #tpu.memory_space<vmem>>) target_semaphore(%arg13 : memref<!tpu.dma_semaphore, #tpu.memory_space<semaphore_mem>>)
      } else {
      }
    }
    %scan3A_451 = arith.constant 32 : i32
    "tpu.region"() ({
      %run_scoped3A = tpu.sem_alloc : memref<!tpu.dma_semaphore, #tpu.memory_space<semaphore_mem>>
      %dma_start3A_452 = arith.constant 0 : i32
      %dma_start3A_453 = tpu.memref_slice %arg7[%dma_start3A_452, %mul3A_2] : memref<32x16384xf32, #tpu.memory_space<hbm>> -> memref<32x512xf32, #tpu.memory_space<hbm>>
      %dma_start3A_454 = arith.constant 0 : i32
      %dma_start3A_455 = tpu.memref_slice %arg7[%dma_start3A_454, %mul3A_2] : memref<32x16384xf32, #tpu.memory_space<hbm>> -> memref<32x512xf32, #tpu.memory_space<hbm>>
      tpu.enqueue_dma source(%arg11 : memref<32x512xf32, #tpu.memory_space<vmem>>) target(%dma_start3A_455 : memref<32x512xf32, #tpu.memory_space<hbm>>) target_semaphore(%run_scoped3A : memref<!tpu.dma_semaphore, #tpu.memory_space<semaphore_mem>>)
      %dma_wait3A = arith.constant 0 : i32
      %dma_wait3A_456 = tpu.memref_slice %arg7[%dma_wait3A, %mul3A_2] : memref<32x16384xf32, #tpu.memory_space<hbm>> -> memref<32x512xf32, #tpu.memory_space<hbm>>
      %dma_wait3A_457 = arith.constant 0 : i32
      %dma_wait3A_458 = tpu.memref_slice %arg7[%dma_wait3A_457, %mul3A_2] : memref<32x16384xf32, #tpu.memory_space<hbm>> -> memref<32x512xf32, #tpu.memory_space<hbm>>
      tpu.wait_dma2 semaphore(%run_scoped3A : memref<!tpu.dma_semaphore, #tpu.memory_space<semaphore_mem>>) src(%arg11 : memref<32x512xf32, #tpu.memory_space<vmem>>) dst(%dma_wait3A_458 : memref<32x512xf32, #tpu.memory_space<hbm>>)
      tpu.yield
    }) : () -> ()
    return
  }
}

module attributes {stable_mosaic.version = 14 : i64} {
  func.func @_mlp_body(%arg0: i32, %arg1: memref<32x2048xf32, #tpu.memory_space<vmem>>, %arg2: memref<32x2048xf32, #tpu.memory_space<vmem>>, %arg3: memref<64x32xf32, #tpu.memory_space<vmem>>, %arg4: memref<64x32xf32, #tpu.memory_space<vmem>>, %arg5: memref<64x1xf32, #tpu.memory_space<vmem>>, %arg6: memref<32x64xf32, #tpu.memory_space<vmem>>, %arg7: memref<32x1xf32, #tpu.memory_space<vmem>>, %arg8: memref<1x32xf32, #tpu.memory_space<vmem>>, %arg9: memref<1xf32, #tpu.memory_space<vmem>>, %arg10: memref<2048xf32, #tpu.memory_space<vmem>>) attributes {dimension_semantics = [#tpu.dimension_semantics<arbitrary>], iteration_bounds = array<i64: 8>, scalar_prefetch = 0 : i64, scratch_operands = 0 : i64, tpu.core_type = #tpu.core_type<tc>, window_params = [{transform_indices = @transform_0, window_bounds = array<i64: 32, 2048>}, {transform_indices = @transform_1, window_bounds = array<i64: 32, 2048>}, {pipeline_mode = #tpu.pipeline_mode<synchronous>, transform_indices = @transform_2, window_bounds = array<i64: 64, 32>}, {pipeline_mode = #tpu.pipeline_mode<synchronous>, transform_indices = @transform_3, window_bounds = array<i64: 64, 32>}, {pipeline_mode = #tpu.pipeline_mode<synchronous>, transform_indices = @transform_4, window_bounds = array<i64: 64, 1>}, {pipeline_mode = #tpu.pipeline_mode<synchronous>, transform_indices = @transform_5, window_bounds = array<i64: 32, 64>}, {pipeline_mode = #tpu.pipeline_mode<synchronous>, transform_indices = @transform_6, window_bounds = array<i64: 32, 1>}, {pipeline_mode = #tpu.pipeline_mode<synchronous>, transform_indices = @transform_7, window_bounds = array<i64: 1, 32>}, {pipeline_mode = #tpu.pipeline_mode<synchronous>, transform_indices = @transform_8, window_bounds = array<i64: 1>}, {transform_indices = @transform_9, window_bounds = array<i64: 2048>}]} {
    %get3A = arith.constant 0 : index
    %get3A_0 = arith.constant 0 : index
    %get3A_1 = vector.load %arg3[%get3A, %get3A_0] : memref<64x32xf32, #tpu.memory_space<vmem>>, vector<64x32xf32>
    %get3A_2 = arith.constant 0 : index
    %get3A_3 = arith.constant 0 : index
    %get3A_4 = vector.load %arg1[%get3A_2, %get3A_3] : memref<32x2048xf32, #tpu.memory_space<vmem>>, vector<32x2048xf32>
    %dot_general3A = arith.constant dense<0.000000e+00> : vector<64x2048xf32>
    %dot_general3A_5 = tpu.matmul %get3A_1, %get3A_4, %dot_general3A {dimension_numbers = #tpu.dot_dimension_numbers<[1], [0], [0], [1], [0, 0, 1, 1], [], []>, transpose_lhs_hint = false} : vector<64x32xf32>, vector<32x2048xf32>, vector<64x2048xf32> -> vector<64x2048xf32>
    %get3A_6 = arith.constant 0 : index
    %get3A_7 = arith.constant 0 : index
    %get3A_8 = vector.load %arg4[%get3A_6, %get3A_7] : memref<64x32xf32, #tpu.memory_space<vmem>>, vector<64x32xf32>
    %get3A_9 = arith.constant 0 : index
    %get3A_10 = arith.constant 0 : index
    %get3A_11 = vector.load %arg2[%get3A_9, %get3A_10] : memref<32x2048xf32, #tpu.memory_space<vmem>>, vector<32x2048xf32>
    %dot_general3A_12 = arith.constant dense<0.000000e+00> : vector<64x2048xf32>
    %dot_general3A_13 = tpu.matmul %get3A_8, %get3A_11, %dot_general3A_12 {dimension_numbers = #tpu.dot_dimension_numbers<[1], [0], [0], [1], [0, 0, 1, 1], [], []>, transpose_lhs_hint = false} : vector<64x32xf32>, vector<32x2048xf32>, vector<64x2048xf32> -> vector<64x2048xf32>
    %add3A = arith.addf %dot_general3A_5, %dot_general3A_13 : vector<64x2048xf32>
    %get3A_14 = arith.constant 0 : index
    %get3A_15 = arith.constant 0 : index
    %get3A_16 = vector.load %arg5[%get3A_14, %get3A_15] : memref<64x1xf32, #tpu.memory_space<vmem>>, vector<64x1xf32>
    %add3A_17 = vector.broadcast %get3A_16 : vector<64x1xf32> to vector<64x2048xf32>
    %add3A_18 = arith.addf %add3A, %add3A_17 : vector<64x2048xf32>
    %max3A = arith.constant 0.000000e+00 : f32
    %max3A_19 = vector.broadcast %max3A : f32 to vector<64x2048xf32>
    %max3A_20 = arith.maximumf %add3A_18, %max3A_19 : vector<64x2048xf32>
    %get3A_21 = arith.constant 0 : index
    %get3A_22 = arith.constant 0 : index
    %get3A_23 = vector.load %arg6[%get3A_21, %get3A_22] : memref<32x64xf32, #tpu.memory_space<vmem>>, vector<32x64xf32>
    %dot_general3A_24 = arith.constant dense<0.000000e+00> : vector<32x2048xf32>
    %dot_general3A_25 = tpu.matmul %get3A_23, %max3A_20, %dot_general3A_24 {dimension_numbers = #tpu.dot_dimension_numbers<[1], [0], [0], [1], [0, 0, 1, 1], [], []>, transpose_lhs_hint = false} : vector<32x64xf32>, vector<64x2048xf32>, vector<32x2048xf32> -> vector<32x2048xf32>
    %get3A_26 = arith.constant 0 : index
    %get3A_27 = arith.constant 0 : index
    %get3A_28 = vector.load %arg7[%get3A_26, %get3A_27] : memref<32x1xf32, #tpu.memory_space<vmem>>, vector<32x1xf32>
    %add3A_29 = vector.broadcast %get3A_28 : vector<32x1xf32> to vector<32x2048xf32>
    %add3A_30 = arith.addf %dot_general3A_25, %add3A_29 : vector<32x2048xf32>
    %max3A_31 = arith.constant 0.000000e+00 : f32
    %max3A_32 = vector.broadcast %max3A_31 : f32 to vector<32x2048xf32>
    %max3A_33 = arith.maximumf %add3A_30, %max3A_32 : vector<32x2048xf32>
    %get3A_34 = arith.constant 0 : index
    %get3A_35 = arith.constant 0 : index
    %get3A_36 = vector.load %arg8[%get3A_34, %get3A_35] : memref<1x32xf32, #tpu.memory_space<vmem>>, vector<1x32xf32>
    %dot_general3A_37 = arith.constant dense<0.000000e+00> : vector<1x2048xf32>
    %dot_general3A_38 = tpu.matmul %get3A_36, %max3A_33, %dot_general3A_37 {dimension_numbers = #tpu.dot_dimension_numbers<[1], [0], [0], [1], [0, 0, 1, 1], [], []>, transpose_lhs_hint = false} : vector<1x32xf32>, vector<32x2048xf32>, vector<1x2048xf32> -> vector<1x2048xf32>
    %squeeze3A = vector.shape_cast %dot_general3A_38 : vector<1x2048xf32> to vector<2048xf32>
    %get3A_39 = arith.constant 0 : index
    %get3A_40 = vector.load %arg9[%get3A_39] : memref<1xf32, #tpu.memory_space<vmem>>, vector<1xf32>
    %get3A_41 = vector.extract %get3A_40[0] : f32 from vector<1xf32>
    %add3A_42 = vector.broadcast %get3A_41 : f32 to vector<2048xf32>
    %add3A_43 = arith.addf %squeeze3A, %add3A_42 : vector<2048xf32>
    %swap3A = arith.constant 0 : index
    %swap3A_44 = vector.load %arg10[%swap3A] : memref<2048xf32, #tpu.memory_space<vmem>>, vector<2048xf32>
    tpu.vector_store %arg10[%swap3A], %add3A_43 {strides = array<i32>} : memref<2048xf32, #tpu.memory_space<vmem>>, vector<2048xf32>,
    return
  }
  func.func @transform_0(%arg0: i32) -> (i32, i32) {
    %c0_i32 = arith.constant 0 : i32
    %c0_i32_0 = arith.constant 0 : i32
    return %c0_i32, %arg0 : i32, i32
  }
  func.func @transform_1(%arg0: i32) -> (i32, i32) {
    %c0_i32 = arith.constant 0 : i32
    %c0_i32_0 = arith.constant 0 : i32
    return %c0_i32, %arg0 : i32, i32
  }
  func.func @transform_2(%arg0: i32) -> (i32, i32) {
    %c0_i32 = arith.constant 0 : i32
    %c0_i32_0 = arith.constant 0 : i32
    %c0_i32_1 = arith.constant 0 : i32
    return %c0_i32, %c0_i32_0 : i32, i32
  }
  func.func @transform_3(%arg0: i32) -> (i32, i32) {
    %c0_i32 = arith.constant 0 : i32
    %c0_i32_0 = arith.constant 0 : i32
    %c0_i32_1 = arith.constant 0 : i32
    return %c0_i32, %c0_i32_0 : i32, i32
  }
  func.func @transform_4(%arg0: i32) -> (i32, i32) {
    %c0_i32 = arith.constant 0 : i32
    %c0_i32_0 = arith.constant 0 : i32
    %c0_i32_1 = arith.constant 0 : i32
    return %c0_i32, %c0_i32_0 : i32, i32
  }
  func.func @transform_5(%arg0: i32) -> (i32, i32) {
    %c0_i32 = arith.constant 0 : i32
    %c0_i32_0 = arith.constant 0 : i32
    %c0_i32_1 = arith.constant 0 : i32
    return %c0_i32, %c0_i32_0 : i32, i32
  }
  func.func @transform_6(%arg0: i32) -> (i32, i32) {
    %c0_i32 = arith.constant 0 : i32
    %c0_i32_0 = arith.constant 0 : i32
    %c0_i32_1 = arith.constant 0 : i32
    return %c0_i32, %c0_i32_0 : i32, i32
  }
  func.func @transform_7(%arg0: i32) -> (i32, i32) {
    %c0_i32 = arith.constant 0 : i32
    %c0_i32_0 = arith.constant 0 : i32
    %c0_i32_1 = arith.constant 0 : i32
    return %c0_i32, %c0_i32_0 : i32, i32
  }
  func.func @transform_8(%arg0: i32) -> i32 {
    %c0_i32 = arith.constant 0 : i32
    %c0_i32_0 = arith.constant 0 : i32
    return %c0_i32 : i32
  }
  func.func @transform_9(%arg0: i32) -> i32 {
    %c0_i32 = arith.constant 0 : i32
    return %arg0 : i32
  }
}

</mosaic_0001>

<sc_bundles>
// kernel: kernel.4.cloned.1.call-start
scs
__scs_entry_jumppad:
0x0: {  	(pc) =	sbr.rel $0x88, $3  }
0x1: {  	(tag) =	ssettag $0x0;
	lr =	simm.s32 $0x1  }
0x2: {  	[smem:$0x3F97] =	sst lr;
	_ =	strace $0xD0000000  }
0x3: {  	_ = 	snop  }
0x4: {  	_ = 	snop  }
0x5: {  	_ = 	snop  }
0x6: {  	_ = 	snop  }
0x7: {  	_ = 	snop  }
__scs_overlays_trampoline_lowered:
0x8: {  	[smem:$0x3FA6] =	sst s0  }
0x9: {  	[smem:$0x3FA7] =	sst s1  }
0xa: {  	[smem:$0x3FA8] =	sst s2  }
0xb: {  	[smem:$0x3FA9] =	sst s3  }
0xc: {  	[smem:$0x3FAA] =	sst s4  }
0xd: {  	[smem:$0x3FAB] =	sst s5  }
0xe: {  	[smem:$0x3FAC] =	sst s6  }
0xf: {  	[smem:$0x3FAD] =	sst s7  }
0x10: {  	[smem:$0x3FAE] =	sst s8  }
0x11: {  	[smem:$0x3FAF] =	sst s9;
	s0 =	simm.s32 @!p0 $0x0  }
0x12: {  	s1 =	sld [smem:$0x3F95];
	s0 =	simm.s32 @p0 $0x1  }
0x13: {  	[smem:$0x3FB0] =	sst s0;
	s0 =	simm.s32 @!p1 $0x0  }
0x14: {  	s2 =	sld [smem:$0x3F94];
	s0 =	simm.s32 @p1 $0x1  }
0x15: {  	[smem:$0x3FB1] =	sst s0;
	s0 =	simm.s32 @!p2 $0x0  }
0x16: {  	s3 =	sld [smem:$0x3FDB];
	s0 =	simm.s32 @p2 $0x1  }
0x17: {  	s4 =	simm.s32 $0x1BF5;
	[smem:$0x3FB3] =	sst s0  }
0x18: {  	s0 =	sld [smem:$0x3F96];
	_ =	swait.ge [sflag:s4], $0x0  }
0x19: {  	s7 =	sld [smem:$0x3F97]  }
0x1a: {  	s8 =	sadd.s32 $0xFFFFE003, lr  }
0x1b: {  	s9 =	sadd.s32 $0xFFFFFEF7, lr;
	s5 =	simm.s32 $0xFFFFFFFF;
	p2 =	slt.u32 s8, $0xFFFFF086  }
0x1c: {  	p1 =	slt.u32 s9, $0xF7A;
	s5 =	simm.s32 @!p2 $0x0  }
0x1d: {  	s5 =	simm.s32 @p1 $0x1;
	p0 =	seq.s32 s7, s2  }
0x1e: {  	s7 =	smul.u32 @!p0 $0xF7A, s2;
	p2 =	seq.s32 @!p0 s5, $0x0  }
0x1f: {  	s9 =	smul.u32 $0xF7A, s1;
	s8 =	simm.s32 @!p0 $0x1BF5;
	p2 =	por !p2, p0  }
0x20: {  	[sflag:s8] =	ssyncset.s32 @!p0 $0xFFFFF086;
	s6 =	sadd.s32 @!p0 s3, s7;
	s7 =	simm.s32 @!p0 $0x108  }
0x21: {  	s3 =	sadd.s32 s3, s9;
	s6 =	sadd.s32 @!p0 $0x88, s6;
	s7 =	simm.s32 @p2 $0x1082  }
0x22: {  	[simem:s7], [sflag:s8] =	dma.local @!p0 [hbm:s6], $0xF7A  }
0x23: {  	s9 =	sor.u32 $0xD0000000, s2;
	s6 =	simm.s32 $0x108;
	_ =	swait.ge @!p0 [sflag:s8], $0x0  }
0x24: {  	s3 =	sadd.s32 $0x88, s3;
	s6 =	simm.s32 @!p1 $0x1082;
	[sflag:s4] =	ssyncset.s32 $0xFFFFF086  }
0x25: {  	[simem:s6], [sflag:s4] =	dma.local [hbm:s3], $0xF7A  }
0x26: {  	[smem:$0x3F97] =	sst s1;
	(tag) =	ssettag s2;
	_ =	strace s9  }
0x27: {  	s1 =	sld [smem:$0x3FA7]  }
0x28: {  	s2 =	sld [smem:$0x3FA8]  }
0x29: {  	s4 =	sld [smem:$0x3FAA]  }
0x2a: {  	p0 =	seq.s32 s5, $0x0;
	s5 =	sld [smem:$0x3FAB]  }
0x2b: {  	s6 =	sld [smem:$0x3FAC]  }
0x2c: {  	s7 =	sld [smem:$0x3FAD]  }
0x2d: {  	s3 =	simm.s32 $0x108;
	s8 =	sld [smem:$0x3FAE]  }
0x2e: {  	s3 =	simm.s32 @!p0 $0x1082;
	s9 =	sld [smem:$0x3FAF]  }
0x2f: {  	lr =	sadd.s32 s0, s3;
	s0 =	sld [smem:$0x3FA6]  }
0x30: {  	s3 =	sld [smem:$0x3FA9]  }
0x31: {  	[smem:$0x3FB2] =	sst s10  }
0x32: {  	s10 =	sld [smem:$0x3FB0];
	_ =	sdelay $0x3  }
0x33: {  	p0 =	seq.s32 s10, $0x1;
	s10 =	sld [smem:$0x3FB2];
	_ =	sdelay $0x3  }
0x34: {  	[smem:$0x3FB2] =	sst s10  }
0x35: {  	s10 =	sld [smem:$0x3FB1];
	_ =	sdelay $0x3  }
0x36: {  	p1 =	seq.s32 s10, $0x1;
	s10 =	sld [smem:$0x3FB2];
	_ =	sdelay $0x3  }
0x37: {  	[smem:$0x3FB2] =	sst s10  }
0x38: {  	s10 =	sld [smem:$0x3FB3]  }
0x39: {  	_ = 	snop;
	(pc) =	sbr.ind lr, $3  }
0x3a: {  	_ = 	snop  }
0x3b: {  	_ = 	snop  }
0x3c: {  	p2 =	seq.s32 s10, $0x1;
	s10 =	sld [smem:$0x3FB2]  }
0x3d: {  	_ =	shalt  }
0x3e: {  	_ =	shalt  }
0x3f: {  	_ =	shalt  }
0x40: {  	_ =	shalt  }
0x41: {  	_ =	shalt  }
0x42: {  	_ =	shalt  }
0x43: {  	_ =	shalt  }
0x44: {  	_ =	shalt  }
0x45: {  	_ =	shalt  }
0x46: {  	_ =	shalt  }
0x47: {  	_ =	shalt  }
0x48: {  	_ =	shalt  }
0x49: {  	_ =	shalt  }
0x4a: {  	_ =	shalt  }
0x4b: {  	_ =	shalt  }
0x4c: {  	_ =	shalt  }
0x4d: {  	_ =	shalt  }
0x4e: {  	_ =	shalt  }
0x4f: {  	_ =	shalt  }
0x50: {  	_ =	shalt  }
0x51: {  	_ =	shalt  }
0x52: {  	_ =	shalt  }
0x53: {  	_ =	shalt  }
0x54: {  	_ =	shalt  }
0x55: {  	_ =	shalt  }
0x56: {  	_ =	shalt  }
0x57: {  	_ =	shalt  }
0x58: {  	_ =	shalt  }
0x59: {  	_ =	shalt  }
0x5a: {  	_ =	shalt  }
0x5b: {  	_ =	shalt  }
0x5c: {  	_ =	shalt  }
0x5d: {  	_ =	shalt  }
0x5e: {  	_ =	shalt  }
0x5f: {  	_ =	shalt  }
0x60: {  	_ =	shalt  }
0x61: {  	_ =	shalt  }
0x62: {  	_ =	shalt  }
0x63: {  	_ =	shalt  }
0x64: {  	_ =	shalt  }
0x65: {  	_ =	shalt  }
0x66: {  	_ =	shalt  }
0x67: {  	_ =	shalt  }
0x68: {  	_ =	shalt  }
0x69: {  	_ =	shalt  }
0x6a: {  	_ =	shalt  }
0x6b: {  	_ =	shalt  }
0x6c: {  	_ =	shalt  }
0x6d: {  	_ =	shalt  }
0x6e: {  	_ =	shalt  }
0x6f: {  	_ =	shalt  }
0x70: {  	_ =	shalt  }
0x71: {  	_ =	shalt  }
0x72: {  	_ =	shalt  }
0x73: {  	_ =	shalt  }
0x74: {  	_ =	shalt  }
0x75: {  	_ =	shalt  }
0x76: {  	_ =	shalt  }
0x77: {  	_ =	shalt  }
0x78: {  	_ =	shalt  }
0x79: {  	_ =	shalt  }
0x7a: {  	_ =	shalt  }
0x7b: {  	_ =	shalt  }
0x7c: {  	_ =	shalt  }
0x7d: {  	_ =	shalt  }
0x7e: {  	_ =	shalt  }
0x7f: {  	_ =	shalt  }
0x80: {  	_ =	shalt  }
0x81: {  	_ =	shalt  }
0x82: {  	_ =	shalt  }
0x83: {  	_ =	shalt  }
0x84: {  	_ =	shalt  }
0x85: {  	_ =	shalt  }
0x86: {  	_ =	shalt  }
0x87: {  	_ =	shalt  }
.Lfunc_end0:
.L_simem_size_0:
called_computation_lowered:
.L_overlay_start_0:
0x88: {  	s2 =	sld [smem:$0x3FD9]  }
0x89: {  	s3 =	sld [smem:$0x3FFE];
	_ =	sdelay $0x1  }
0x8a: {  	s1 =	srdreg.scid  }
0x8b: {  	s0 =	sand.u32 $0x1, s1  }
0x8c: {  	s17 =	sshll.u32 s0, $0xA;
	s2 =	sadd.s32 s3, s2  }
0x8d: {  	s2 =	sadd.s32 s2, s17  }
0x8e: {  	[smem:$0x3FBE] =	sst s2  }
0x8f: {  	_ = 	snop  }
0x90: {  	s2 =	sld [smem:$0x3FC9]  }
0x91: {  	s18 =	sld [smem:$0x3FC8]  }
0x92: {  	s4 =	sld [smem:$0x3FC7]  }
0x93: {  	s5 =	sld [smem:$0x3FC6];
	(tm) =	ssettm $0x1  }
0x94: {  	s6 =	sld [smem:$0x3FFB];
	_ =	sdelay $0x3  }
0x95: {  	_ =	strace s6  }
0x96: {  	s6 =	sld [smem:$0x3FFC];
	_ =	sdelay $0x3  }
0x97: {  	_ =	strace s6  }
0x98: {  	s6 =	sld [smem:$0x3FFD];
	_ =	sdelay $0x3  }
0x99: {  	_ =	strace s6  }
0x9a: {  	_ =	strace $0x8FFFFFFF  }
0x9b: {  	s19 =	sld [smem:$0x3FDB];
	_ =	sdelay $0x1  }
0x9c: {  	s7 =	simm.s32 $_scs_section_size  }
0x9d: {  	s8 =	simm.s32 $_size__tile_overlayer_lowered;
	s9 =	simm.s32 $_tile_overlayer_lowered  }
0x9e: {  	s22 =	simm.s32 $0x1BFF;
	s21 =	sshll.u32 s9, $0x1;
	s6 =	sadd.s32 s7, s19  }
0x9f: {  	s10 =	simm.s32 $0x0;
	s20 =	sshll.u32 s8, $0x1;
	s8 =	sadd.s32 s21, s6  }
0xa0: {  	[timem:s10], [sflag:s22] =	dma.local [hbm:s8], s20  }
0xa1: {  	_ =	swait.ge [sflag:s22], s20  }
0xa2: {  	s7 =	ssub.s32 $0x0, s20;
	[sflag:s22] =	ssyncset.done $0x0  }
0xa3: {  	[sflag:s22] =	ssyncadd.s32 s7;
	_ =	sdelay $0x1  }
0xa4: {  	s23 =	simm.s32 $0x1B8B  }
0xa5: {  	_ =	swait.ge [sflag:s23], $0x1  }
0xa6: {  	[sflag:s23] =	ssyncset.done $0x0  }
0xa7: {  	s25 =	simm.s32 $0x1B8E;
	s24 =	sld [smem:$0x3FFE];
	[sflag:s23] =	ssyncadd.s32 $0xFFFFFFFF  }
0xa8: {  	s26 =	simm.s32 $execute0_lowered;
	[smem:$0x3FD2] =	sst s25  }
0xa9: {  	s8 =	sshll.u32 s26, $0x1;
	_ =	strace $0x80000046;
	[dreg:$0x1] =	wrdreg $0xFFFFFFFF  }
0xaa: {  	s28 =	simm.s32 $_size_execute0_lowered;
	s6 =	sadd.s32 s6, s8;
	[dreg:$0x0] =	wrdreg $0x0  }
0xab: {  	s8 =	sshll.u32 s28, $0x1;
	[dreg:$0x2] =	wrdreg s6  }
0xac: {  	[dreg:$0x3] =	wrdreg s8  }
0xad: {  	[dreg:$0x4] =	wrdreg $0xC0  }
0xae: {  	_ =	task [dreg:s10], $0x5FFFF  }
0xaf: {  	[dreg:$0x1] =	wrdreg $0xFFFFFFFF  }
0xb0: {  	[dreg:$0x0] =	wrdreg $0x60  }
0xb1: {  	[dreg:$0x2] =	wrdreg s2  }
0xb2: {  	[dreg:$0x3] =	wrdreg s18  }
0xb3: {  	[dreg:$0x4] =	wrdreg s4  }
0xb4: {  	[dreg:$0x5] =	wrdreg s5  }
0xb5: {  	[dreg:$0x6] =	wrdreg s24  }
0xb6: {  	[dreg:$0x7] =	wrdreg $0x9  }
0xb7: {  	_ =	task.clear_ibuf [dreg:s10], $0x8FFFF;
	_ =	strace $0x90000046  }
0xb8: {  	s29 =	simm.s32 $0x9;
	_ =	strace $0x80000048  }
0xb9: {  	_ =	swait.ge [sflag:s29], $0x1  }
0xba: {  	[sflag:s29] =	ssyncadd.s32 $0xFFFFFFFF  }
0xbb: {  	_ =	strace $0x90000048  }
0xbc: {  	_ =	sfence  }
0xbd: {  	s30 =	sld [smem:$0x0];
	_ =	sdelay $0x2  }
0xbe: {  	s31 =	sshll.u32 s1, $0xD;
	s1 =	sshrl.u32 s1, $0x2  }
0xbf: {  	s3 =	sand.u32 $0x4000, s31;
	s1 =	sadd.s32 s1, s30  }
0xc0: {  	s0 =	sor.u32 s3, s0;
	s1 =	sshll.u32 s1, $0x11  }
0xc1: {  	s0 =	sor.u32 s1, s0  }
0xc2: {  	s0 =	sadd.s32 $0x8F2B, s0  }
0xc3: {  	[sflag:s0] =	ssyncadd.remote.s32 $0x1  }
0xc4: {  	_ =	sfence.sel $0xFFFF  }
0xc5: {  	[dreg:$0x0] =	wrdreg $0xFFFFFFFF;
	(pc) =	sbr.abs _section_cstart, $3  }
0xc6: {  	[dreg:$0x1] =	wrdreg $0xFFFFFFFF  }
0xc7: {  	_ =	task.clear_ibuf [dreg:s10], $0x2FFFF;
	_ =	strace $0x9FFFFFFF  }
0xc8: {  	(tm) =	ssettm $0x7FFFFFFF  }
0xc9: {  	_ =	shalt  }
tec
execute0_lowered:
.L_overlay_start_1:
0x0: {  	(tag) =	ssettag $0x1  }
0x1: {  	v7 =	vlaneseq.u32  }
0x2: {  	v0 =	vand.u32 $0x7, v7  }
0x3: {  	v1 =	vmul.u32 $0x400, v0;
	_ =	sdelay $0x1  }
0x4: {  	s0 =	rddreg [dreg:$0x0];
	v8 =	vor.u32 $0x80, v1;
	v0 =	vor.u32 $0x100, v1;
	v10 =	vor.u32 $0x4080, v1  }
0x5: {  	s1 =	rddreg [dreg:$0x1];
	v11 =	vor.u32 $0x4100, v1;
	v12 =	vor.u32 $0x4180, v1;
	v13 =	vor.u32 $0x4200, v1  }
0x6: {  	s2 =	rddreg [dreg:$0x4];
	s3 =	srdreg.scid;
	v14 =	vor.u32 $0x4280, v1;
	v15 =	vor.u32 $0x4300, v1;
	v16 =	vor.u32 $0x4380, v1  }
0x7: {  	s4 =	simm.s32 $0x0;
	s5 =	stileid.u32;
	s12 =	simm.s32 $0x500;
	v17 =	vor.u32 $0x8000, v1;
	v18 =	vor.u32 $0x8080, v1;
	v19 =	vor.u32 $0x8100, v1  }
0x8: {  	s28 =	simm.s32 $0x2500;
	s30 =	simm.s32 $0x3100;
	s31 =	simm.s32 $0x7100;
	v20 =	vor.u32 $0x8180, v1;
	v21 =	vor.u32 $0x8200, v1;
	v22 =	vor.u32 $0x8280, v1  }
0x9: {  	s11 =	simm.s32 $0x3500;
	s7 =	simm.s32 $0xF500;
	s8 =	simm.s32 $0x3900;
	v23 =	vor.u32 $0x8300, v1;
	v24 =	vor.u32 $0x8380, v1;
	v25 =	vor.u32 $0xC000, v1  }
0xa: {  	s9 =	simm.s32 $0x7900;
	s10 =	simm.s32 $0xB900;
	s13 =	simm.s32 $0xF900;
	v26 =	vor.u32 $0xC080, v1;
	v27 =	vor.u32 $0xC100, v1;
	v28 =	vor.u32 $0xC180, v1  }
0xb: {  	s14 =	simm.s32 $0x3D00;
	s15 =	simm.s32 $0x7D00;
	s16 =	simm.s32 $0xBD00;
	v29 =	vor.u32 $0xC200, v1;
	v30 =	vor.u32 $0xC280, v1;
	v31 =	vor.u32 $0xC300, v1  }
0xc: {  	s17 =	simm.s32 $0x8100;
	s18 =	simm.s32 $0xC100;
	s19 =	simm.s32 $0x10100;
	v32 =	vor.u32 $0xC380, v1;
	v33 =	vor.u32 $0x2000, v1;
	v34 =	vor.u32 $0x2080, v1  }
0xd: {  	s20 =	simm.s32 $0x1;
	s21 =	simm.s32 $0x10500;
	s3 =	sand.u32 $0x1, s3;
	v35 =	vor.u32 $0x2100, v1;
	v36 =	vor.u32 $0x2180, v1;
	v37 =	vor.u32 $0x2200, v1  }
0xe: {  	[smem:$0x7FF] =	sst s4;
	s5 =	sshll.u32 s5, $0xA;
	s6 =	sshll.u32 s3, $0x9;
	v38 =	vor.u32 $0x2280, v1;
	v39 =	vor.u32 $0x2300, v1;
	v40 =	vor.u32 $0x2380, v1  }
0xf: {  	s22 =	simm.s32 $0x2;
	_ =	strace $0x80000047;
	s5 =	sor.u32 s6, s5;
	v41 =	vor.u32 $0x6000, v1;
	v42 =	vor.u32 $0x6080, v1;
	v43 =	vor.u32 $0x6100, v1  }
0x10: {  	s3 =	ssub.s32 $0x2, s3;
	s2 =	sadd.s32 s5, s2;
	s5 =	sshrl.u32 s5, $0x3;
	v44 =	vor.u32 $0x6180, v1;
	v45 =	vor.u32 $0x6200, v1;
	v46 =	vor.u32 $0x6280, v1  }
0x11: {  	s23 =	sshrl.u32 s3, $0x1;
	s6 =	simm.s32 $0xB500;
	v47 =	vor.u32 $0x6300, v1;
	v48 =	vor.u32 $0x6380, v1;
	s0 =	sadd.s32 s0, s5;
	[tilespmem:$0x1FF90] =	vst v0;
	v0 =	vor.u32 $0x180, v1  }
0x12: {  	s3 =	ssub.s32 s3, s23;
	v49 =	vor.u32 $0xA000, v1;
	v50 =	vor.u32 $0xA080, v1;
	s24 =	sadd.s32 s1, s5;
	[dreg:$0x6] =	wrdreg s0;
	[tilespmem:$0x1FFA0] =	vst v0;
	v0 =	vor.u32 $0x200, v1  }
.Ltmp0:
0x13: {  	v51 =	vor.u32 $0xA100, v1;
	v52 =	vor.u32 $0xA180, v1;
	s25 =	sadd.s32 $0x1800, s2;
	[dreg:$0x7] =	wrdreg s24;
	[tilespmem:$0x1FFB0] =	vst v0;
	v0 =	vor.u32 $0x280, v1;
	(pc) =	sbr.rel .LBB2_1-.Ltmp0, $4  }
0x14: {  	v53 =	vor.u32 $0xA200, v1;
	v54 =	vor.u32 $0xA280, v1;
	s26 =	sadd.s32 $0x11800, s2;
	s29 =	smax.u32 s3, $0x1;
	[dreg:$0x8] =	wrdreg s25;
	[tilespmem:$0x1FFC0] =	vst v0;
	v0 =	vor.u32 $0x300, v1  }
0x15: {  	v55 =	vor.u32 $0xA300, v1;
	v56 =	vor.u32 $0xA380, v1;
	s3 =	simm.s32 $0xF100;
	s5 =	simm.s32 $0x7500;
	[dreg:$0x9] =	wrdreg s26;
	[tilespmem:$0x1FFD0] =	vst v0;
	v0 =	vor.u32 $0x380, v1  }
0x16: {  	v57 =	vor.u32 $0xE000, v1;
	v58 =	vor.u32 $0xE080, v1;
	s1 =	simm.s32 $0xFD00;
	s2 =	simm.s32 $0x4100;
	[dreg:$0xa] =	wrdreg s29;
	[tilespmem:$0x1FFE0] =	vst v0;
	v0 =	vor.u32 $0x4000, v1  }
0x17: {  	v59 =	vor.u32 $0xE100, v1;
	v60 =	vor.u32 $0xE180, v1;
	v61 =	vor.u32 $0xE200, v1;
	s24 =	simm.s32 $0x3;
	s0 =	simm.s32 $0xB100;
	s25 =	simm.s32 $0x0;
	[tilespmem:$0x1FFF0] =	vst v0  }
.LBB2_11:
0x18: {  	s23 =	rddreg [dreg:$0x9];
	s24 =	simm.s32 $0x1000;
	s25 =	simm.s32 $0x20000  }
0x19: {  	[hbm4b:s23+s24] =	stream.strided.scatter [tilespmem:s21], [sflag:$0x3], $0x4000, s25, s24, $0x38;
	[tilespmem:$0x14500] =	vst v63  }
0x1a: {  	s24 =	simm.s32 $0x3  }
0x1b: {  	_ =	swait.ge [sflag:s24], $0x4000  }
0x1c: {  	s26 =	rddreg [dreg:$0xb]  }
0x1d: {  	s29 =	rddreg [dreg:$0xa];
	s25 =	sadd.s32 $0x1, s26  }
0x1e: {  	p0 =	sne.s32 s25, s29  }
.Ltmp1:
0x1f: {  	_ = 	snop;
	(pc) =	sbr.rel @!p0 .LBB2_12-.Ltmp1, $3  }
0x20: {  	_ =	sdelay $0x1  }
0x21: {  	[sflag:s24] =	ssyncset.done $0x0  }
0x22: {  	v8 =	vmov v9;
	[sflag:s24] =	ssyncadd.s32 $0xFFFFC000  }
.LBB2_1:
0x23: {  	[dreg:$0xb] =	wrdreg s25  }
0x24: {  	s23 =	rddreg [dreg:$0x6]  }
0x25: {  	[tilespmem:s4], [sflag:$0x3] =	stream.linear.gather [hbm4b:s23+s4], $0x200, $0x38;
	[tilespmem:$0x14500] =	vst v63  }
0x26: {  	_ =	swait.ge [sflag:s24], $0x200  }
0x27: {  	[sflag:s24] =	ssyncset.done $0x0  }
0x28: {  	s26 =	simm.s32 $0x280;
	s25 =	rddreg [dreg:$0x7];
	[sflag:s24] =	ssyncadd.s32 $0xFFFFFE00  }
0x29: {  	[tilespmem:s26], [sflag:$0x3] =	stream.linear.gather [hbm4b:s25+s4], $0x200, $0x38;
	[tilespmem:$0x14500] =	vst v63  }
0x2a: {  	_ =	swait.ge [sflag:s24], $0x200  }
0x2b: {  	[sflag:s24] =	ssyncset.done $0x0  }
0x2c: {  	[sflag:s24] =	ssyncadd.s32 $0xFFFFFE00  }
0x2d: {  	v0 =	vld [tilespmem:$0x0];
	_ =	sdelay $0x4  }
0x2e: {  	s25 =	rddreg [dreg:$0x2];
	v0 =	vand.u32 $0xFFFFFF80, v0  }
0x2f: {  	v0 =	vadd.s32 s25, v0  }
0x30: {  	(v2sf) =	vpush v0, $0x0;
	_ =	sdelay $0x7  }
0x31: {  	(v2sf) =	vpush v0, $0x1;
	_ =	sdelay $0x6  }
0x32: {  	s23 =	spop (v2sf)  }
0x33: {  	(v2sf) =	vpush v0, $0x2;
	[tilespmem:s12], [sflag:$0x1] =	stream.linear.gather [hbm4b:s23+s4], $0x400, $0x38;
	[tilespmem:$0x14500] =	vst v63  }
0x34: {  	s26 =	simm.s32 $0x4500;
	s29 =	sadd.s32 $0xF4280, s23  }
0x35: {  	[tilespmem:s26], [sflag:$0x1] =	stream.linear.gather [hbm4b:s29+s4], $0x400, $0x38;
	[tilespmem:$0x14500] =	vst v63  }
0x36: {  	s26 =	sadd.s32 $0x1E8500, s23;
	s29 =	simm.s32 $0x8500  }
0x37: {  	[tilespmem:s29], [sflag:$0x1] =	stream.linear.gather [hbm4b:s26+s4], $0x400, $0x38;
	[tilespmem:$0x14500] =	vst v63  }
0x38: {  	s23 =	sadd.s32 $0x2DC780, s23;
	s26 =	simm.s32 $0xC500  }
0x39: {  	[tilespmem:s26], [sflag:$0x1] =	stream.linear.gather [hbm4b:s23+s4], $0x400, $0x38;
	[tilespmem:$0x14500] =	vst v63  }
0x3a: {  	s29 =	simm.s32 $0x900;
	s23 =	spop (v2sf)  }
0x3b: {  	(v2sf) =	vpush v0, $0x3;
	[tilespmem:s29], [sflag:$0x1] =	stream.linear.gather [hbm4b:s23+s4], $0x400, $0x38;
	[tilespmem:$0x14500] =	vst v63  }
0x3c: {  	s26 =	sadd.s32 $0xF4280, s23;
	s29 =	simm.s32 $0x4900  }
0x3d: {  	[tilespmem:s29], [sflag:$0x1] =	stream.linear.gather [hbm4b:s26+s4], $0x400, $0x38;
	[tilespmem:$0x14500] =	vst v63  }
0x3e: {  	s26 =	sadd.s32 $0x1E8500, s23;
	s29 =	simm.s32 $0x8900  }
0x3f: {  	[tilespmem:s29], [sflag:$0x1] =	stream.linear.gather [hbm4b:s26+s4], $0x400, $0x38;
	[tilespmem:$0x14500] =	vst v63  }
0x40: {  	s23 =	sadd.s32 $0x2DC780, s23;
	s26 =	simm.s32 $0xC900  }
0x41: {  	[tilespmem:s26], [sflag:$0x1] =	stream.linear.gather [hbm4b:s23+s4], $0x400, $0x38;
	[tilespmem:$0x14500] =	vst v63  }
0x42: {  	s29 =	simm.s32 $0xD00;
	s23 =	spop (v2sf)  }
0x43: {  	(v2sf) =	vpush v0, $0x4;
	[tilespmem:s29], [sflag:$0x1] =	stream.linear.gather [hbm4b:s23+s4], $0x400, $0x38;
	[tilespmem:$0x14500] =	vst v63  }
0x44: {  	s26 =	sadd.s32 $0xF4280, s23;
	s29 =	simm.s32 $0x4D00  }
0x45: {  	[tilespmem:s29], [sflag:$0x1] =	stream.linear.gather [hbm4b:s26+s4], $0x400, $0x38;
	[tilespmem:$0x14500] =	vst v63  }
0x46: {  	s26 =	sadd.s32 $0x1E8500, s23;
	s29 =	simm.s32 $0x8D00  }
0x47: {  	[tilespmem:s29], [sflag:$0x1] =	stream.linear.gather [hbm4b:s26+s4], $0x400, $0x38;
	[tilespmem:$0x14500] =	vst v63  }
0x48: {  	s23 =	sadd.s32 $0x2DC780, s23;
	s26 =	simm.s32 $0xCD00  }
0x49: {  	[tilespmem:s26], [sflag:$0x1] =	stream.linear.gather [hbm4b:s23+s4], $0x400, $0x38;
	[tilespmem:$0x14500] =	vst v63  }
0x4a: {  	s29 =	simm.s32 $0x1100;
	s23 =	spop (v2sf)  }
0x4b: {  	(v2sf) =	vpush v0, $0x5;
	[tilespmem:s29], [sflag:$0x1] =	stream.linear.gather [hbm4b:s23+s4], $0x400, $0x38;
	[tilespmem:$0x14500] =	vst v63  }
0x4c: {  	s26 =	sadd.s32 $0xF4280, s23;
	s29 =	simm.s32 $0x5100  }
0x4d: {  	[tilespmem:s29], [sflag:$0x1] =	stream.linear.gather [hbm4b:s26+s4], $0x400, $0x38;
	[tilespmem:$0x14500] =	vst v63  }
0x4e: {  	s26 =	sadd.s32 $0x1E8500, s23;
	s29 =	simm.s32 $0x9100  }
0x4f: {  	[tilespmem:s29], [sflag:$0x1] =	stream.linear.gather [hbm4b:s26+s4], $0x400, $0x38;
	[tilespmem:$0x14500] =	vst v63  }
0x50: {  	s23 =	sadd.s32 $0x2DC780, s23;
	s26 =	simm.s32 $0xD100  }
0x51: {  	[tilespmem:s26], [sflag:$0x1] =	stream.linear.gather [hbm4b:s23+s4], $0x400, $0x38;
	[tilespmem:$0x14500] =	vst v63  }
0x52: {  	s29 =	simm.s32 $0x1500;
	s23 =	spop (v2sf)  }
0x53: {  	(v2sf) =	vpush v0, $0x6;
	[tilespmem:s29], [sflag:$0x1] =	stream.linear.gather [hbm4b:s23+s4], $0x400, $0x38;
	[tilespmem:$0x14500] =	vst v63  }
0x54: {  	s26 =	sadd.s32 $0xF4280, s23;
	s29 =	simm.s32 $0x5500  }
0x55: {  	[tilespmem:s29], [sflag:$0x1] =	stream.linear.gather [hbm4b:s26+s4], $0x400, $0x38;
	[tilespmem:$0x14500] =	vst v63  }
0x56: {  	s26 =	sadd.s32 $0x1E8500, s23;
	s29 =	simm.s32 $0x9500  }
0x57: {  	[tilespmem:s29], [sflag:$0x1] =	stream.linear.gather [hbm4b:s26+s4], $0x400, $0x38;
	[tilespmem:$0x14500] =	vst v63  }
0x58: {  	s23 =	sadd.s32 $0x2DC780, s23;
	s26 =	simm.s32 $0xD500  }
0x59: {  	[tilespmem:s26], [sflag:$0x1] =	stream.linear.gather [hbm4b:s23+s4], $0x400, $0x38;
	[tilespmem:$0x14500] =	vst v63  }
0x5a: {  	s29 =	simm.s32 $0x1900;
	s23 =	spop (v2sf)  }
0x5b: {  	(v2sf) =	vpush v0, $0x7;
	[tilespmem:s29], [sflag:$0x1] =	stream.linear.gather [hbm4b:s23+s4], $0x400, $0x38;
	[tilespmem:$0x14500] =	vst v63  }
0x5c: {  	s26 =	sadd.s32 $0xF4280, s23;
	s29 =	simm.s32 $0x5900  }
0x5d: {  	[tilespmem:s29], [sflag:$0x1] =	stream.linear.gather [hbm4b:s26+s4], $0x400, $0x38;
	[tilespmem:$0x14500] =	vst v63  }
0x5e: {  	s26 =	sadd.s32 $0x1E8500, s23;
	s29 =	simm.s32 $0x9900  }
0x5f: {  	[tilespmem:s29], [sflag:$0x1] =	stream.linear.gather [hbm4b:s26+s4], $0x400, $0x38;
	[tilespmem:$0x14500] =	vst v63  }
0x60: {  	s23 =	sadd.s32 $0x2DC780, s23;
	s26 =	simm.s32 $0xD900  }
0x61: {  	[tilespmem:s26], [sflag:$0x1] =	stream.linear.gather [hbm4b:s23+s4], $0x400, $0x38;
	[tilespmem:$0x14500] =	vst v63  }
0x62: {  	s29 =	simm.s32 $0x1D00;
	s23 =	spop (v2sf)  }
0x63: {  	[tilespmem:s29], [sflag:$0x1] =	stream.linear.gather [hbm4b:s23+s4], $0x400, $0x38;
	[tilespmem:$0x14500] =	vst v63  }
0x64: {  	s26 =	sadd.s32 $0xF4280, s23;
	s29 =	simm.s32 $0x5D00  }
0x65: {  	[tilespmem:s29], [sflag:$0x1] =	stream.linear.gather [hbm4b:s26+s4], $0x400, $0x38;
	[tilespmem:$0x14500] =	vst v63  }
0x66: {  	s26 =	sadd.s32 $0x1E8500, s23;
	s29 =	simm.s32 $0x9D00  }
0x67: {  	[tilespmem:s29], [sflag:$0x1] =	stream.linear.gather [hbm4b:s26+s4], $0x400, $0x38;
	[tilespmem:$0x14500] =	vst v63  }
0x68: {  	s23 =	sadd.s32 $0x2DC780, s23;
	s26 =	simm.s32 $0xDD00  }
0x69: {  	[tilespmem:s26], [sflag:$0x1] =	stream.linear.gather [hbm4b:s23+s4], $0x400, $0x38;
	[tilespmem:$0x14500] =	vst v63  }
0x6a: {  	s29 =	simm.s32 $0x2100;
	s23 =	spop (v2sf)  }
0x6b: {  	[tilespmem:s29], [sflag:$0x1] =	stream.linear.gather [hbm4b:s23+s4], $0x400, $0x38;
	[tilespmem:$0x14500] =	vst v63  }
0x6c: {  	s26 =	sadd.s32 $0xF4280, s23;
	s29 =	simm.s32 $0x6100  }
0x6d: {  	[tilespmem:s29], [sflag:$0x1] =	stream.linear.gather [hbm4b:s26+s4], $0x400, $0x38;
	[tilespmem:$0x14500] =	vst v63  }
0x6e: {  	s26 =	sadd.s32 $0x1E8500, s23;
	s29 =	simm.s32 $0xA100  }
0x6f: {  	[tilespmem:s29], [sflag:$0x1] =	stream.linear.gather [hbm4b:s26+s4], $0x400, $0x38;
	[tilespmem:$0x14500] =	vst v63  }
0x70: {  	s23 =	sadd.s32 $0x2DC780, s23;
	s29 =	simm.s32 $0xE100  }
0x71: {  	[tilespmem:s29], [sflag:$0x1] =	stream.linear.gather [hbm4b:s23+s4], $0x400, $0x38;
	[tilespmem:$0x14500] =	vst v63  }
0x72: {  	v0 =	vld [tilespmem:$0x8];
	_ =	sdelay $0x4  }
0x73: {  	v0 =	vand.u32 $0xFFFFFF80, v0  }
0x74: {  	v0 =	vadd.s32 s25, v0  }
0x75: {  	(v2sf) =	vpush v0, $0x0;
	_ =	sdelay $0x7  }
0x76: {  	(v2sf) =	vpush v0, $0x1;
	_ =	sdelay $0x6  }
0x77: {  	s23 =	spop (v2sf)  }
0x78: {  	(v2sf) =	vpush v0, $0x2;
	[tilespmem:s28], [sflag:$0x2] =	stream.linear.gather [hbm4b:s23+s4], $0x400, $0x38;
	[tilespmem:$0x14500] =	vst v63  }
0x79: {  	s29 =	simm.s32 $0x6500;
	s26 =	sadd.s32 $0xF4280, s23  }
0x7a: {  	[tilespmem:s29], [sflag:$0x2] =	stream.linear.gather [hbm4b:s26+s4], $0x400, $0x38;
	[tilespmem:$0x14500] =	vst v63  }
0x7b: {  	s25 =	sadd.s32 $0x1E8500, s23;
	s26 =	simm.s32 $0xA500  }
0x7c: {  	[tilespmem:s26], [sflag:$0x2] =	stream.linear.gather [hbm4b:s25+s4], $0x400, $0x38;
	[tilespmem:$0x14500] =	vst v63  }
0x7d: {  	s23 =	sadd.s32 $0x2DC780, s23;
	s29 =	simm.s32 $0xE500  }
0x7e: {  	[tilespmem:s29], [sflag:$0x2] =	stream.linear.gather [hbm4b:s23+s4], $0x400, $0x38;
	[tilespmem:$0x14500] =	vst v63  }
0x7f: {  	s25 =	simm.s32 $0x2900;
	s23 =	spop (v2sf)  }
0x80: {  	(v2sf) =	vpush v0, $0x3;
	[tilespmem:s25], [sflag:$0x2] =	stream.linear.gather [hbm4b:s23+s4], $0x400, $0x38;
	[tilespmem:$0x14500] =	vst v63  }
0x81: {  	s29 =	simm.s32 $0x6900;
	s26 =	sadd.s32 $0xF4280, s23  }
0x82: {  	[tilespmem:s29], [sflag:$0x2] =	stream.linear.gather [hbm4b:s26+s4], $0x400, $0x38;
	[tilespmem:$0x14500] =	vst v63  }
0x83: {  	s25 =	sadd.s32 $0x1E8500, s23;
	s26 =	simm.s32 $0xA900  }
0x84: {  	[tilespmem:s26], [sflag:$0x2] =	stream.linear.gather [hbm4b:s25+s4], $0x400, $0x38;
	[tilespmem:$0x14500] =	vst v63  }
0x85: {  	s23 =	sadd.s32 $0x2DC780, s23;
	s29 =	simm.s32 $0xE900  }
0x86: {  	[tilespmem:s29], [sflag:$0x2] =	stream.linear.gather [hbm4b:s23+s4], $0x400, $0x38;
	[tilespmem:$0x14500] =	vst v63  }
0x87: {  	s25 =	simm.s32 $0x2D00;
	s23 =	spop (v2sf)  }
0x88: {  	(v2sf) =	vpush v0, $0x4;
	[tilespmem:s25], [sflag:$0x2] =	stream.linear.gather [hbm4b:s23+s4], $0x400, $0x38;
	[tilespmem:$0x14500] =	vst v63  }
0x89: {  	s29 =	simm.s32 $0x6D00;
	s26 =	sadd.s32 $0xF4280, s23  }
0x8a: {  	[tilespmem:s29], [sflag:$0x2] =	stream.linear.gather [hbm4b:s26+s4], $0x400, $0x38;
	[tilespmem:$0x14500] =	vst v63  }
0x8b: {  	s25 =	sadd.s32 $0x1E8500, s23;
	s26 =	simm.s32 $0xAD00  }
0x8c: {  	[tilespmem:s26], [sflag:$0x2] =	stream.linear.gather [hbm4b:s25+s4], $0x400, $0x38;
	[tilespmem:$0x14500] =	vst v63  }
0x8d: {  	s23 =	sadd.s32 $0x2DC780, s23;
	s29 =	simm.s32 $0xED00  }
0x8e: {  	[tilespmem:s29], [sflag:$0x2] =	stream.linear.gather [hbm4b:s23+s4], $0x400, $0x38;
	[tilespmem:$0x14500] =	vst v63  }
0x8f: {  	s25 =	spop (v2sf)  }
0x90: {  	(v2sf) =	vpush v0, $0x5;
	[tilespmem:s30], [sflag:$0x2] =	stream.linear.gather [hbm4b:s25+s4], $0x400, $0x38;
	[tilespmem:$0x14500] =	vst v63  }
0x91: {  	s26 =	sadd.s32 $0xF4280, s25  }
0x92: {  	[tilespmem:s31], [sflag:$0x2] =	stream.linear.gather [hbm4b:s26+s4], $0x400, $0x38;
	[tilespmem:$0x14500] =	vst v63  }
0x93: {  	s29 =	sadd.s32 $0x1E8500, s25  }
0x94: {  	[tilespmem:s0], [sflag:$0x2] =	stream.linear.gather [hbm4b:s29+s4], $0x400, $0x38;
	[tilespmem:$0x14500] =	vst v63  }
0x95: {  	s23 =	sadd.s32 $0x2DC780, s25  }
0x96: {  	[tilespmem:s3], [sflag:$0x2] =	stream.linear.gather [hbm4b:s23+s4], $0x400, $0x38;
	[tilespmem:$0x14500] =	vst v63  }
0x97: {  	s25 =	spop (v2sf)  }
0x98: {  	(v2sf) =	vpush v0, $0x6;
	[tilespmem:s11], [sflag:$0x2] =	stream.linear.gather [hbm4b:s25+s4], $0x400, $0x38;
	[tilespmem:$0x14500] =	vst v63  }
0x99: {  	s26 =	sadd.s32 $0xF4280, s25  }
0x9a: {  	[tilespmem:s5], [sflag:$0x2] =	stream.linear.gather [hbm4b:s26+s4], $0x400, $0x38;
	[tilespmem:$0x14500] =	vst v63  }
0x9b: {  	s29 =	sadd.s32 $0x1E8500, s25  }
0x9c: {  	[tilespmem:s6], [sflag:$0x2] =	stream.linear.gather [hbm4b:s29+s4], $0x400, $0x38;
	[tilespmem:$0x14500] =	vst v63  }
0x9d: {  	s23 =	sadd.s32 $0x2DC780, s25  }
0x9e: {  	[tilespmem:s7], [sflag:$0x2] =	stream.linear.gather [hbm4b:s23+s4], $0x400, $0x38;
	[tilespmem:$0x14500] =	vst v63  }
0x9f: {  	s25 =	spop (v2sf)  }
0xa0: {  	(v2sf) =	vpush v0, $0x7;
	[tilespmem:s8], [sflag:$0x2] =	stream.linear.gather [hbm4b:s25+s4], $0x400, $0x38;
	[tilespmem:$0x14500] =	vst v63  }
0xa1: {  	s26 =	sadd.s32 $0xF4280, s25  }
0xa2: {  	[tilespmem:s9], [sflag:$0x2] =	stream.linear.gather [hbm4b:s26+s4], $0x400, $0x38;
	[tilespmem:$0x14500] =	vst v63  }
0xa3: {  	s29 =	sadd.s32 $0x1E8500, s25  }
0xa4: {  	[tilespmem:s10], [sflag:$0x2] =	stream.linear.gather [hbm4b:s29+s4], $0x400, $0x38;
	[tilespmem:$0x14500] =	vst v63  }
0xa5: {  	s23 =	sadd.s32 $0x2DC780, s25  }
0xa6: {  	[tilespmem:s13], [sflag:$0x2] =	stream.linear.gather [hbm4b:s23+s4], $0x400, $0x38;
	[tilespmem:$0x14500] =	vst v63  }
0xa7: {  	s25 =	spop (v2sf)  }
0xa8: {  	[tilespmem:s14], [sflag:$0x2] =	stream.linear.gather [hbm4b:s25+s4], $0x400, $0x38;
	[tilespmem:$0x14500] =	vst v63  }
0xa9: {  	s26 =	sadd.s32 $0xF4280, s25  }
0xaa: {  	[tilespmem:s15], [sflag:$0x2] =	stream.linear.gather [hbm4b:s26+s4], $0x400, $0x38;
	[tilespmem:$0x14500] =	vst v63  }
0xab: {  	s29 =	sadd.s32 $0x1E8500, s25  }
0xac: {  	[tilespmem:s16], [sflag:$0x2] =	stream.linear.gather [hbm4b:s29+s4], $0x400, $0x38;
	[tilespmem:$0x14500] =	vst v63  }
0xad: {  	s23 =	sadd.s32 $0x2DC780, s25  }
0xae: {  	[tilespmem:s1], [sflag:$0x2] =	stream.linear.gather [hbm4b:s23+s4], $0x400, $0x38;
	[tilespmem:$0x14500] =	vst v63  }
0xaf: {  	s25 =	spop (v2sf)  }
0xb0: {  	[tilespmem:s2], [sflag:$0x2] =	stream.linear.gather [hbm4b:s25+s4], $0x400, $0x38;
	[tilespmem:$0x14500] =	vst v63  }
0xb1: {  	s26 =	sadd.s32 $0xF4280, s25  }
0xb2: {  	[tilespmem:s17], [sflag:$0x2] =	stream.linear.gather [hbm4b:s26+s4], $0x400, $0x38;
	[tilespmem:$0x14500] =	vst v63  }
0xb3: {  	s29 =	sadd.s32 $0x1E8500, s25  }
0xb4: {  	[tilespmem:s18], [sflag:$0x2] =	stream.linear.gather [hbm4b:s29+s4], $0x400, $0x38;
	[tilespmem:$0x14500] =	vst v63  }
0xb5: {  	s23 =	sadd.s32 $0x2DC780, s25  }
0xb6: {  	[tilespmem:s19], [sflag:$0x2] =	stream.linear.gather [hbm4b:s23+s4], $0x400, $0x38;
	[tilespmem:$0x14500] =	vst v63  }
0xb7: {  	s24 =	simm.s32 $0x10;
	s23 =	simm.s32 $0x8  }
.LBB2_2:
0xb8: {  	_ =	swait.ge [sflag:s20], $0x8000  }
0xb9: {  	[sflag:s20] =	ssyncset.done $0x0  }
0xba: {  	[sflag:s20] =	ssyncadd.s32 $0xFFFF8000  }
0xbb: {  	v0 =	vld [tilespmem:s24+$0xFFFFFFF0];
	_ =	sdelay $0x4  }
0xbc: {  	v0 =	vand.u32 $0x7F, v0  }
0xbd: {  	v2 =	vor.u32 v1, v0  }
0xbe: {  	s25 =	sadd.s32 $0xFFFFFFF8, s23  }
0xbf: {  	v62 =	vmov s25  }
0xc0: {  	v63 =	vor.u32 s25, v7;
	v62 =	vshll.u32 v62, $0x3  }
0xc1: {  	v63 =	vand.u32 $0x7F, v63;
	v3 =	vand.u32 $0xC00, v62  }
0xc2: {  	v3 =	vor.u32 v63, v3;
	v2 =	vld.idx.msk [tilespmem:v2+s12+$0x0], $0xffff  }
0xc3: {  	v4 =	vor.u32 v8, v0  }
0xc4: {  	v5 =	vld [tilespmem:$0x1FF90];
	_ =	sdelay $0x2  }
0xc5: {  	[tilespmem:v3+s21+$0x0] =	vst.idx.msk $0xff, v2  }
0xc6: {  	v2 =	vld.idx.msk [tilespmem:v4+s12+$0x0], $0xffff;
	v4 =	vor.u32 $0x80, v3  }
0xc7: {  	v5 =	vor.u32 v5, v0;
	_ =	sdelay $0x3  }
0xc8: {  	[tilespmem:v4+s21+$0x0] =	vst.idx.msk $0xff, v2  }
0xc9: {  	v2 =	vld.idx.msk [tilespmem:v5+s12+$0x0], $0xffff  }
0xca: {  	v5 =	vld [tilespmem:$0x1FFA0];
	_ =	sdelay $0x3  }
0xcb: {  	v4 =	vor.u32 $0x100, v3  }
0xcc: {  	v5 =	vor.u32 v5, v0;
	_ =	sdelay $0x3  }
0xcd: {  	[tilespmem:v4+s21+$0x0] =	vst.idx.msk $0xff, v2  }
0xce: {  	v2 =	vld.idx.msk [tilespmem:v5+s12+$0x0], $0xffff  }
0xcf: {  	v5 =	vld [tilespmem:$0x1FFB0];
	_ =	sdelay $0x3  }
0xd0: {  	v4 =	vor.u32 $0x180, v3  }
0xd1: {  	v5 =	vor.u32 v5, v0;
	_ =	sdelay $0x3  }
0xd2: {  	[tilespmem:v4+s21+$0x0] =	vst.idx.msk $0xff, v2  }
0xd3: {  	v2 =	vld.idx.msk [tilespmem:v5+s12+$0x0], $0xffff  }
0xd4: {  	v5 =	vld [tilespmem:$0x1FFC0];
	_ =	sdelay $0x3  }
0xd5: {  	v4 =	vor.u32 $0x200, v3  }
0xd6: {  	v5 =	vor.u32 v5, v0;
	_ =	sdelay $0x3  }
0xd7: {  	[tilespmem:v4+s21+$0x0] =	vst.idx.msk $0xff, v2  }
0xd8: {  	v2 =	vld.idx.msk [tilespmem:v5+s12+$0x0], $0xffff  }
0xd9: {  	v5 =	vld [tilespmem:$0x1FFD0];
	_ =	sdelay $0x3  }
0xda: {  	v4 =	vor.u32 $0x280, v3  }
0xdb: {  	v5 =	vor.u32 v5, v0;
	_ =	sdelay $0x3  }
0xdc: {  	[tilespmem:v4+s21+$0x0] =	vst.idx.msk $0xff, v2  }
0xdd: {  	v2 =	vld.idx.msk [tilespmem:v5+s12+$0x0], $0xffff  }
0xde: {  	v5 =	vld [tilespmem:$0x1FFE0];
	_ =	sdelay $0x3  }
0xdf: {  	v4 =	vor.u32 $0x300, v3  }
0xe0: {  	v5 =	vor.u32 v5, v0  }
0xe1: {  	v6 =	vld [tilespmem:$0x1FFF0];
	_ =	sdelay $0x2  }
0xe2: {  	[tilespmem:v4+s21+$0x0] =	vst.idx.msk $0xff, v2;
	v2 =	vor.u32 v62, v63  }
0xe3: {  	v4 =	vld.idx.msk [tilespmem:v5+s12+$0x0], $0xffff;
	v5 =	vor.u32 $0x380, v2  }
0xe4: {  	v62 =	vor.u32 v6, v0;
	_ =	sdelay $0x3  }
0xe5: {  	[tilespmem:v5+s21+$0x0] =	vst.idx.msk $0xff, v4  }
0xe6: {  	v5 =	vor.u32 $0x1000, v3;
	v4 =	vld.idx.msk [tilespmem:v62+s12+$0x0], $0xffff  }
0xe7: {  	v62 =	vor.u32 v10, v0;
	_ =	sdelay $0x3  }
0xe8: {  	[tilespmem:v5+s21+$0x0] =	vst.idx.msk $0xff, v4  }
0xe9: {  	v5 =	vor.u32 $0x1080, v3;
	v4 =	vld.idx.msk [tilespmem:v62+s12+$0x0], $0xffff  }
0xea: {  	v62 =	vor.u32 v11, v0;
	_ =	sdelay $0x3  }
0xeb: {  	[tilespmem:v5+s21+$0x0] =	vst.idx.msk $0xff, v4  }
0xec: {  	v5 =	vor.u32 $0x1100, v3;
	v4 =	vld.idx.msk [tilespmem:v62+s12+$0x0], $0xffff  }
0xed: {  	v62 =	vor.u32 v12, v0;
	_ =	sdelay $0x3  }
0xee: {  	[tilespmem:v5+s21+$0x0] =	vst.idx.msk $0xff, v4  }
0xef: {  	v5 =	vor.u32 $0x1180, v3;
	v4 =	vld.idx.msk [tilespmem:v62+s12+$0x0], $0xffff  }
0xf0: {  	v62 =	vor.u32 v13, v0;
	_ =	sdelay $0x3  }
0xf1: {  	[tilespmem:v5+s21+$0x0] =	vst.idx.msk $0xff, v4  }
0xf2: {  	v5 =	vor.u32 $0x1200, v3;
	v4 =	vld.idx.msk [tilespmem:v62+s12+$0x0], $0xffff  }
0xf3: {  	v62 =	vor.u32 v14, v0;
	_ =	sdelay $0x3  }
0xf4: {  	[tilespmem:v5+s21+$0x0] =	vst.idx.msk $0xff, v4  }
0xf5: {  	v5 =	vor.u32 $0x1280, v3;
	v4 =	vld.idx.msk [tilespmem:v62+s12+$0x0], $0xffff  }
0xf6: {  	v62 =	vor.u32 v15, v0;
	_ =	sdelay $0x3  }
0xf7: {  	[tilespmem:v5+s21+$0x0] =	vst.idx.msk $0xff, v4  }
0xf8: {  	v5 =	vor.u32 $0x1300, v3;
	v4 =	vld.idx.msk [tilespmem:v62+s12+$0x0], $0xffff  }
0xf9: {  	v62 =	vor.u32 v16, v0;
	_ =	sdelay $0x3  }
0xfa: {  	[tilespmem:v5+s21+$0x0] =	vst.idx.msk $0xff, v4  }
0xfb: {  	v5 =	vor.u32 $0x1380, v2;
	v4 =	vld.idx.msk [tilespmem:v62+s12+$0x0], $0xffff  }
0xfc: {  	v62 =	vor.u32 v17, v0;
	_ =	sdelay $0x3  }
0xfd: {  	[tilespmem:v5+s21+$0x0] =	vst.idx.msk $0xff, v4  }
0xfe: {  	v5 =	vor.u32 $0x2000, v3;
	v4 =	vld.idx.msk [tilespmem:v62+s12+$0x0], $0xffff  }
0xff: {  	v62 =	vor.u32 v18, v0;
	_ =	sdelay $0x3  }
0x100: {  	[tilespmem:v5+s21+$0x0] =	vst.idx.msk $0xff, v4  }
0x101: {  	v5 =	vor.u32 $0x2080, v3;
	v4 =	vld.idx.msk [tilespmem:v62+s12+$0x0], $0xffff  }
0x102: {  	v62 =	vor.u32 v19, v0;
	_ =	sdelay $0x3  }
0x103: {  	[tilespmem:v5+s21+$0x0] =	vst.idx.msk $0xff, v4  }
0x104: {  	v5 =	vor.u32 $0x2100, v3;
	v4 =	vld.idx.msk [tilespmem:v62+s12+$0x0], $0xffff  }
0x105: {  	v62 =	vor.u32 v20, v0;
	_ =	sdelay $0x3  }
0x106: {  	[tilespmem:v5+s21+$0x0] =	vst.idx.msk $0xff, v4  }
0x107: {  	v5 =	vor.u32 $0x2180, v3;
	v4 =	vld.idx.msk [tilespmem:v62+s12+$0x0], $0xffff  }
0x108: {  	v62 =	vor.u32 v21, v0;
	_ =	sdelay $0x3  }
0x109: {  	[tilespmem:v5+s21+$0x0] =	vst.idx.msk $0xff, v4  }
0x10a: {  	v5 =	vor.u32 $0x2200, v3;
	v4 =	vld.idx.msk [tilespmem:v62+s12+$0x0], $0xffff  }
0x10b: {  	v62 =	vor.u32 v22, v0;
	_ =	sdelay $0x3  }
0x10c: {  	[tilespmem:v5+s21+$0x0] =	vst.idx.msk $0xff, v4  }
0x10d: {  	v5 =	vor.u32 $0x2280, v3;
	v4 =	vld.idx.msk [tilespmem:v62+s12+$0x0], $0xffff  }
0x10e: {  	v62 =	vor.u32 v23, v0;
	_ =	sdelay $0x3  }
0x10f: {  	[tilespmem:v5+s21+$0x0] =	vst.idx.msk $0xff, v4  }
0x110: {  	v5 =	vor.u32 $0x2300, v3;
	v4 =	vld.idx.msk [tilespmem:v62+s12+$0x0], $0xffff  }
0x111: {  	v62 =	vor.u32 v24, v0;
	_ =	sdelay $0x3  }
0x112: {  	[tilespmem:v5+s21+$0x0] =	vst.idx.msk $0xff, v4  }
0x113: {  	v5 =	vor.u32 $0x2380, v2;
	v4 =	vld.idx.msk [tilespmem:v62+s12+$0x0], $0xffff  }
0x114: {  	v62 =	vor.u32 v25, v0;
	_ =	sdelay $0x3  }
0x115: {  	[tilespmem:v5+s21+$0x0] =	vst.idx.msk $0xff, v4  }
0x116: {  	v5 =	vor.u32 $0x3000, v3;
	v4 =	vld.idx.msk [tilespmem:v62+s12+$0x0], $0xffff  }
0x117: {  	v62 =	vor.u32 v26, v0;
	_ =	sdelay $0x3  }
0x118: {  	[tilespmem:v5+s21+$0x0] =	vst.idx.msk $0xff, v4  }
0x119: {  	v5 =	vor.u32 $0x3080, v3;
	v4 =	vld.idx.msk [tilespmem:v62+s12+$0x0], $0xffff  }
0x11a: {  	v62 =	vor.u32 v27, v0;
	_ =	sdelay $0x3  }
0x11b: {  	[tilespmem:v5+s21+$0x0] =	vst.idx.msk $0xff, v4  }
0x11c: {  	v5 =	vor.u32 $0x3100, v3;
	v4 =	vld.idx.msk [tilespmem:v62+s12+$0x0], $0xffff  }
0x11d: {  	v62 =	vor.u32 v28, v0;
	_ =	sdelay $0x3  }
0x11e: {  	[tilespmem:v5+s21+$0x0] =	vst.idx.msk $0xff, v4  }
0x11f: {  	v5 =	vor.u32 $0x3180, v3;
	v4 =	vld.idx.msk [tilespmem:v62+s12+$0x0], $0xffff  }
0x120: {  	v62 =	vor.u32 v29, v0;
	_ =	sdelay $0x3  }
0x121: {  	[tilespmem:v5+s21+$0x0] =	vst.idx.msk $0xff, v4  }
0x122: {  	v5 =	vor.u32 $0x3200, v3;
	v4 =	vld.idx.msk [tilespmem:v62+s12+$0x0], $0xffff  }
0x123: {  	v62 =	vor.u32 v30, v0;
	_ =	sdelay $0x3  }
0x124: {  	[tilespmem:v5+s21+$0x0] =	vst.idx.msk $0xff, v4  }
0x125: {  	v5 =	vor.u32 $0x3280, v3;
	v4 =	vld.idx.msk [tilespmem:v62+s12+$0x0], $0xffff  }
0x126: {  	v62 =	vor.u32 v31, v0;
	_ =	sdelay $0x3  }
0x127: {  	[tilespmem:v5+s21+$0x0] =	vst.idx.msk $0xff, v4  }
0x128: {  	v3 =	vor.u32 $0x3300, v3;
	v4 =	vld.idx.msk [tilespmem:v62+s12+$0x0], $0xffff  }
0x129: {  	v0 =	vor.u32 v32, v0;
	_ =	sdelay $0x3  }
0x12a: {  	[tilespmem:v3+s21+$0x0] =	vst.idx.msk $0xff, v4  }
0x12b: {  	p0 =	seq.s32 s23, $0x1F8;
	v2 =	vor.u32 $0x3380, v2;
	v0 =	vld.idx.msk [tilespmem:v0+s12+$0x0], $0xffff  }
.Ltmp2:
0x12c: {  	_ = 	snop;
	(pc) =	sbr.rel @p0 .LBB2_4-.Ltmp2, $2  }
0x12d: {  	_ =	sdelay $0x2  }
0x12e: {  	[tilespmem:v2+s21+$0x0] =	vst.idx.msk $0xff, v0  }
0x12f: {  	v0 =	vld [tilespmem:s24+$0x0];
	_ =	sdelay $0x4  }
0x130: {  	s25 =	rddreg [dreg:$0x2];
	v0 =	vand.u32 $0xFFFFFF80, v0  }
0x131: {  	v0 =	vadd.s32 s25, v0  }
0x132: {  	(v2sf) =	vpush v0, $0x0;
	_ =	sdelay $0x7  }
0x133: {  	(v2sf) =	vpush v0, $0x1;
	_ =	sdelay $0x6  }
0x134: {  	s25 =	spop (v2sf)  }
0x135: {  	(v2sf) =	vpush v0, $0x2;
	[tilespmem:s12], [sflag:$0x1] =	stream.linear.gather [hbm4b:s25+s4], $0x400, $0x38;
	[tilespmem:$0x14500] =	vst v63  }
0x136: {  	s28 =	simm.s32 $0x4500;
	s26 =	sadd.s32 $0xF4280, s25  }
0x137: {  	[tilespmem:s28], [sflag:$0x1] =	stream.linear.gather [hbm4b:s26+s4], $0x400, $0x38;
	[tilespmem:$0x14500] =	vst v63  }
0x138: {  	s29 =	sadd.s32 $0x1E8500, s25;
	s28 =	simm.s32 $0x8500  }
0x139: {  	[tilespmem:s28], [sflag:$0x1] =	stream.linear.gather [hbm4b:s29+s4], $0x400, $0x38;
	[tilespmem:$0x14500] =	vst v63  }
0x13a: {  	s25 =	sadd.s32 $0x2DC780, s25;
	s29 =	simm.s32 $0xC500  }
0x13b: {  	[tilespmem:s29], [sflag:$0x1] =	stream.linear.gather [hbm4b:s25+s4], $0x400, $0x38;
	[tilespmem:$0x14500] =	vst v63  }
0x13c: {  	s25 =	spop (v2sf);
	s29 =	simm.s32 $0x900  }
0x13d: {  	(v2sf) =	vpush v0, $0x3;
	[tilespmem:s29], [sflag:$0x1] =	stream.linear.gather [hbm4b:s25+s4], $0x400, $0x38;
	[tilespmem:$0x14500] =	vst v63  }
0x13e: {  	s28 =	simm.s32 $0x4900;
	s29 =	sadd.s32 $0xF4280, s25  }
0x13f: {  	[tilespmem:s28], [sflag:$0x1] =	stream.linear.gather [hbm4b:s29+s4], $0x400, $0x38;
	[tilespmem:$0x14500] =	vst v63  }
0x140: {  	s29 =	sadd.s32 $0x1E8500, s25;
	s28 =	simm.s32 $0x8900  }
0x141: {  	[tilespmem:s28], [sflag:$0x1] =	stream.linear.gather [hbm4b:s29+s4], $0x400, $0x38;
	[tilespmem:$0x14500] =	vst v63  }
0x142: {  	s25 =	sadd.s32 $0x2DC780, s25;
	s29 =	simm.s32 $0xC900  }
0x143: {  	[tilespmem:s29], [sflag:$0x1] =	stream.linear.gather [hbm4b:s25+s4], $0x400, $0x38;
	[tilespmem:$0x14500] =	vst v63  }
0x144: {  	s25 =	spop (v2sf);
	s29 =	simm.s32 $0xD00  }
0x145: {  	(v2sf) =	vpush v0, $0x4;
	[tilespmem:s29], [sflag:$0x1] =	stream.linear.gather [hbm4b:s25+s4], $0x400, $0x38;
	[tilespmem:$0x14500] =	vst v63  }
0x146: {  	s28 =	simm.s32 $0x4D00;
	s29 =	sadd.s32 $0xF4280, s25  }
0x147: {  	[tilespmem:s28], [sflag:$0x1] =	stream.linear.gather [hbm4b:s29+s4], $0x400, $0x38;
	[tilespmem:$0x14500] =	vst v63  }
0x148: {  	s29 =	sadd.s32 $0x1E8500, s25;
	s28 =	simm.s32 $0x8D00  }
0x149: {  	[tilespmem:s28], [sflag:$0x1] =	stream.linear.gather [hbm4b:s29+s4], $0x400, $0x38;
	[tilespmem:$0x14500] =	vst v63  }
0x14a: {  	s25 =	sadd.s32 $0x2DC780, s25;
	s29 =	simm.s32 $0xCD00  }
0x14b: {  	[tilespmem:s29], [sflag:$0x1] =	stream.linear.gather [hbm4b:s25+s4], $0x400, $0x38;
	[tilespmem:$0x14500] =	vst v63  }
0x14c: {  	s25 =	spop (v2sf);
	s29 =	simm.s32 $0x1100  }
0x14d: {  	(v2sf) =	vpush v0, $0x5;
	[tilespmem:s29], [sflag:$0x1] =	stream.linear.gather [hbm4b:s25+s4], $0x400, $0x38;
	[tilespmem:$0x14500] =	vst v63  }
0x14e: {  	s28 =	simm.s32 $0x5100;
	s29 =	sadd.s32 $0xF4280, s25  }
0x14f: {  	[tilespmem:s28], [sflag:$0x1] =	stream.linear.gather [hbm4b:s29+s4], $0x400, $0x38;
	[tilespmem:$0x14500] =	vst v63  }
0x150: {  	s29 =	sadd.s32 $0x1E8500, s25;
	s28 =	simm.s32 $0x9100  }
0x151: {  	[tilespmem:s28], [sflag:$0x1] =	stream.linear.gather [hbm4b:s29+s4], $0x400, $0x38;
	[tilespmem:$0x14500] =	vst v63  }
0x152: {  	s25 =	sadd.s32 $0x2DC780, s25;
	s29 =	simm.s32 $0xD100  }
0x153: {  	[tilespmem:s29], [sflag:$0x1] =	stream.linear.gather [hbm4b:s25+s4], $0x400, $0x38;
	[tilespmem:$0x14500] =	vst v63  }
0x154: {  	s25 =	spop (v2sf);
	s29 =	simm.s32 $0x1500  }
0x155: {  	(v2sf) =	vpush v0, $0x6;
	[tilespmem:s29], [sflag:$0x1] =	stream.linear.gather [hbm4b:s25+s4], $0x400, $0x38;
	[tilespmem:$0x14500] =	vst v63  }
0x156: {  	s28 =	simm.s32 $0x5500;
	s29 =	sadd.s32 $0xF4280, s25  }
0x157: {  	[tilespmem:s28], [sflag:$0x1] =	stream.linear.gather [hbm4b:s29+s4], $0x400, $0x38;
	[tilespmem:$0x14500] =	vst v63  }
0x158: {  	s29 =	sadd.s32 $0x1E8500, s25;
	s28 =	simm.s32 $0x9500  }
0x159: {  	[tilespmem:s28], [sflag:$0x1] =	stream.linear.gather [hbm4b:s29+s4], $0x400, $0x38;
	[tilespmem:$0x14500] =	vst v63  }
0x15a: {  	s25 =	sadd.s32 $0x2DC780, s25;
	s29 =	simm.s32 $0xD500  }
0x15b: {  	[tilespmem:s29], [sflag:$0x1] =	stream.linear.gather [hbm4b:s25+s4], $0x400, $0x38;
	[tilespmem:$0x14500] =	vst v63  }
0x15c: {  	s25 =	spop (v2sf);
	s29 =	simm.s32 $0x1900  }
0x15d: {  	(v2sf) =	vpush v0, $0x7;
	[tilespmem:s29], [sflag:$0x1] =	stream.linear.gather [hbm4b:s25+s4], $0x400, $0x38;
	[tilespmem:$0x14500] =	vst v63  }
0x15e: {  	s28 =	simm.s32 $0x5900;
	s29 =	sadd.s32 $0xF4280, s25  }
0x15f: {  	[tilespmem:s28], [sflag:$0x1] =	stream.linear.gather [hbm4b:s29+s4], $0x400, $0x38;
	[tilespmem:$0x14500] =	vst v63  }
0x160: {  	s29 =	sadd.s32 $0x1E8500, s25;
	s28 =	simm.s32 $0x9900  }
0x161: {  	[tilespmem:s28], [sflag:$0x1] =	stream.linear.gather [hbm4b:s29+s4], $0x400, $0x38;
	[tilespmem:$0x14500] =	vst v63  }
0x162: {  	s25 =	sadd.s32 $0x2DC780, s25;
	s29 =	simm.s32 $0xD900  }
0x163: {  	[tilespmem:s29], [sflag:$0x1] =	stream.linear.gather [hbm4b:s25+s4], $0x400, $0x38;
	[tilespmem:$0x14500] =	vst v63  }
0x164: {  	s25 =	spop (v2sf);
	s29 =	simm.s32 $0x1D00  }
0x165: {  	[tilespmem:s29], [sflag:$0x1] =	stream.linear.gather [hbm4b:s25+s4], $0x400, $0x38;
	[tilespmem:$0x14500] =	vst v63  }
0x166: {  	s28 =	simm.s32 $0x5D00;
	s29 =	sadd.s32 $0xF4280, s25  }
0x167: {  	[tilespmem:s28], [sflag:$0x1] =	stream.linear.gather [hbm4b:s29+s4], $0x400, $0x38;
	[tilespmem:$0x14500] =	vst v63  }
0x168: {  	s29 =	sadd.s32 $0x1E8500, s25;
	s28 =	simm.s32 $0x9D00  }
0x169: {  	[tilespmem:s28], [sflag:$0x1] =	stream.linear.gather [hbm4b:s29+s4], $0x400, $0x38;
	[tilespmem:$0x14500] =	vst v63  }
0x16a: {  	s25 =	sadd.s32 $0x2DC780, s25;
	s29 =	simm.s32 $0xDD00  }
0x16b: {  	[tilespmem:s29], [sflag:$0x1] =	stream.linear.gather [hbm4b:s25+s4], $0x400, $0x38;
	[tilespmem:$0x14500] =	vst v63  }
0x16c: {  	s25 =	spop (v2sf);
	s29 =	simm.s32 $0x2100  }
0x16d: {  	[tilespmem:s29], [sflag:$0x1] =	stream.linear.gather [hbm4b:s25+s4], $0x400, $0x38;
	[tilespmem:$0x14500] =	vst v63  }
0x16e: {  	s28 =	simm.s32 $0x6100;
	s29 =	sadd.s32 $0xF4280, s25  }
0x16f: {  	[tilespmem:s28], [sflag:$0x1] =	stream.linear.gather [hbm4b:s29+s4], $0x400, $0x38;
	[tilespmem:$0x14500] =	vst v63  }
0x170: {  	s29 =	sadd.s32 $0x1E8500, s25;
	s28 =	simm.s32 $0xA100  }
0x171: {  	[tilespmem:s28], [sflag:$0x1] =	stream.linear.gather [hbm4b:s29+s4], $0x400, $0x38;
	[tilespmem:$0x14500] =	vst v63  }
0x172: {  	s25 =	sadd.s32 $0x2DC780, s25;
	s28 =	simm.s32 $0x2500;
	s29 =	simm.s32 $0xE100  }
0x173: {  	[tilespmem:s29], [sflag:$0x1] =	stream.linear.gather [hbm4b:s25+s4], $0x400, $0x38;
	[tilespmem:$0x14500] =	vst v63  }
.LBB2_4:
0x174: {  	_ =	swait.ge [sflag:s22], $0x8000  }
0x175: {  	[sflag:s22] =	ssyncset.done $0x0  }
0x176: {  	[sflag:s22] =	ssyncadd.s32 $0xFFFF8000  }
0x177: {  	v0 =	vld [tilespmem:s24+$0xFFFFFFF8];
	_ =	sdelay $0x4  }
0x178: {  	v2 =	vand.u32 $0x7F, v0  }
0x179: {  	v0 =	vor.u32 v33, v2;
	_ =	sdelay $0x1  }
0x17a: {  	v3 =	vadd.s32 s23, v7  }
0x17b: {  	v4 =	vshll.u32 v3, $0x3  }
0x17c: {  	v3 =	vand.u32 $0x7F, v3;
	v4 =	vand.u32 $0x7FFFFC00, v4  }
0x17d: {  	v3 =	vor.u32 v3, v4;
	v0 =	vld.idx.msk [tilespmem:v0+s12+$0x0], $0xffff  }
0x17e: {  	v4 =	vor.u32 v34, v2;
	_ =	sdelay $0x3  }
0x17f: {  	[tilespmem:v3+s21+$0x0] =	vst.idx.msk $0xff, v0  }
0x180: {  	v0 =	vld.idx.msk [tilespmem:v4+s12+$0x0], $0xffff;
	v4 =	vor.u32 $0x80, v3  }
0x181: {  	v5 =	vor.u32 v35, v2;
	_ =	sdelay $0x3  }
0x182: {  	[tilespmem:v4+s21+$0x0] =	vst.idx.msk $0xff, v0  }
0x183: {  	v4 =	vor.u32 $0x100, v3;
	v0 =	vld.idx.msk [tilespmem:v5+s12+$0x0], $0xffff  }
0x184: {  	v5 =	vor.u32 v36, v2;
	_ =	sdelay $0x3  }
0x185: {  	[tilespmem:v4+s21+$0x0] =	vst.idx.msk $0xff, v0  }
0x186: {  	v4 =	vor.u32 $0x180, v3;
	v0 =	vld.idx.msk [tilespmem:v5+s12+$0x0], $0xffff  }
0x187: {  	v5 =	vor.u32 v37, v2;
	_ =	sdelay $0x3  }
0x188: {  	[tilespmem:v4+s21+$0x0] =	vst.idx.msk $0xff, v0  }
0x189: {  	v4 =	vor.u32 $0x200, v3;
	v0 =	vld.idx.msk [tilespmem:v5+s12+$0x0], $0xffff  }
0x18a: {  	v5 =	vor.u32 v38, v2;
	_ =	sdelay $0x3  }
0x18b: {  	[tilespmem:v4+s21+$0x0] =	vst.idx.msk $0xff, v0  }
0x18c: {  	v4 =	vor.u32 $0x280, v3;
	v0 =	vld.idx.msk [tilespmem:v5+s12+$0x0], $0xffff  }
0x18d: {  	v5 =	vor.u32 v39, v2;
	_ =	sdelay $0x3  }
0x18e: {  	[tilespmem:v4+s21+$0x0] =	vst.idx.msk $0xff, v0  }
0x18f: {  	v4 =	vor.u32 $0x300, v3;
	v0 =	vld.idx.msk [tilespmem:v5+s12+$0x0], $0xffff  }
0x190: {  	v5 =	vor.u32 v40, v2;
	_ =	sdelay $0x3  }
0x191: {  	[tilespmem:v4+s21+$0x0] =	vst.idx.msk $0xff, v0  }
0x192: {  	v4 =	vor.u32 $0x380, v3;
	v0 =	vld.idx.msk [tilespmem:v5+s12+$0x0], $0xffff  }
0x193: {  	v5 =	vor.u32 v41, v2;
	_ =	sdelay $0x3  }
0x194: {  	[tilespmem:v4+s21+$0x0] =	vst.idx.msk $0xff, v0  }
0x195: {  	v4 =	vadd.s32 $0x1000, v3;
	v0 =	vld.idx.msk [tilespmem:v5+s12+$0x0], $0xffff  }
0x196: {  	v5 =	vor.u32 v42, v2;
	_ =	sdelay $0x3  }
0x197: {  	[tilespmem:v4+s21+$0x0] =	vst.idx.msk $0xff, v0  }
0x198: {  	v4 =	vadd.s32 $0x1080, v3;
	v0 =	vld.idx.msk [tilespmem:v5+s12+$0x0], $0xffff  }
0x199: {  	v5 =	vor.u32 v43, v2;
	_ =	sdelay $0x3  }
0x19a: {  	[tilespmem:v4+s21+$0x0] =	vst.idx.msk $0xff, v0  }
0x19b: {  	v4 =	vadd.s32 $0x1100, v3;
	v0 =	vld.idx.msk [tilespmem:v5+s12+$0x0], $0xffff  }
0x19c: {  	v5 =	vor.u32 v44, v2;
	_ =	sdelay $0x3  }
0x19d: {  	[tilespmem:v4+s21+$0x0] =	vst.idx.msk $0xff, v0  }
0x19e: {  	v4 =	vadd.s32 $0x1180, v3;
	v0 =	vld.idx.msk [tilespmem:v5+s12+$0x0], $0xffff  }
0x19f: {  	v5 =	vor.u32 v45, v2;
	_ =	sdelay $0x3  }
0x1a0: {  	[tilespmem:v4+s21+$0x0] =	vst.idx.msk $0xff, v0  }
0x1a1: {  	v4 =	vadd.s32 $0x1200, v3;
	v0 =	vld.idx.msk [tilespmem:v5+s12+$0x0], $0xffff  }
0x1a2: {  	v5 =	vor.u32 v46, v2;
	_ =	sdelay $0x3  }
0x1a3: {  	[tilespmem:v4+s21+$0x0] =	vst.idx.msk $0xff, v0  }
0x1a4: {  	v4 =	vadd.s32 $0x1280, v3;
	v0 =	vld.idx.msk [tilespmem:v5+s12+$0x0], $0xffff  }
0x1a5: {  	v5 =	vor.u32 v47, v2;
	_ =	sdelay $0x3  }
0x1a6: {  	[tilespmem:v4+s21+$0x0] =	vst.idx.msk $0xff, v0  }
0x1a7: {  	v4 =	vadd.s32 $0x1300, v3;
	v0 =	vld.idx.msk [tilespmem:v5+s12+$0x0], $0xffff  }
0x1a8: {  	v5 =	vor.u32 v48, v2;
	_ =	sdelay $0x3  }
0x1a9: {  	[tilespmem:v4+s21+$0x0] =	vst.idx.msk $0xff, v0  }
0x1aa: {  	v4 =	vadd.s32 $0x1380, v3;
	v0 =	vld.idx.msk [tilespmem:v5+s12+$0x0], $0xffff  }
0x1ab: {  	v5 =	vor.u32 v49, v2;
	_ =	sdelay $0x3  }
0x1ac: {  	[tilespmem:v4+s21+$0x0] =	vst.idx.msk $0xff, v0  }
0x1ad: {  	v4 =	vadd.s32 $0x2000, v3;
	v0 =	vld.idx.msk [tilespmem:v5+s12+$0x0], $0xffff  }
0x1ae: {  	v5 =	vor.u32 v50, v2;
	_ =	sdelay $0x3  }
0x1af: {  	[tilespmem:v4+s21+$0x0] =	vst.idx.msk $0xff, v0  }
0x1b0: {  	v4 =	vadd.s32 $0x2080, v3;
	v0 =	vld.idx.msk [tilespmem:v5+s12+$0x0], $0xffff  }
0x1b1: {  	v5 =	vor.u32 v51, v2;
	_ =	sdelay $0x3  }
0x1b2: {  	[tilespmem:v4+s21+$0x0] =	vst.idx.msk $0xff, v0  }
0x1b3: {  	v4 =	vadd.s32 $0x2100, v3;
	v0 =	vld.idx.msk [tilespmem:v5+s12+$0x0], $0xffff  }
0x1b4: {  	v5 =	vor.u32 v52, v2;
	_ =	sdelay $0x3  }
0x1b5: {  	[tilespmem:v4+s21+$0x0] =	vst.idx.msk $0xff, v0  }
0x1b6: {  	v4 =	vadd.s32 $0x2180, v3;
	v0 =	vld.idx.msk [tilespmem:v5+s12+$0x0], $0xffff  }
0x1b7: {  	v5 =	vor.u32 v53, v2;
	_ =	sdelay $0x3  }
0x1b8: {  	[tilespmem:v4+s21+$0x0] =	vst.idx.msk $0xff, v0  }
0x1b9: {  	v4 =	vadd.s32 $0x2200, v3;
	v0 =	vld.idx.msk [tilespmem:v5+s12+$0x0], $0xffff  }
0x1ba: {  	v5 =	vor.u32 v54, v2;
	_ =	sdelay $0x3  }
0x1bb: {  	[tilespmem:v4+s21+$0x0] =	vst.idx.msk $0xff, v0  }
0x1bc: {  	v4 =	vadd.s32 $0x2280, v3;
	v0 =	vld.idx.msk [tilespmem:v5+s12+$0x0], $0xffff  }
0x1bd: {  	v5 =	vor.u32 v55, v2;
	_ =	sdelay $0x3  }
0x1be: {  	[tilespmem:v4+s21+$0x0] =	vst.idx.msk $0xff, v0  }
0x1bf: {  	v4 =	vadd.s32 $0x2300, v3;
	v0 =	vld.idx.msk [tilespmem:v5+s12+$0x0], $0xffff  }
0x1c0: {  	v5 =	vor.u32 v56, v2;
	_ =	sdelay $0x3  }
0x1c1: {  	[tilespmem:v4+s21+$0x0] =	vst.idx.msk $0xff, v0  }
0x1c2: {  	v4 =	vadd.s32 $0x2380, v3;
	v0 =	vld.idx.msk [tilespmem:v5+s12+$0x0], $0xffff  }
0x1c3: {  	v5 =	vor.u32 v57, v2;
	_ =	sdelay $0x3  }
0x1c4: {  	[tilespmem:v4+s21+$0x0] =	vst.idx.msk $0xff, v0  }
0x1c5: {  	v4 =	vadd.s32 $0x3000, v3;
	v0 =	vld.idx.msk [tilespmem:v5+s12+$0x0], $0xffff  }
0x1c6: {  	v5 =	vor.u32 v58, v2;
	_ =	sdelay $0x3  }
0x1c7: {  	[tilespmem:v4+s21+$0x0] =	vst.idx.msk $0xff, v0  }
0x1c8: {  	v4 =	vadd.s32 $0x3080, v3;
	v0 =	vld.idx.msk [tilespmem:v5+s12+$0x0], $0xffff  }
0x1c9: {  	v5 =	vor.u32 v59, v2;
	_ =	sdelay $0x3  }
0x1ca: {  	[tilespmem:v4+s21+$0x0] =	vst.idx.msk $0xff, v0  }
0x1cb: {  	v4 =	vadd.s32 $0x3100, v3;
	v0 =	vld.idx.msk [tilespmem:v5+s12+$0x0], $0xffff  }
0x1cc: {  	v5 =	vor.u32 v60, v2;
	_ =	sdelay $0x3  }
0x1cd: {  	[tilespmem:v4+s21+$0x0] =	vst.idx.msk $0xff, v0  }
0x1ce: {  	v4 =	vadd.s32 $0x3180, v3;
	v0 =	vld.idx.msk [tilespmem:v5+s12+$0x0], $0xffff  }
0x1cf: {  	v5 =	vor.u32 v61, v2;
	_ =	sdelay $0x3  }
0x1d0: {  	[tilespmem:v4+s21+$0x0] =	vst.idx.msk $0xff, v0  }
0x1d1: {  	v62 =	vor.u32 $0xE280, v1;
	v4 =	vadd.s32 $0x3200, v3;
	v0 =	vld.idx.msk [tilespmem:v5+s12+$0x0], $0xffff  }
0x1d2: {  	v5 =	vor.u32 v62, v2;
	_ =	sdelay $0x3  }
0x1d3: {  	[tilespmem:v4+s21+$0x0] =	vst.idx.msk $0xff, v0  }
0x1d4: {  	v63 =	vor.u32 $0xE300, v1;
	v4 =	vadd.s32 $0x3280, v3;
	v0 =	vld.idx.msk [tilespmem:v5+s12+$0x0], $0xffff  }
0x1d5: {  	v5 =	vor.u32 v63, v2;
	_ =	sdelay $0x3  }
0x1d6: {  	[tilespmem:v4+s21+$0x0] =	vst.idx.msk $0xff, v0  }
0x1d7: {  	v0 =	vor.u32 $0xE380, v1;
	v4 =	vld.idx.msk [tilespmem:v5+s12+$0x0], $0xffff;
	v5 =	vadd.s32 $0x3300, v3  }
0x1d8: {  	v2 =	vor.u32 v0, v2;
	_ =	sdelay $0x3  }
0x1d9: {  	[tilespmem:v5+s21+$0x0] =	vst.idx.msk $0xff, v4  }
0x1da: {  	v3 =	vadd.s32 $0x3380, v3;
	v2 =	vld.idx.msk [tilespmem:v2+s12+$0x0], $0xffff  }
.Ltmp3:
0x1db: {  	_ = 	snop;
	(pc) =	sbr.rel @p0 .LBB2_6-.Ltmp3, $2  }
0x1dc: {  	_ =	sdelay $0x2  }
0x1dd: {  	[tilespmem:v3+s21+$0x0] =	vst.idx.msk $0xff, v2  }
0x1de: {  	v0 =	vld [tilespmem:s24+$0x8];
	_ =	sdelay $0x4  }
0x1df: {  	s25 =	rddreg [dreg:$0x2];
	v0 =	vand.u32 $0xFFFFFF80, v0  }
0x1e0: {  	v0 =	vadd.s32 s25, v0  }
0x1e1: {  	(v2sf) =	vpush v0, $0x0;
	_ =	sdelay $0x7  }
0x1e2: {  	(v2sf) =	vpush v0, $0x1;
	_ =	sdelay $0x6  }
0x1e3: {  	s25 =	spop (v2sf)  }
0x1e4: {  	(v2sf) =	vpush v0, $0x2;
	[tilespmem:s28], [sflag:$0x2] =	stream.linear.gather [hbm4b:s25+s4], $0x400, $0x38;
	[tilespmem:$0x14500] =	vst v63  }
0x1e5: {  	s29 =	simm.s32 $0x6500;
	s26 =	sadd.s32 $0xF4280, s25  }
0x1e6: {  	[tilespmem:s29], [sflag:$0x2] =	stream.linear.gather [hbm4b:s26+s4], $0x400, $0x38;
	[tilespmem:$0x14500] =	vst v63  }
0x1e7: {  	s26 =	sadd.s32 $0x1E8500, s25;
	s29 =	simm.s32 $0xA500  }
0x1e8: {  	[tilespmem:s29], [sflag:$0x2] =	stream.linear.gather [hbm4b:s26+s4], $0x400, $0x38;
	[tilespmem:$0x14500] =	vst v63  }
0x1e9: {  	s25 =	sadd.s32 $0x2DC780, s25;
	s29 =	simm.s32 $0xE500  }
0x1ea: {  	[tilespmem:s29], [sflag:$0x2] =	stream.linear.gather [hbm4b:s25+s4], $0x400, $0x38;
	[tilespmem:$0x14500] =	vst v63  }
0x1eb: {  	s25 =	spop (v2sf);
	s29 =	simm.s32 $0x2900  }
0x1ec: {  	(v2sf) =	vpush v0, $0x3;
	[tilespmem:s29], [sflag:$0x2] =	stream.linear.gather [hbm4b:s25+s4], $0x400, $0x38;
	[tilespmem:$0x14500] =	vst v63  }
0x1ed: {  	s26 =	sadd.s32 $0xF4280, s25;
	s29 =	simm.s32 $0x6900  }
0x1ee: {  	[tilespmem:s29], [sflag:$0x2] =	stream.linear.gather [hbm4b:s26+s4], $0x400, $0x38;
	[tilespmem:$0x14500] =	vst v63  }
0x1ef: {  	s26 =	sadd.s32 $0x1E8500, s25;
	s29 =	simm.s32 $0xA900  }
0x1f0: {  	[tilespmem:s29], [sflag:$0x2] =	stream.linear.gather [hbm4b:s26+s4], $0x400, $0x38;
	[tilespmem:$0x14500] =	vst v63  }
0x1f1: {  	s25 =	sadd.s32 $0x2DC780, s25;
	s29 =	simm.s32 $0xE900  }
0x1f2: {  	[tilespmem:s29], [sflag:$0x2] =	stream.linear.gather [hbm4b:s25+s4], $0x400, $0x38;
	[tilespmem:$0x14500] =	vst v63  }
0x1f3: {  	s25 =	spop (v2sf);
	s29 =	simm.s32 $0x2D00  }
0x1f4: {  	(v2sf) =	vpush v0, $0x4;
	[tilespmem:s29], [sflag:$0x2] =	stream.linear.gather [hbm4b:s25+s4], $0x400, $0x38;
	[tilespmem:$0x14500] =	vst v63  }
0x1f5: {  	s26 =	sadd.s32 $0xF4280, s25;
	s29 =	simm.s32 $0x6D00  }
0x1f6: {  	[tilespmem:s29], [sflag:$0x2] =	stream.linear.gather [hbm4b:s26+s4], $0x400, $0x38;
	[tilespmem:$0x14500] =	vst v63  }
0x1f7: {  	s26 =	sadd.s32 $0x1E8500, s25;
	s29 =	simm.s32 $0xAD00  }
0x1f8: {  	[tilespmem:s29], [sflag:$0x2] =	stream.linear.gather [hbm4b:s26+s4], $0x400, $0x38;
	[tilespmem:$0x14500] =	vst v63  }
0x1f9: {  	s25 =	sadd.s32 $0x2DC780, s25;
	s29 =	simm.s32 $0xED00  }
0x1fa: {  	[tilespmem:s29], [sflag:$0x2] =	stream.linear.gather [hbm4b:s25+s4], $0x400, $0x38;
	[tilespmem:$0x14500] =	vst v63  }
0x1fb: {  	s25 =	spop (v2sf)  }
0x1fc: {  	(v2sf) =	vpush v0, $0x5;
	[tilespmem:s30], [sflag:$0x2] =	stream.linear.gather [hbm4b:s25+s4], $0x400, $0x38;
	[tilespmem:$0x14500] =	vst v63  }
0x1fd: {  	s29 =	sadd.s32 $0xF4280, s25  }
0x1fe: {  	[tilespmem:s31], [sflag:$0x2] =	stream.linear.gather [hbm4b:s29+s4], $0x400, $0x38;
	[tilespmem:$0x14500] =	vst v63  }
0x1ff: {  	s29 =	sadd.s32 $0x1E8500, s25  }
0x200: {  	[tilespmem:s0], [sflag:$0x2] =	stream.linear.gather [hbm4b:s29+s4], $0x400, $0x38;
	[tilespmem:$0x14500] =	vst v63  }
0x201: {  	s25 =	sadd.s32 $0x2DC780, s25  }
0x202: {  	[tilespmem:s3], [sflag:$0x2] =	stream.linear.gather [hbm4b:s25+s4], $0x400, $0x38;
	[tilespmem:$0x14500] =	vst v63  }
0x203: {  	s25 =	spop (v2sf)  }
0x204: {  	(v2sf) =	vpush v0, $0x6;
	[tilespmem:s11], [sflag:$0x2] =	stream.linear.gather [hbm4b:s25+s4], $0x400, $0x38;
	[tilespmem:$0x14500] =	vst v63  }
0x205: {  	s29 =	sadd.s32 $0xF4280, s25  }
0x206: {  	[tilespmem:s5], [sflag:$0x2] =	stream.linear.gather [hbm4b:s29+s4], $0x400, $0x38;
	[tilespmem:$0x14500] =	vst v63  }
0x207: {  	s29 =	sadd.s32 $0x1E8500, s25  }
0x208: {  	[tilespmem:s6], [sflag:$0x2] =	stream.linear.gather [hbm4b:s29+s4], $0x400, $0x38;
	[tilespmem:$0x14500] =	vst v63  }
0x209: {  	s25 =	sadd.s32 $0x2DC780, s25  }
0x20a: {  	[tilespmem:s7], [sflag:$0x2] =	stream.linear.gather [hbm4b:s25+s4], $0x400, $0x38;
	[tilespmem:$0x14500] =	vst v63  }
0x20b: {  	s25 =	spop (v2sf)  }
0x20c: {  	(v2sf) =	vpush v0, $0x7;
	[tilespmem:s8], [sflag:$0x2] =	stream.linear.gather [hbm4b:s25+s4], $0x400, $0x38;
	[tilespmem:$0x14500] =	vst v63  }
0x20d: {  	s29 =	sadd.s32 $0xF4280, s25  }
0x20e: {  	[tilespmem:s9], [sflag:$0x2] =	stream.linear.gather [hbm4b:s29+s4], $0x400, $0x38;
	[tilespmem:$0x14500] =	vst v63  }
0x20f: {  	s29 =	sadd.s32 $0x1E8500, s25  }
0x210: {  	[tilespmem:s10], [sflag:$0x2] =	stream.linear.gather [hbm4b:s29+s4], $0x400, $0x38;
	[tilespmem:$0x14500] =	vst v63  }
0x211: {  	s25 =	sadd.s32 $0x2DC780, s25  }
0x212: {  	[tilespmem:s13], [sflag:$0x2] =	stream.linear.gather [hbm4b:s25+s4], $0x400, $0x38;
	[tilespmem:$0x14500] =	vst v63  }
0x213: {  	s25 =	spop (v2sf)  }
0x214: {  	[tilespmem:s14], [sflag:$0x2] =	stream.linear.gather [hbm4b:s25+s4], $0x400, $0x38;
	[tilespmem:$0x14500] =	vst v63  }
0x215: {  	s29 =	sadd.s32 $0xF4280, s25  }
0x216: {  	[tilespmem:s15], [sflag:$0x2] =	stream.linear.gather [hbm4b:s29+s4], $0x400, $0x38;
	[tilespmem:$0x14500] =	vst v63  }
0x217: {  	s29 =	sadd.s32 $0x1E8500, s25  }
0x218: {  	[tilespmem:s16], [sflag:$0x2] =	stream.linear.gather [hbm4b:s29+s4], $0x400, $0x38;
	[tilespmem:$0x14500] =	vst v63  }
0x219: {  	s25 =	sadd.s32 $0x2DC780, s25  }
0x21a: {  	[tilespmem:s1], [sflag:$0x2] =	stream.linear.gather [hbm4b:s25+s4], $0x400, $0x38;
	[tilespmem:$0x14500] =	vst v63  }
0x21b: {  	s25 =	spop (v2sf)  }
0x21c: {  	[tilespmem:s2], [sflag:$0x2] =	stream.linear.gather [hbm4b:s25+s4], $0x400, $0x38;
	[tilespmem:$0x14500] =	vst v63  }
0x21d: {  	s29 =	sadd.s32 $0xF4280, s25  }
0x21e: {  	[tilespmem:s17], [sflag:$0x2] =	stream.linear.gather [hbm4b:s29+s4], $0x400, $0x38;
	[tilespmem:$0x14500] =	vst v63  }
.Ltmp4:
0x21f: {  	_ = 	snop;
	(pc) =	sbr.rel .LBB2_2-.Ltmp4, $4  }
0x220: {  	s29 =	sadd.s32 $0x1E8500, s25  }
0x221: {  	[tilespmem:s18], [sflag:$0x2] =	stream.linear.gather [hbm4b:s29+s4], $0x400, $0x38;
	[tilespmem:$0x14500] =	vst v63  }
0x222: {  	s23 =	sadd.s32 $0x10, s23;
	s24 =	sadd.s32 $0x10, s24;
	s25 =	sadd.s32 $0x2DC780, s25  }
0x223: {  	[tilespmem:s19], [sflag:$0x2] =	stream.linear.gather [hbm4b:s25+s4], $0x400, $0x38;
	[tilespmem:$0x14500] =	vst v63  }
.LBB2_6:
0x224: {  	s23 =	rddreg [dreg:$0x8]  }
0x225: {  	s24 =	simm.s32 $0x1000;
	s25 =	simm.s32 $0x20000;
	s26 =	simm.s32 $0x3  }
0x226: {  	[hbm4b:s23+s24] =	stream.strided.scatter [tilespmem:s21], [sflag:$0x3], $0x4000, s25, s24, $0x38;
	[tilespmem:$0x14500] =	vst v63  }
0x227: {  	_ =	swait.ge [sflag:s26], $0x4000  }
0x228: {  	[sflag:s26] =	ssyncset.done $0x0  }
0x229: {  	[sflag:s26] =	ssyncadd.s32 $0xFFFFC000  }
0x22a: {  	v2 =	vld [tilespmem:$0x280];
	_ =	sdelay $0x4  }
0x22b: {  	s25 =	rddreg [dreg:$0x3];
	v2 =	vand.u32 $0xFFFFFF80, v2  }
0x22c: {  	v2 =	vadd.s32 s25, v2  }
0x22d: {  	(v2sf) =	vpush v2, $0x0;
	_ =	sdelay $0x7  }
0x22e: {  	(v2sf) =	vpush v2, $0x1;
	_ =	sdelay $0x6  }
0x22f: {  	s23 =	spop (v2sf)  }
0x230: {  	(v2sf) =	vpush v2, $0x2;
	[tilespmem:s12], [sflag:$0x1] =	stream.linear.gather [hbm4b:s23+s4], $0x400, $0x38;
	[tilespmem:$0x14500] =	vst v63  }
0x231: {  	s26 =	simm.s32 $0x4500;
	s29 =	sadd.s32 $0xF4280, s23  }
0x232: {  	[tilespmem:s26], [sflag:$0x1] =	stream.linear.gather [hbm4b:s29+s4], $0x400, $0x38;
	[tilespmem:$0x14500] =	vst v63  }
0x233: {  	s26 =	sadd.s32 $0x1E8500, s23;
	s29 =	simm.s32 $0x8500  }
0x234: {  	[tilespmem:s29], [sflag:$0x1] =	stream.linear.gather [hbm4b:s26+s4], $0x400, $0x38;
	[tilespmem:$0x14500] =	vst v63  }
0x235: {  	s23 =	sadd.s32 $0x2DC780, s23;
	s26 =	simm.s32 $0xC500  }
0x236: {  	[tilespmem:s26], [sflag:$0x1] =	stream.linear.gather [hbm4b:s23+s4], $0x400, $0x38;
	[tilespmem:$0x14500] =	vst v63  }
0x237: {  	s29 =	simm.s32 $0x900;
	s23 =	spop (v2sf)  }
0x238: {  	(v2sf) =	vpush v2, $0x3;
	[tilespmem:s29], [sflag:$0x1] =	stream.linear.gather [hbm4b:s23+s4], $0x400, $0x38;
	[tilespmem:$0x14500] =	vst v63  }
0x239: {  	s26 =	sadd.s32 $0xF4280, s23;
	s29 =	simm.s32 $0x4900  }
0x23a: {  	[tilespmem:s29], [sflag:$0x1] =	stream.linear.gather [hbm4b:s26+s4], $0x400, $0x38;
	[tilespmem:$0x14500] =	vst v63  }
0x23b: {  	s26 =	sadd.s32 $0x1E8500, s23;
	s29 =	simm.s32 $0x8900  }
0x23c: {  	[tilespmem:s29], [sflag:$0x1] =	stream.linear.gather [hbm4b:s26+s4], $0x400, $0x38;
	[tilespmem:$0x14500] =	vst v63  }
0x23d: {  	s23 =	sadd.s32 $0x2DC780, s23;
	s26 =	simm.s32 $0xC900  }
0x23e: {  	[tilespmem:s26], [sflag:$0x1] =	stream.linear.gather [hbm4b:s23+s4], $0x400, $0x38;
	[tilespmem:$0x14500] =	vst v63  }
0x23f: {  	s29 =	simm.s32 $0xD00;
	s23 =	spop (v2sf)  }
0x240: {  	(v2sf) =	vpush v2, $0x4;
	[tilespmem:s29], [sflag:$0x1] =	stream.linear.gather [hbm4b:s23+s4], $0x400, $0x38;
	[tilespmem:$0x14500] =	vst v63  }
0x241: {  	s26 =	sadd.s32 $0xF4280, s23;
	s29 =	simm.s32 $0x4D00  }
0x242: {  	[tilespmem:s29], [sflag:$0x1] =	stream.linear.gather [hbm4b:s26+s4], $0x400, $0x38;
	[tilespmem:$0x14500] =	vst v63  }
0x243: {  	s26 =	sadd.s32 $0x1E8500, s23;
	s29 =	simm.s32 $0x8D00  }
0x244: {  	[tilespmem:s29], [sflag:$0x1] =	stream.linear.gather [hbm4b:s26+s4], $0x400, $0x38;
	[tilespmem:$0x14500] =	vst v63  }
0x245: {  	s23 =	sadd.s32 $0x2DC780, s23;
	s26 =	simm.s32 $0xCD00  }
0x246: {  	[tilespmem:s26], [sflag:$0x1] =	stream.linear.gather [hbm4b:s23+s4], $0x400, $0x38;
	[tilespmem:$0x14500] =	vst v63  }
0x247: {  	s29 =	simm.s32 $0x1100;
	s23 =	spop (v2sf)  }
0x248: {  	(v2sf) =	vpush v2, $0x5;
	[tilespmem:s29], [sflag:$0x1] =	stream.linear.gather [hbm4b:s23+s4], $0x400, $0x38;
	[tilespmem:$0x14500] =	vst v63  }
0x249: {  	s26 =	sadd.s32 $0xF4280, s23;
	s29 =	simm.s32 $0x5100  }
0x24a: {  	[tilespmem:s29], [sflag:$0x1] =	stream.linear.gather [hbm4b:s26+s4], $0x400, $0x38;
	[tilespmem:$0x14500] =	vst v63  }
0x24b: {  	s26 =	sadd.s32 $0x1E8500, s23;
	s29 =	simm.s32 $0x9100  }
0x24c: {  	[tilespmem:s29], [sflag:$0x1] =	stream.linear.gather [hbm4b:s26+s4], $0x400, $0x38;
	[tilespmem:$0x14500] =	vst v63  }
0x24d: {  	s23 =	sadd.s32 $0x2DC780, s23;
	s26 =	simm.s32 $0xD100  }
0x24e: {  	[tilespmem:s26], [sflag:$0x1] =	stream.linear.gather [hbm4b:s23+s4], $0x400, $0x38;
	[tilespmem:$0x14500] =	vst v63  }
0x24f: {  	s29 =	simm.s32 $0x1500;
	s23 =	spop (v2sf)  }
0x250: {  	(v2sf) =	vpush v2, $0x6;
	[tilespmem:s29], [sflag:$0x1] =	stream.linear.gather [hbm4b:s23+s4], $0x400, $0x38;
	[tilespmem:$0x14500] =	vst v63  }
0x251: {  	s26 =	sadd.s32 $0xF4280, s23;
	s29 =	simm.s32 $0x5500  }
0x252: {  	[tilespmem:s29], [sflag:$0x1] =	stream.linear.gather [hbm4b:s26+s4], $0x400, $0x38;
	[tilespmem:$0x14500] =	vst v63  }
0x253: {  	s26 =	sadd.s32 $0x1E8500, s23;
	s29 =	simm.s32 $0x9500  }
0x254: {  	[tilespmem:s29], [sflag:$0x1] =	stream.linear.gather [hbm4b:s26+s4], $0x400, $0x38;
	[tilespmem:$0x14500] =	vst v63  }
0x255: {  	s23 =	sadd.s32 $0x2DC780, s23;
	s26 =	simm.s32 $0xD500  }
0x256: {  	[tilespmem:s26], [sflag:$0x1] =	stream.linear.gather [hbm4b:s23+s4], $0x400, $0x38;
	[tilespmem:$0x14500] =	vst v63  }
0x257: {  	s29 =	simm.s32 $0x1900;
	s23 =	spop (v2sf)  }
0x258: {  	(v2sf) =	vpush v2, $0x7;
	[tilespmem:s29], [sflag:$0x1] =	stream.linear.gather [hbm4b:s23+s4], $0x400, $0x38;
	[tilespmem:$0x14500] =	vst v63  }
0x259: {  	s26 =	sadd.s32 $0xF4280, s23;
	s29 =	simm.s32 $0x5900  }
0x25a: {  	[tilespmem:s29], [sflag:$0x1] =	stream.linear.gather [hbm4b:s26+s4], $0x400, $0x38;
	[tilespmem:$0x14500] =	vst v63  }
0x25b: {  	s26 =	sadd.s32 $0x1E8500, s23;
	s29 =	simm.s32 $0x9900  }
0x25c: {  	[tilespmem:s29], [sflag:$0x1] =	stream.linear.gather [hbm4b:s26+s4], $0x400, $0x38;
	[tilespmem:$0x14500] =	vst v63  }
0x25d: {  	s23 =	sadd.s32 $0x2DC780, s23;
	s26 =	simm.s32 $0xD900  }
0x25e: {  	[tilespmem:s26], [sflag:$0x1] =	stream.linear.gather [hbm4b:s23+s4], $0x400, $0x38;
	[tilespmem:$0x14500] =	vst v63  }
0x25f: {  	s29 =	simm.s32 $0x1D00;
	s23 =	spop (v2sf)  }
0x260: {  	[tilespmem:s29], [sflag:$0x1] =	stream.linear.gather [hbm4b:s23+s4], $0x400, $0x38;
	[tilespmem:$0x14500] =	vst v63  }
0x261: {  	s26 =	sadd.s32 $0xF4280, s23;
	s29 =	simm.s32 $0x5D00  }
0x262: {  	[tilespmem:s29], [sflag:$0x1] =	stream.linear.gather [hbm4b:s26+s4], $0x400, $0x38;
	[tilespmem:$0x14500] =	vst v63  }
0x263: {  	s26 =	sadd.s32 $0x1E8500, s23;
	s29 =	simm.s32 $0x9D00  }
0x264: {  	[tilespmem:s29], [sflag:$0x1] =	stream.linear.gather [hbm4b:s26+s4], $0x400, $0x38;
	[tilespmem:$0x14500] =	vst v63  }
0x265: {  	s23 =	sadd.s32 $0x2DC780, s23;
	s26 =	simm.s32 $0xDD00  }
0x266: {  	[tilespmem:s26], [sflag:$0x1] =	stream.linear.gather [hbm4b:s23+s4], $0x400, $0x38;
	[tilespmem:$0x14500] =	vst v63  }
0x267: {  	s29 =	simm.s32 $0x2100;
	s23 =	spop (v2sf)  }
0x268: {  	[tilespmem:s29], [sflag:$0x1] =	stream.linear.gather [hbm4b:s23+s4], $0x400, $0x38;
	[tilespmem:$0x14500] =	vst v63  }
0x269: {  	s26 =	sadd.s32 $0xF4280, s23;
	s29 =	simm.s32 $0x6100  }
0x26a: {  	[tilespmem:s29], [sflag:$0x1] =	stream.linear.gather [hbm4b:s26+s4], $0x400, $0x38;
	[tilespmem:$0x14500] =	vst v63  }
0x26b: {  	s26 =	sadd.s32 $0x1E8500, s23;
	s29 =	simm.s32 $0xA100  }
0x26c: {  	[tilespmem:s29], [sflag:$0x1] =	stream.linear.gather [hbm4b:s26+s4], $0x400, $0x38;
	[tilespmem:$0x14500] =	vst v63  }
0x26d: {  	s23 =	sadd.s32 $0x2DC780, s23;
	s29 =	simm.s32 $0xE100  }
0x26e: {  	[tilespmem:s29], [sflag:$0x1] =	stream.linear.gather [hbm4b:s23+s4], $0x400, $0x38;
	[tilespmem:$0x14500] =	vst v63  }
0x26f: {  	v2 =	vld [tilespmem:$0x288];
	_ =	sdelay $0x4  }
0x270: {  	v2 =	vand.u32 $0xFFFFFF80, v2  }
0x271: {  	v2 =	vadd.s32 s25, v2  }
0x272: {  	(v2sf) =	vpush v2, $0x0;
	_ =	sdelay $0x7  }
0x273: {  	(v2sf) =	vpush v2, $0x1;
	_ =	sdelay $0x6  }
0x274: {  	s23 =	spop (v2sf)  }
0x275: {  	(v2sf) =	vpush v2, $0x2;
	[tilespmem:s28], [sflag:$0x2] =	stream.linear.gather [hbm4b:s23+s4], $0x400, $0x38;
	[tilespmem:$0x14500] =	vst v63  }
0x276: {  	s29 =	simm.s32 $0x6500;
	s26 =	sadd.s32 $0xF4280, s23  }
0x277: {  	[tilespmem:s29], [sflag:$0x2] =	stream.linear.gather [hbm4b:s26+s4], $0x400, $0x38;
	[tilespmem:$0x14500] =	vst v63  }
0x278: {  	s25 =	sadd.s32 $0x1E8500, s23;
	s26 =	simm.s32 $0xA500  }
0x279: {  	[tilespmem:s26], [sflag:$0x2] =	stream.linear.gather [hbm4b:s25+s4], $0x400, $0x38;
	[tilespmem:$0x14500] =	vst v63  }
0x27a: {  	s23 =	sadd.s32 $0x2DC780, s23;
	s29 =	simm.s32 $0xE500  }
0x27b: {  	[tilespmem:s29], [sflag:$0x2] =	stream.linear.gather [hbm4b:s23+s4], $0x400, $0x38;
	[tilespmem:$0x14500] =	vst v63  }
0x27c: {  	s25 =	simm.s32 $0x2900;
	s23 =	spop (v2sf)  }
0x27d: {  	(v2sf) =	vpush v2, $0x3;
	[tilespmem:s25], [sflag:$0x2] =	stream.linear.gather [hbm4b:s23+s4], $0x400, $0x38;
	[tilespmem:$0x14500] =	vst v63  }
0x27e: {  	s29 =	simm.s32 $0x6900;
	s26 =	sadd.s32 $0xF4280, s23  }
0x27f: {  	[tilespmem:s29], [sflag:$0x2] =	stream.linear.gather [hbm4b:s26+s4], $0x400, $0x38;
	[tilespmem:$0x14500] =	vst v63  }
0x280: {  	s25 =	sadd.s32 $0x1E8500, s23;
	s26 =	simm.s32 $0xA900  }
0x281: {  	[tilespmem:s26], [sflag:$0x2] =	stream.linear.gather [hbm4b:s25+s4], $0x400, $0x38;
	[tilespmem:$0x14500] =	vst v63  }
0x282: {  	s23 =	sadd.s32 $0x2DC780, s23;
	s29 =	simm.s32 $0xE900  }
0x283: {  	[tilespmem:s29], [sflag:$0x2] =	stream.linear.gather [hbm4b:s23+s4], $0x400, $0x38;
	[tilespmem:$0x14500] =	vst v63  }
0x284: {  	s25 =	simm.s32 $0x2D00;
	s23 =	spop (v2sf)  }
0x285: {  	(v2sf) =	vpush v2, $0x4;
	[tilespmem:s25], [sflag:$0x2] =	stream.linear.gather [hbm4b:s23+s4], $0x400, $0x38;
	[tilespmem:$0x14500] =	vst v63  }
0x286: {  	s29 =	simm.s32 $0x6D00;
	s26 =	sadd.s32 $0xF4280, s23  }
0x287: {  	[tilespmem:s29], [sflag:$0x2] =	stream.linear.gather [hbm4b:s26+s4], $0x400, $0x38;
	[tilespmem:$0x14500] =	vst v63  }
0x288: {  	s25 =	sadd.s32 $0x1E8500, s23;
	s26 =	simm.s32 $0xAD00  }
0x289: {  	[tilespmem:s26], [sflag:$0x2] =	stream.linear.gather [hbm4b:s25+s4], $0x400, $0x38;
	[tilespmem:$0x14500] =	vst v63  }
0x28a: {  	s23 =	sadd.s32 $0x2DC780, s23;
	s29 =	simm.s32 $0xED00  }
0x28b: {  	[tilespmem:s29], [sflag:$0x2] =	stream.linear.gather [hbm4b:s23+s4], $0x400, $0x38;
	[tilespmem:$0x14500] =	vst v63  }
0x28c: {  	s25 =	spop (v2sf)  }
0x28d: {  	(v2sf) =	vpush v2, $0x5;
	[tilespmem:s30], [sflag:$0x2] =	stream.linear.gather [hbm4b:s25+s4], $0x400, $0x38;
	[tilespmem:$0x14500] =	vst v63  }
0x28e: {  	s26 =	sadd.s32 $0xF4280, s25  }
0x28f: {  	[tilespmem:s31], [sflag:$0x2] =	stream.linear.gather [hbm4b:s26+s4], $0x400, $0x38;
	[tilespmem:$0x14500] =	vst v63  }
0x290: {  	s29 =	sadd.s32 $0x1E8500, s25  }
0x291: {  	[tilespmem:s0], [sflag:$0x2] =	stream.linear.gather [hbm4b:s29+s4], $0x400, $0x38;
	[tilespmem:$0x14500] =	vst v63  }
0x292: {  	s23 =	sadd.s32 $0x2DC780, s25  }
0x293: {  	[tilespmem:s3], [sflag:$0x2] =	stream.linear.gather [hbm4b:s23+s4], $0x400, $0x38;
	[tilespmem:$0x14500] =	vst v63  }
0x294: {  	s25 =	spop (v2sf)  }
0x295: {  	(v2sf) =	vpush v2, $0x6;
	[tilespmem:s11], [sflag:$0x2] =	stream.linear.gather [hbm4b:s25+s4], $0x400, $0x38;
	[tilespmem:$0x14500] =	vst v63  }
0x296: {  	s26 =	sadd.s32 $0xF4280, s25  }
0x297: {  	[tilespmem:s5], [sflag:$0x2] =	stream.linear.gather [hbm4b:s26+s4], $0x400, $0x38;
	[tilespmem:$0x14500] =	vst v63  }
0x298: {  	s29 =	sadd.s32 $0x1E8500, s25  }
0x299: {  	[tilespmem:s6], [sflag:$0x2] =	stream.linear.gather [hbm4b:s29+s4], $0x400, $0x38;
	[tilespmem:$0x14500] =	vst v63  }
0x29a: {  	s23 =	sadd.s32 $0x2DC780, s25  }
0x29b: {  	[tilespmem:s7], [sflag:$0x2] =	stream.linear.gather [hbm4b:s23+s4], $0x400, $0x38;
	[tilespmem:$0x14500] =	vst v63  }
0x29c: {  	s25 =	spop (v2sf)  }
0x29d: {  	(v2sf) =	vpush v2, $0x7;
	[tilespmem:s8], [sflag:$0x2] =	stream.linear.gather [hbm4b:s25+s4], $0x400, $0x38;
	[tilespmem:$0x14500] =	vst v63  }
0x29e: {  	s26 =	sadd.s32 $0xF4280, s25  }
0x29f: {  	[tilespmem:s9], [sflag:$0x2] =	stream.linear.gather [hbm4b:s26+s4], $0x400, $0x38;
	[tilespmem:$0x14500] =	vst v63  }
0x2a0: {  	s29 =	sadd.s32 $0x1E8500, s25  }
0x2a1: {  	[tilespmem:s10], [sflag:$0x2] =	stream.linear.gather [hbm4b:s29+s4], $0x400, $0x38;
	[tilespmem:$0x14500] =	vst v63  }
0x2a2: {  	s23 =	sadd.s32 $0x2DC780, s25  }
0x2a3: {  	[tilespmem:s13], [sflag:$0x2] =	stream.linear.gather [hbm4b:s23+s4], $0x400, $0x38;
	[tilespmem:$0x14500] =	vst v63  }
0x2a4: {  	s25 =	spop (v2sf)  }
0x2a5: {  	[tilespmem:s14], [sflag:$0x2] =	stream.linear.gather [hbm4b:s25+s4], $0x400, $0x38;
	[tilespmem:$0x14500] =	vst v63  }
0x2a6: {  	s26 =	sadd.s32 $0xF4280, s25  }
0x2a7: {  	[tilespmem:s15], [sflag:$0x2] =	stream.linear.gather [hbm4b:s26+s4], $0x400, $0x38;
	[tilespmem:$0x14500] =	vst v63  }
0x2a8: {  	s29 =	sadd.s32 $0x1E8500, s25  }
0x2a9: {  	[tilespmem:s16], [sflag:$0x2] =	stream.linear.gather [hbm4b:s29+s4], $0x400, $0x38;
	[tilespmem:$0x14500] =	vst v63  }
0x2aa: {  	s23 =	sadd.s32 $0x2DC780, s25  }
0x2ab: {  	[tilespmem:s1], [sflag:$0x2] =	stream.linear.gather [hbm4b:s23+s4], $0x400, $0x38;
	[tilespmem:$0x14500] =	vst v63  }
0x2ac: {  	s25 =	spop (v2sf)  }
0x2ad: {  	[tilespmem:s2], [sflag:$0x2] =	stream.linear.gather [hbm4b:s25+s4], $0x400, $0x38;
	[tilespmem:$0x14500] =	vst v63  }
0x2ae: {  	s26 =	sadd.s32 $0xF4280, s25  }
0x2af: {  	[tilespmem:s17], [sflag:$0x2] =	stream.linear.gather [hbm4b:s26+s4], $0x400, $0x38;
	[tilespmem:$0x14500] =	vst v63  }
0x2b0: {  	s29 =	sadd.s32 $0x1E8500, s25  }
0x2b1: {  	[tilespmem:s18], [sflag:$0x2] =	stream.linear.gather [hbm4b:s29+s4], $0x400, $0x38;
	[tilespmem:$0x14500] =	vst v63  }
0x2b2: {  	s23 =	sadd.s32 $0x2DC780, s25  }
0x2b3: {  	[tilespmem:s19], [sflag:$0x2] =	stream.linear.gather [hbm4b:s23+s4], $0x400, $0x38;
	[tilespmem:$0x14500] =	vst v63  }
0x2b4: {  	s24 =	simm.s32 $0x290;
	s23 =	simm.s32 $0x8  }
.LBB2_7:
0x2b5: {  	_ =	swait.ge [sflag:s20], $0x8000  }
0x2b6: {  	[sflag:s20] =	ssyncset.done $0x0  }
0x2b7: {  	[sflag:s20] =	ssyncadd.s32 $0xFFFF8000  }
0x2b8: {  	v2 =	vld [tilespmem:s24+$0xFFFFFFF0];
	_ =	sdelay $0x4  }
0x2b9: {  	v2 =	vand.u32 $0x7F, v2  }
0x2ba: {  	v3 =	vor.u32 v1, v2  }
0x2bb: {  	s25 =	sadd.s32 $0xFFFFFFF8, s23  }
0x2bc: {  	v4 =	vmov s25  }
0x2bd: {  	v5 =	vor.u32 s25, v7;
	v4 =	vshll.u32 v4, $0x3  }
0x2be: {  	v5 =	vand.u32 $0x7F, v5;
	v6 =	vand.u32 $0xC00, v4  }
0x2bf: {  	v6 =	vor.u32 v5, v6;
	v3 =	vld.idx.msk [tilespmem:v3+s12+$0x0], $0xffff  }
0x2c0: {  	v7 =	vor.u32 v8, v2  }
0x2c1: {  	v9 =	vmov v8;
	v8 =	vld [tilespmem:$0x1FF90];
	_ =	sdelay $0x2  }
0x2c2: {  	[tilespmem:v6+s21+$0x0] =	vst.idx.msk $0xff, v3  }
0x2c3: {  	v3 =	vld.idx.msk [tilespmem:v7+s12+$0x0], $0xffff;
	v7 =	vor.u32 $0x80, v6  }
0x2c4: {  	v8 =	vor.u32 v8, v2;
	_ =	sdelay $0x3  }
0x2c5: {  	[tilespmem:v7+s21+$0x0] =	vst.idx.msk $0xff, v3  }
0x2c6: {  	v3 =	vld.idx.msk [tilespmem:v8+s12+$0x0], $0xffff  }
0x2c7: {  	v8 =	vld [tilespmem:$0x1FFA0];
	_ =	sdelay $0x3  }
0x2c8: {  	v7 =	vor.u32 $0x100, v6  }
0x2c9: {  	v8 =	vor.u32 v8, v2;
	_ =	sdelay $0x3  }
0x2ca: {  	[tilespmem:v7+s21+$0x0] =	vst.idx.msk $0xff, v3  }
0x2cb: {  	v3 =	vld.idx.msk [tilespmem:v8+s12+$0x0], $0xffff  }
0x2cc: {  	v8 =	vld [tilespmem:$0x1FFB0];
	_ =	sdelay $0x3  }
0x2cd: {  	v7 =	vor.u32 $0x180, v6  }
0x2ce: {  	v8 =	vor.u32 v8, v2;
	_ =	sdelay $0x3  }
0x2cf: {  	[tilespmem:v7+s21+$0x0] =	vst.idx.msk $0xff, v3  }
0x2d0: {  	v3 =	vld.idx.msk [tilespmem:v8+s12+$0x0], $0xffff  }
0x2d1: {  	v8 =	vld [tilespmem:$0x1FFC0];
	_ =	sdelay $0x3  }
0x2d2: {  	v7 =	vor.u32 $0x200, v6  }
0x2d3: {  	v8 =	vor.u32 v8, v2;
	_ =	sdelay $0x3  }
0x2d4: {  	[tilespmem:v7+s21+$0x0] =	vst.idx.msk $0xff, v3  }
0x2d5: {  	v3 =	vld.idx.msk [tilespmem:v8+s12+$0x0], $0xffff  }
0x2d6: {  	v8 =	vld [tilespmem:$0x1FFD0];
	_ =	sdelay $0x3  }
0x2d7: {  	v7 =	vor.u32 $0x280, v6  }
0x2d8: {  	v8 =	vor.u32 v8, v2;
	_ =	sdelay $0x3  }
0x2d9: {  	[tilespmem:v7+s21+$0x0] =	vst.idx.msk $0xff, v3  }
0x2da: {  	v3 =	vld.idx.msk [tilespmem:v8+s12+$0x0], $0xffff  }
0x2db: {  	v8 =	vld [tilespmem:$0x1FFE0]  }
0x2dc: {  	v7 =	vor.u32 $0x300, v6;
	_ =	sdelay $0x3  }
0x2dd: {  	v8 =	vor.u32 v8, v2  }
0x2de: {  	[tilespmem:v7+s21+$0x0] =	vst.idx.msk $0xff, v3;
	v7 =	vld [tilespmem:$0x1FFF0];
	_ =	sdelay $0x2  }
0x2df: {  	v3 =	vor.u32 v4, v5  }
0x2e0: {  	v5 =	vor.u32 $0x380, v3;
	v4 =	vld.idx.msk [tilespmem:v8+s12+$0x0], $0xffff  }
0x2e1: {  	v7 =	vor.u32 v7, v2;
	_ =	sdelay $0x3  }
0x2e2: {  	[tilespmem:v5+s21+$0x0] =	vst.idx.msk $0xff, v4  }
0x2e3: {  	v5 =	vor.u32 $0x1000, v6;
	v4 =	vld.idx.msk [tilespmem:v7+s12+$0x0], $0xffff  }
0x2e4: {  	v7 =	vor.u32 v10, v2;
	_ =	sdelay $0x3  }
0x2e5: {  	[tilespmem:v5+s21+$0x0] =	vst.idx.msk $0xff, v4  }
0x2e6: {  	v5 =	vor.u32 $0x1080, v6;
	v4 =	vld.idx.msk [tilespmem:v7+s12+$0x0], $0xffff  }
0x2e7: {  	v7 =	vor.u32 v11, v2;
	_ =	sdelay $0x3  }
0x2e8: {  	[tilespmem:v5+s21+$0x0] =	vst.idx.msk $0xff, v4  }
0x2e9: {  	v5 =	vor.u32 $0x1100, v6;
	v4 =	vld.idx.msk [tilespmem:v7+s12+$0x0], $0xffff  }
0x2ea: {  	v7 =	vor.u32 v12, v2;
	_ =	sdelay $0x3  }
0x2eb: {  	[tilespmem:v5+s21+$0x0] =	vst.idx.msk $0xff, v4  }
0x2ec: {  	v5 =	vor.u32 $0x1180, v6;
	v4 =	vld.idx.msk [tilespmem:v7+s12+$0x0], $0xffff  }
0x2ed: {  	v7 =	vor.u32 v13, v2;
	_ =	sdelay $0x3  }
0x2ee: {  	[tilespmem:v5+s21+$0x0] =	vst.idx.msk $0xff, v4  }
0x2ef: {  	v5 =	vor.u32 $0x1200, v6;
	v4 =	vld.idx.msk [tilespmem:v7+s12+$0x0], $0xffff  }
0x2f0: {  	v7 =	vor.u32 v14, v2;
	_ =	sdelay $0x3  }
0x2f1: {  	[tilespmem:v5+s21+$0x0] =	vst.idx.msk $0xff, v4  }
0x2f2: {  	v5 =	vor.u32 $0x1280, v6;
	v4 =	vld.idx.msk [tilespmem:v7+s12+$0x0], $0xffff  }
0x2f3: {  	v7 =	vor.u32 v15, v2;
	_ =	sdelay $0x3  }
0x2f4: {  	[tilespmem:v5+s21+$0x0] =	vst.idx.msk $0xff, v4  }
0x2f5: {  	v5 =	vor.u32 $0x1300, v6;
	v4 =	vld.idx.msk [tilespmem:v7+s12+$0x0], $0xffff  }
0x2f6: {  	v7 =	vor.u32 v16, v2;
	_ =	sdelay $0x3  }
0x2f7: {  	[tilespmem:v5+s21+$0x0] =	vst.idx.msk $0xff, v4  }
0x2f8: {  	v5 =	vor.u32 $0x1380, v3;
	v4 =	vld.idx.msk [tilespmem:v7+s12+$0x0], $0xffff  }
0x2f9: {  	v7 =	vor.u32 v17, v2;
	_ =	sdelay $0x3  }
0x2fa: {  	[tilespmem:v5+s21+$0x0] =	vst.idx.msk $0xff, v4  }
0x2fb: {  	v5 =	vor.u32 $0x2000, v6;
	v4 =	vld.idx.msk [tilespmem:v7+s12+$0x0], $0xffff  }
0x2fc: {  	v7 =	vor.u32 v18, v2;
	_ =	sdelay $0x3  }
0x2fd: {  	[tilespmem:v5+s21+$0x0] =	vst.idx.msk $0xff, v4  }
0x2fe: {  	v5 =	vor.u32 $0x2080, v6;
	v4 =	vld.idx.msk [tilespmem:v7+s12+$0x0], $0xffff  }
0x2ff: {  	v7 =	vor.u32 v19, v2;
	_ =	sdelay $0x3  }
0x300: {  	[tilespmem:v5+s21+$0x0] =	vst.idx.msk $0xff, v4  }
0x301: {  	v5 =	vor.u32 $0x2100, v6;
	v4 =	vld.idx.msk [tilespmem:v7+s12+$0x0], $0xffff  }
0x302: {  	v7 =	vor.u32 v20, v2;
	_ =	sdelay $0x3  }
0x303: {  	[tilespmem:v5+s21+$0x0] =	vst.idx.msk $0xff, v4  }
0x304: {  	v5 =	vor.u32 $0x2180, v6;
	v4 =	vld.idx.msk [tilespmem:v7+s12+$0x0], $0xffff  }
0x305: {  	v7 =	vor.u32 v21, v2;
	_ =	sdelay $0x3  }
0x306: {  	[tilespmem:v5+s21+$0x0] =	vst.idx.msk $0xff, v4  }
0x307: {  	v5 =	vor.u32 $0x2200, v6;
	v4 =	vld.idx.msk [tilespmem:v7+s12+$0x0], $0xffff  }
0x308: {  	v7 =	vor.u32 v22, v2;
	_ =	sdelay $0x3  }
0x309: {  	[tilespmem:v5+s21+$0x0] =	vst.idx.msk $0xff, v4  }
0x30a: {  	v5 =	vor.u32 $0x2280, v6;
	v4 =	vld.idx.msk [tilespmem:v7+s12+$0x0], $0xffff  }
0x30b: {  	v7 =	vor.u32 v23, v2;
	_ =	sdelay $0x3  }
0x30c: {  	[tilespmem:v5+s21+$0x0] =	vst.idx.msk $0xff, v4  }
0x30d: {  	v5 =	vor.u32 $0x2300, v6;
	v4 =	vld.idx.msk [tilespmem:v7+s12+$0x0], $0xffff  }
0x30e: {  	v7 =	vor.u32 v24, v2;
	_ =	sdelay $0x3  }
0x30f: {  	[tilespmem:v5+s21+$0x0] =	vst.idx.msk $0xff, v4  }
0x310: {  	v5 =	vor.u32 $0x2380, v3;
	v4 =	vld.idx.msk [tilespmem:v7+s12+$0x0], $0xffff  }
0x311: {  	v7 =	vor.u32 v25, v2;
	_ =	sdelay $0x3  }
0x312: {  	[tilespmem:v5+s21+$0x0] =	vst.idx.msk $0xff, v4  }
0x313: {  	v5 =	vor.u32 $0x3000, v6;
	v4 =	vld.idx.msk [tilespmem:v7+s12+$0x0], $0xffff  }
0x314: {  	v7 =	vor.u32 v26, v2;
	_ =	sdelay $0x3  }
0x315: {  	[tilespmem:v5+s21+$0x0] =	vst.idx.msk $0xff, v4  }
0x316: {  	v5 =	vor.u32 $0x3080, v6;
	v4 =	vld.idx.msk [tilespmem:v7+s12+$0x0], $0xffff  }
0x317: {  	v7 =	vor.u32 v27, v2;
	_ =	sdelay $0x3  }
0x318: {  	[tilespmem:v5+s21+$0x0] =	vst.idx.msk $0xff, v4  }
0x319: {  	v5 =	vor.u32 $0x3100, v6;
	v4 =	vld.idx.msk [tilespmem:v7+s12+$0x0], $0xffff  }
0x31a: {  	v7 =	vor.u32 v28, v2;
	_ =	sdelay $0x3  }
0x31b: {  	[tilespmem:v5+s21+$0x0] =	vst.idx.msk $0xff, v4  }
0x31c: {  	v5 =	vor.u32 $0x3180, v6;
	v4 =	vld.idx.msk [tilespmem:v7+s12+$0x0], $0xffff  }
0x31d: {  	v7 =	vor.u32 v29, v2;
	_ =	sdelay $0x3  }
0x31e: {  	[tilespmem:v5+s21+$0x0] =	vst.idx.msk $0xff, v4  }
0x31f: {  	v5 =	vor.u32 $0x3200, v6;
	v4 =	vld.idx.msk [tilespmem:v7+s12+$0x0], $0xffff  }
0x320: {  	v7 =	vor.u32 v30, v2;
	_ =	sdelay $0x3  }
0x321: {  	[tilespmem:v5+s21+$0x0] =	vst.idx.msk $0xff, v4  }
0x322: {  	v5 =	vor.u32 $0x3280, v6;
	v4 =	vld.idx.msk [tilespmem:v7+s12+$0x0], $0xffff  }
0x323: {  	v7 =	vor.u32 v31, v2;
	_ =	sdelay $0x3  }
0x324: {  	[tilespmem:v5+s21+$0x0] =	vst.idx.msk $0xff, v4  }
0x325: {  	v5 =	vor.u32 $0x3300, v6;
	v4 =	vld.idx.msk [tilespmem:v7+s12+$0x0], $0xffff  }
0x326: {  	v2 =	vor.u32 v32, v2;
	_ =	sdelay $0x3  }
0x327: {  	[tilespmem:v5+s21+$0x0] =	vst.idx.msk $0xff, v4  }
0x328: {  	p0 =	seq.s32 s23, $0x1F8;
	v3 =	vor.u32 $0x3380, v3;
	v2 =	vld.idx.msk [tilespmem:v2+s12+$0x0], $0xffff  }
.Ltmp5:
0x329: {  	_ = 	snop;
	(pc) =	sbr.rel @p0 .LBB2_9-.Ltmp5, $2  }
0x32a: {  	_ =	sdelay $0x2  }
0x32b: {  	[tilespmem:v3+s21+$0x0] =	vst.idx.msk $0xff, v2  }
0x32c: {  	v2 =	vld [tilespmem:s24+$0x0];
	_ =	sdelay $0x4  }
0x32d: {  	s25 =	rddreg [dreg:$0x3];
	v2 =	vand.u32 $0xFFFFFF80, v2  }
0x32e: {  	v2 =	vadd.s32 s25, v2  }
0x32f: {  	(v2sf) =	vpush v2, $0x0;
	_ =	sdelay $0x7  }
0x330: {  	(v2sf) =	vpush v2, $0x1;
	_ =	sdelay $0x6  }
0x331: {  	s25 =	spop (v2sf)  }
0x332: {  	(v2sf) =	vpush v2, $0x2;
	[tilespmem:s12], [sflag:$0x1] =	stream.linear.gather [hbm4b:s25+s4], $0x400, $0x38;
	[tilespmem:$0x14500] =	vst v63  }
0x333: {  	s28 =	simm.s32 $0x4500;
	s26 =	sadd.s32 $0xF4280, s25  }
0x334: {  	[tilespmem:s28], [sflag:$0x1] =	stream.linear.gather [hbm4b:s26+s4], $0x400, $0x38;
	[tilespmem:$0x14500] =	vst v63  }
0x335: {  	s29 =	sadd.s32 $0x1E8500, s25;
	s28 =	simm.s32 $0x8500  }
0x336: {  	[tilespmem:s28], [sflag:$0x1] =	stream.linear.gather [hbm4b:s29+s4], $0x400, $0x38;
	[tilespmem:$0x14500] =	vst v63  }
0x337: {  	s25 =	sadd.s32 $0x2DC780, s25;
	s29 =	simm.s32 $0xC500  }
0x338: {  	[tilespmem:s29], [sflag:$0x1] =	stream.linear.gather [hbm4b:s25+s4], $0x400, $0x38;
	[tilespmem:$0x14500] =	vst v63  }
0x339: {  	s25 =	spop (v2sf);
	s29 =	simm.s32 $0x900  }
0x33a: {  	(v2sf) =	vpush v2, $0x3;
	[tilespmem:s29], [sflag:$0x1] =	stream.linear.gather [hbm4b:s25+s4], $0x400, $0x38;
	[tilespmem:$0x14500] =	vst v63  }
0x33b: {  	s28 =	simm.s32 $0x4900;
	s29 =	sadd.s32 $0xF4280, s25  }
0x33c: {  	[tilespmem:s28], [sflag:$0x1] =	stream.linear.gather [hbm4b:s29+s4], $0x400, $0x38;
	[tilespmem:$0x14500] =	vst v63  }
0x33d: {  	s29 =	sadd.s32 $0x1E8500, s25;
	s28 =	simm.s32 $0x8900  }
0x33e: {  	[tilespmem:s28], [sflag:$0x1] =	stream.linear.gather [hbm4b:s29+s4], $0x400, $0x38;
	[tilespmem:$0x14500] =	vst v63  }
0x33f: {  	s25 =	sadd.s32 $0x2DC780, s25;
	s29 =	simm.s32 $0xC900  }
0x340: {  	[tilespmem:s29], [sflag:$0x1] =	stream.linear.gather [hbm4b:s25+s4], $0x400, $0x38;
	[tilespmem:$0x14500] =	vst v63  }
0x341: {  	s25 =	spop (v2sf);
	s29 =	simm.s32 $0xD00  }
0x342: {  	(v2sf) =	vpush v2, $0x4;
	[tilespmem:s29], [sflag:$0x1] =	stream.linear.gather [hbm4b:s25+s4], $0x400, $0x38;
	[tilespmem:$0x14500] =	vst v63  }
0x343: {  	s28 =	simm.s32 $0x4D00;
	s29 =	sadd.s32 $0xF4280, s25  }
0x344: {  	[tilespmem:s28], [sflag:$0x1] =	stream.linear.gather [hbm4b:s29+s4], $0x400, $0x38;
	[tilespmem:$0x14500] =	vst v63  }
0x345: {  	s29 =	sadd.s32 $0x1E8500, s25;
	s28 =	simm.s32 $0x8D00  }
0x346: {  	[tilespmem:s28], [sflag:$0x1] =	stream.linear.gather [hbm4b:s29+s4], $0x400, $0x38;
	[tilespmem:$0x14500] =	vst v63  }
0x347: {  	s25 =	sadd.s32 $0x2DC780, s25;
	s29 =	simm.s32 $0xCD00  }
0x348: {  	[tilespmem:s29], [sflag:$0x1] =	stream.linear.gather [hbm4b:s25+s4], $0x400, $0x38;
	[tilespmem:$0x14500] =	vst v63  }
0x349: {  	s25 =	spop (v2sf);
	s29 =	simm.s32 $0x1100  }
0x34a: {  	(v2sf) =	vpush v2, $0x5;
	[tilespmem:s29], [sflag:$0x1] =	stream.linear.gather [hbm4b:s25+s4], $0x400, $0x38;
	[tilespmem:$0x14500] =	vst v63  }
0x34b: {  	s28 =	simm.s32 $0x5100;
	s29 =	sadd.s32 $0xF4280, s25  }
0x34c: {  	[tilespmem:s28], [sflag:$0x1] =	stream.linear.gather [hbm4b:s29+s4], $0x400, $0x38;
	[tilespmem:$0x14500] =	vst v63  }
0x34d: {  	s29 =	sadd.s32 $0x1E8500, s25;
	s28 =	simm.s32 $0x9100  }
0x34e: {  	[tilespmem:s28], [sflag:$0x1] =	stream.linear.gather [hbm4b:s29+s4], $0x400, $0x38;
	[tilespmem:$0x14500] =	vst v63  }
0x34f: {  	s25 =	sadd.s32 $0x2DC780, s25;
	s29 =	simm.s32 $0xD100  }
0x350: {  	[tilespmem:s29], [sflag:$0x1] =	stream.linear.gather [hbm4b:s25+s4], $0x400, $0x38;
	[tilespmem:$0x14500] =	vst v63  }
0x351: {  	s25 =	spop (v2sf);
	s29 =	simm.s32 $0x1500  }
0x352: {  	(v2sf) =	vpush v2, $0x6;
	[tilespmem:s29], [sflag:$0x1] =	stream.linear.gather [hbm4b:s25+s4], $0x400, $0x38;
	[tilespmem:$0x14500] =	vst v63  }
0x353: {  	s28 =	simm.s32 $0x5500;
	s29 =	sadd.s32 $0xF4280, s25  }
0x354: {  	[tilespmem:s28], [sflag:$0x1] =	stream.linear.gather [hbm4b:s29+s4], $0x400, $0x38;
	[tilespmem:$0x14500] =	vst v63  }
0x355: {  	s29 =	sadd.s32 $0x1E8500, s25;
	s28 =	simm.s32 $0x9500  }
0x356: {  	[tilespmem:s28], [sflag:$0x1] =	stream.linear.gather [hbm4b:s29+s4], $0x400, $0x38;
	[tilespmem:$0x14500] =	vst v63  }
0x357: {  	s25 =	sadd.s32 $0x2DC780, s25;
	s29 =	simm.s32 $0xD500  }
0x358: {  	[tilespmem:s29], [sflag:$0x1] =	stream.linear.gather [hbm4b:s25+s4], $0x400, $0x38;
	[tilespmem:$0x14500] =	vst v63  }
0x359: {  	s25 =	spop (v2sf);
	s29 =	simm.s32 $0x1900  }
0x35a: {  	(v2sf) =	vpush v2, $0x7;
	[tilespmem:s29], [sflag:$0x1] =	stream.linear.gather [hbm4b:s25+s4], $0x400, $0x38;
	[tilespmem:$0x14500] =	vst v63  }
0x35b: {  	s28 =	simm.s32 $0x5900;
	s29 =	sadd.s32 $0xF4280, s25  }
0x35c: {  	[tilespmem:s28], [sflag:$0x1] =	stream.linear.gather [hbm4b:s29+s4], $0x400, $0x38;
	[tilespmem:$0x14500] =	vst v63  }
0x35d: {  	s29 =	sadd.s32 $0x1E8500, s25;
	s28 =	simm.s32 $0x9900  }
0x35e: {  	[tilespmem:s28], [sflag:$0x1] =	stream.linear.gather [hbm4b:s29+s4], $0x400, $0x38;
	[tilespmem:$0x14500] =	vst v63  }
0x35f: {  	s25 =	sadd.s32 $0x2DC780, s25;
	s29 =	simm.s32 $0xD900  }
0x360: {  	[tilespmem:s29], [sflag:$0x1] =	stream.linear.gather [hbm4b:s25+s4], $0x400, $0x38;
	[tilespmem:$0x14500] =	vst v63  }
0x361: {  	s25 =	spop (v2sf);
	s29 =	simm.s32 $0x1D00  }
0x362: {  	[tilespmem:s29], [sflag:$0x1] =	stream.linear.gather [hbm4b:s25+s4], $0x400, $0x38;
	[tilespmem:$0x14500] =	vst v63  }
0x363: {  	s28 =	simm.s32 $0x5D00;
	s29 =	sadd.s32 $0xF4280, s25  }
0x364: {  	[tilespmem:s28], [sflag:$0x1] =	stream.linear.gather [hbm4b:s29+s4], $0x400, $0x38;
	[tilespmem:$0x14500] =	vst v63  }
0x365: {  	s29 =	sadd.s32 $0x1E8500, s25;
	s28 =	simm.s32 $0x9D00  }
0x366: {  	[tilespmem:s28], [sflag:$0x1] =	stream.linear.gather [hbm4b:s29+s4], $0x400, $0x38;
	[tilespmem:$0x14500] =	vst v63  }
0x367: {  	s25 =	sadd.s32 $0x2DC780, s25;
	s29 =	simm.s32 $0xDD00  }
0x368: {  	[tilespmem:s29], [sflag:$0x1] =	stream.linear.gather [hbm4b:s25+s4], $0x400, $0x38;
	[tilespmem:$0x14500] =	vst v63  }
0x369: {  	s25 =	spop (v2sf);
	s29 =	simm.s32 $0x2100  }
0x36a: {  	[tilespmem:s29], [sflag:$0x1] =	stream.linear.gather [hbm4b:s25+s4], $0x400, $0x38;
	[tilespmem:$0x14500] =	vst v63  }
0x36b: {  	s28 =	simm.s32 $0x6100;
	s29 =	sadd.s32 $0xF4280, s25  }
0x36c: {  	[tilespmem:s28], [sflag:$0x1] =	stream.linear.gather [hbm4b:s29+s4], $0x400, $0x38;
	[tilespmem:$0x14500] =	vst v63  }
0x36d: {  	s29 =	sadd.s32 $0x1E8500, s25;
	s28 =	simm.s32 $0xA100  }
0x36e: {  	[tilespmem:s28], [sflag:$0x1] =	stream.linear.gather [hbm4b:s29+s4], $0x400, $0x38;
	[tilespmem:$0x14500] =	vst v63  }
0x36f: {  	s25 =	sadd.s32 $0x2DC780, s25;
	s28 =	simm.s32 $0x2500;
	s29 =	simm.s32 $0xE100  }
0x370: {  	[tilespmem:s29], [sflag:$0x1] =	stream.linear.gather [hbm4b:s25+s4], $0x400, $0x38;
	[tilespmem:$0x14500] =	vst v63  }
.LBB2_9:
0x371: {  	_ =	swait.ge [sflag:s22], $0x8000  }
0x372: {  	[sflag:s22] =	ssyncset.done $0x0  }
0x373: {  	[sflag:s22] =	ssyncadd.s32 $0xFFFF8000  }
0x374: {  	v2 =	vld [tilespmem:s24+$0xFFFFFFF8];
	_ =	sdelay $0x4  }
0x375: {  	v2 =	vand.u32 $0x7F, v2  }
0x376: {  	v3 =	vor.u32 v33, v2  }
0x377: {  	v7 =	vlaneseq.u32  }
0x378: {  	v4 =	vadd.s32 s23, v7  }
0x379: {  	v5 =	vshll.u32 v4, $0x3  }
0x37a: {  	v4 =	vand.u32 $0x7F, v4;
	v5 =	vand.u32 $0x7FFFFC00, v5  }
0x37b: {  	v4 =	vor.u32 v4, v5;
	v3 =	vld.idx.msk [tilespmem:v3+s12+$0x0], $0xffff  }
0x37c: {  	v5 =	vor.u32 v34, v2;
	_ =	sdelay $0x3  }
0x37d: {  	[tilespmem:v4+s21+$0x0] =	vst.idx.msk $0xff, v3  }
0x37e: {  	v3 =	vld.idx.msk [tilespmem:v5+s12+$0x0], $0xffff;
	v5 =	vor.u32 $0x80, v4  }
0x37f: {  	v6 =	vor.u32 v35, v2;
	_ =	sdelay $0x3  }
0x380: {  	[tilespmem:v5+s21+$0x0] =	vst.idx.msk $0xff, v3  }
0x381: {  	v5 =	vor.u32 $0x100, v4;
	v3 =	vld.idx.msk [tilespmem:v6+s12+$0x0], $0xffff  }
0x382: {  	v6 =	vor.u32 v36, v2;
	_ =	sdelay $0x3  }
0x383: {  	[tilespmem:v5+s21+$0x0] =	vst.idx.msk $0xff, v3  }
0x384: {  	v5 =	vor.u32 $0x180, v4;
	v3 =	vld.idx.msk [tilespmem:v6+s12+$0x0], $0xffff  }
0x385: {  	v6 =	vor.u32 v37, v2;
	_ =	sdelay $0x3  }
0x386: {  	[tilespmem:v5+s21+$0x0] =	vst.idx.msk $0xff, v3  }
0x387: {  	v5 =	vor.u32 $0x200, v4;
	v3 =	vld.idx.msk [tilespmem:v6+s12+$0x0], $0xffff  }
0x388: {  	v6 =	vor.u32 v38, v2;
	_ =	sdelay $0x3  }
0x389: {  	[tilespmem:v5+s21+$0x0] =	vst.idx.msk $0xff, v3  }
0x38a: {  	v5 =	vor.u32 $0x280, v4;
	v3 =	vld.idx.msk [tilespmem:v6+s12+$0x0], $0xffff  }
0x38b: {  	v6 =	vor.u32 v39, v2;
	_ =	sdelay $0x3  }
0x38c: {  	[tilespmem:v5+s21+$0x0] =	vst.idx.msk $0xff, v3  }
0x38d: {  	v5 =	vor.u32 $0x300, v4;
	v3 =	vld.idx.msk [tilespmem:v6+s12+$0x0], $0xffff  }
0x38e: {  	v6 =	vor.u32 v40, v2;
	_ =	sdelay $0x3  }
0x38f: {  	[tilespmem:v5+s21+$0x0] =	vst.idx.msk $0xff, v3  }
0x390: {  	v5 =	vor.u32 $0x380, v4;
	v3 =	vld.idx.msk [tilespmem:v6+s12+$0x0], $0xffff  }
0x391: {  	v6 =	vor.u32 v41, v2;
	_ =	sdelay $0x3  }
0x392: {  	[tilespmem:v5+s21+$0x0] =	vst.idx.msk $0xff, v3  }
0x393: {  	v5 =	vadd.s32 $0x1000, v4;
	v3 =	vld.idx.msk [tilespmem:v6+s12+$0x0], $0xffff  }
0x394: {  	v6 =	vor.u32 v42, v2;
	_ =	sdelay $0x3  }
0x395: {  	[tilespmem:v5+s21+$0x0] =	vst.idx.msk $0xff, v3  }
0x396: {  	v5 =	vadd.s32 $0x1080, v4;
	v3 =	vld.idx.msk [tilespmem:v6+s12+$0x0], $0xffff  }
0x397: {  	v6 =	vor.u32 v43, v2;
	_ =	sdelay $0x3  }
0x398: {  	[tilespmem:v5+s21+$0x0] =	vst.idx.msk $0xff, v3  }
0x399: {  	v5 =	vadd.s32 $0x1100, v4;
	v3 =	vld.idx.msk [tilespmem:v6+s12+$0x0], $0xffff  }
0x39a: {  	v6 =	vor.u32 v44, v2;
	_ =	sdelay $0x3  }
0x39b: {  	[tilespmem:v5+s21+$0x0] =	vst.idx.msk $0xff, v3  }
0x39c: {  	v5 =	vadd.s32 $0x1180, v4;
	v3 =	vld.idx.msk [tilespmem:v6+s12+$0x0], $0xffff  }
0x39d: {  	v6 =	vor.u32 v45, v2;
	_ =	sdelay $0x3  }
0x39e: {  	[tilespmem:v5+s21+$0x0] =	vst.idx.msk $0xff, v3  }
0x39f: {  	v5 =	vadd.s32 $0x1200, v4;
	v3 =	vld.idx.msk [tilespmem:v6+s12+$0x0], $0xffff  }
0x3a0: {  	v6 =	vor.u32 v46, v2;
	_ =	sdelay $0x3  }
0x3a1: {  	[tilespmem:v5+s21+$0x0] =	vst.idx.msk $0xff, v3  }
0x3a2: {  	v5 =	vadd.s32 $0x1280, v4;
	v3 =	vld.idx.msk [tilespmem:v6+s12+$0x0], $0xffff  }
0x3a3: {  	v6 =	vor.u32 v47, v2;
	_ =	sdelay $0x3  }
0x3a4: {  	[tilespmem:v5+s21+$0x0] =	vst.idx.msk $0xff, v3  }
0x3a5: {  	v5 =	vadd.s32 $0x1300, v4;
	v3 =	vld.idx.msk [tilespmem:v6+s12+$0x0], $0xffff  }
0x3a6: {  	v6 =	vor.u32 v48, v2;
	_ =	sdelay $0x3  }
0x3a7: {  	[tilespmem:v5+s21+$0x0] =	vst.idx.msk $0xff, v3  }
0x3a8: {  	v5 =	vadd.s32 $0x1380, v4;
	v3 =	vld.idx.msk [tilespmem:v6+s12+$0x0], $0xffff  }
0x3a9: {  	v6 =	vor.u32 v49, v2;
	_ =	sdelay $0x3  }
0x3aa: {  	[tilespmem:v5+s21+$0x0] =	vst.idx.msk $0xff, v3  }
0x3ab: {  	v5 =	vadd.s32 $0x2000, v4;
	v3 =	vld.idx.msk [tilespmem:v6+s12+$0x0], $0xffff  }
0x3ac: {  	v6 =	vor.u32 v50, v2;
	_ =	sdelay $0x3  }
0x3ad: {  	[tilespmem:v5+s21+$0x0] =	vst.idx.msk $0xff, v3  }
0x3ae: {  	v5 =	vadd.s32 $0x2080, v4;
	v3 =	vld.idx.msk [tilespmem:v6+s12+$0x0], $0xffff  }
0x3af: {  	v6 =	vor.u32 v51, v2;
	_ =	sdelay $0x3  }
0x3b0: {  	[tilespmem:v5+s21+$0x0] =	vst.idx.msk $0xff, v3  }
0x3b1: {  	v5 =	vadd.s32 $0x2100, v4;
	v3 =	vld.idx.msk [tilespmem:v6+s12+$0x0], $0xffff  }
0x3b2: {  	v6 =	vor.u32 v52, v2;
	_ =	sdelay $0x3  }
0x3b3: {  	[tilespmem:v5+s21+$0x0] =	vst.idx.msk $0xff, v3  }
0x3b4: {  	v5 =	vadd.s32 $0x2180, v4;
	v3 =	vld.idx.msk [tilespmem:v6+s12+$0x0], $0xffff  }
0x3b5: {  	v6 =	vor.u32 v53, v2;
	_ =	sdelay $0x3  }
0x3b6: {  	[tilespmem:v5+s21+$0x0] =	vst.idx.msk $0xff, v3  }
0x3b7: {  	v5 =	vadd.s32 $0x2200, v4;
	v3 =	vld.idx.msk [tilespmem:v6+s12+$0x0], $0xffff  }
0x3b8: {  	v6 =	vor.u32 v54, v2;
	_ =	sdelay $0x3  }
0x3b9: {  	[tilespmem:v5+s21+$0x0] =	vst.idx.msk $0xff, v3  }
0x3ba: {  	v5 =	vadd.s32 $0x2280, v4;
	v3 =	vld.idx.msk [tilespmem:v6+s12+$0x0], $0xffff  }
0x3bb: {  	v6 =	vor.u32 v55, v2;
	_ =	sdelay $0x3  }
0x3bc: {  	[tilespmem:v5+s21+$0x0] =	vst.idx.msk $0xff, v3  }
0x3bd: {  	v5 =	vadd.s32 $0x2300, v4;
	v3 =	vld.idx.msk [tilespmem:v6+s12+$0x0], $0xffff  }
0x3be: {  	v6 =	vor.u32 v56, v2;
	_ =	sdelay $0x3  }
0x3bf: {  	[tilespmem:v5+s21+$0x0] =	vst.idx.msk $0xff, v3  }
0x3c0: {  	v5 =	vadd.s32 $0x2380, v4;
	v3 =	vld.idx.msk [tilespmem:v6+s12+$0x0], $0xffff  }
0x3c1: {  	v6 =	vor.u32 v57, v2;
	_ =	sdelay $0x3  }
0x3c2: {  	[tilespmem:v5+s21+$0x0] =	vst.idx.msk $0xff, v3  }
0x3c3: {  	v5 =	vadd.s32 $0x3000, v4;
	v3 =	vld.idx.msk [tilespmem:v6+s12+$0x0], $0xffff  }
0x3c4: {  	v6 =	vor.u32 v58, v2;
	_ =	sdelay $0x3  }
0x3c5: {  	[tilespmem:v5+s21+$0x0] =	vst.idx.msk $0xff, v3  }
0x3c6: {  	v5 =	vadd.s32 $0x3080, v4;
	v3 =	vld.idx.msk [tilespmem:v6+s12+$0x0], $0xffff  }
0x3c7: {  	v6 =	vor.u32 v59, v2;
	_ =	sdelay $0x3  }
0x3c8: {  	[tilespmem:v5+s21+$0x0] =	vst.idx.msk $0xff, v3  }
0x3c9: {  	v5 =	vadd.s32 $0x3100, v4;
	v3 =	vld.idx.msk [tilespmem:v6+s12+$0x0], $0xffff  }
0x3ca: {  	v6 =	vor.u32 v60, v2;
	_ =	sdelay $0x3  }
0x3cb: {  	[tilespmem:v5+s21+$0x0] =	vst.idx.msk $0xff, v3  }
0x3cc: {  	v5 =	vadd.s32 $0x3180, v4;
	v3 =	vld.idx.msk [tilespmem:v6+s12+$0x0], $0xffff  }
0x3cd: {  	v6 =	vor.u32 v61, v2;
	_ =	sdelay $0x3  }
0x3ce: {  	[tilespmem:v5+s21+$0x0] =	vst.idx.msk $0xff, v3  }
0x3cf: {  	v5 =	vadd.s32 $0x3200, v4;
	v3 =	vld.idx.msk [tilespmem:v6+s12+$0x0], $0xffff  }
0x3d0: {  	v6 =	vor.u32 v62, v2;
	_ =	sdelay $0x3  }
0x3d1: {  	[tilespmem:v5+s21+$0x0] =	vst.idx.msk $0xff, v3  }
0x3d2: {  	v5 =	vadd.s32 $0x3280, v4;
	v3 =	vld.idx.msk [tilespmem:v6+s12+$0x0], $0xffff  }
0x3d3: {  	v6 =	vor.u32 v63, v2;
	_ =	sdelay $0x3  }
0x3d4: {  	[tilespmem:v5+s21+$0x0] =	vst.idx.msk $0xff, v3  }
0x3d5: {  	v5 =	vadd.s32 $0x3300, v4;
	v3 =	vld.idx.msk [tilespmem:v6+s12+$0x0], $0xffff  }
0x3d6: {  	v2 =	vor.u32 v0, v2;
	_ =	sdelay $0x3  }
0x3d7: {  	[tilespmem:v5+s21+$0x0] =	vst.idx.msk $0xff, v3  }
0x3d8: {  	v3 =	vadd.s32 $0x3380, v4;
	v2 =	vld.idx.msk [tilespmem:v2+s12+$0x0], $0xffff  }
.Ltmp6:
0x3d9: {  	_ = 	snop;
	(pc) =	sbr.rel @p0 .LBB2_11-.Ltmp6, $2  }
0x3da: {  	_ =	sdelay $0x2  }
0x3db: {  	[tilespmem:v3+s21+$0x0] =	vst.idx.msk $0xff, v2  }
0x3dc: {  	v2 =	vld [tilespmem:s24+$0x8];
	_ =	sdelay $0x4  }
0x3dd: {  	s25 =	rddreg [dreg:$0x3];
	v2 =	vand.u32 $0xFFFFFF80, v2  }
0x3de: {  	v2 =	vadd.s32 s25, v2  }
0x3df: {  	(v2sf) =	vpush v2, $0x0;
	_ =	sdelay $0x7  }
0x3e0: {  	(v2sf) =	vpush v2, $0x1;
	_ =	sdelay $0x6  }
0x3e1: {  	s25 =	spop (v2sf)  }
0x3e2: {  	(v2sf) =	vpush v2, $0x2;
	[tilespmem:s28], [sflag:$0x2] =	stream.linear.gather [hbm4b:s25+s4], $0x400, $0x38;
	[tilespmem:$0x14500] =	vst v63  }
0x3e3: {  	s29 =	simm.s32 $0x6500;
	s26 =	sadd.s32 $0xF4280, s25  }
0x3e4: {  	[tilespmem:s29], [sflag:$0x2] =	stream.linear.gather [hbm4b:s26+s4], $0x400, $0x38;
	[tilespmem:$0x14500] =	vst v63  }
0x3e5: {  	s26 =	sadd.s32 $0x1E8500, s25;
	s29 =	simm.s32 $0xA500  }
0x3e6: {  	[tilespmem:s29], [sflag:$0x2] =	stream.linear.gather [hbm4b:s26+s4], $0x400, $0x38;
	[tilespmem:$0x14500] =	vst v63  }
0x3e7: {  	s25 =	sadd.s32 $0x2DC780, s25;
	s29 =	simm.s32 $0xE500  }
0x3e8: {  	[tilespmem:s29], [sflag:$0x2] =	stream.linear.gather [hbm4b:s25+s4], $0x400, $0x38;
	[tilespmem:$0x14500] =	vst v63  }
0x3e9: {  	s25 =	spop (v2sf);
	s29 =	simm.s32 $0x2900  }
0x3ea: {  	(v2sf) =	vpush v2, $0x3;
	[tilespmem:s29], [sflag:$0x2] =	stream.linear.gather [hbm4b:s25+s4], $0x400, $0x38;
	[tilespmem:$0x14500] =	vst v63  }
0x3eb: {  	s26 =	sadd.s32 $0xF4280, s25;
	s29 =	simm.s32 $0x6900  }
0x3ec: {  	[tilespmem:s29], [sflag:$0x2] =	stream.linear.gather [hbm4b:s26+s4], $0x400, $0x38;
	[tilespmem:$0x14500] =	vst v63  }
0x3ed: {  	s26 =	sadd.s32 $0x1E8500, s25;
	s29 =	simm.s32 $0xA900  }
0x3ee: {  	[tilespmem:s29], [sflag:$0x2] =	stream.linear.gather [hbm4b:s26+s4], $0x400, $0x38;
	[tilespmem:$0x14500] =	vst v63  }
0x3ef: {  	s25 =	sadd.s32 $0x2DC780, s25;
	s29 =	simm.s32 $0xE900  }
0x3f0: {  	[tilespmem:s29], [sflag:$0x2] =	stream.linear.gather [hbm4b:s25+s4], $0x400, $0x38;
	[tilespmem:$0x14500] =	vst v63  }
0x3f1: {  	s25 =	spop (v2sf);
	s29 =	simm.s32 $0x2D00  }
0x3f2: {  	(v2sf) =	vpush v2, $0x4;
	[tilespmem:s29], [sflag:$0x2] =	stream.linear.gather [hbm4b:s25+s4], $0x400, $0x38;
	[tilespmem:$0x14500] =	vst v63  }
0x3f3: {  	s26 =	sadd.s32 $0xF4280, s25;
	s29 =	simm.s32 $0x6D00  }
0x3f4: {  	[tilespmem:s29], [sflag:$0x2] =	stream.linear.gather [hbm4b:s26+s4], $0x400, $0x38;
	[tilespmem:$0x14500] =	vst v63  }
0x3f5: {  	s26 =	sadd.s32 $0x1E8500, s25;
	s29 =	simm.s32 $0xAD00  }
0x3f6: {  	[tilespmem:s29], [sflag:$0x2] =	stream.linear.gather [hbm4b:s26+s4], $0x400, $0x38;
	[tilespmem:$0x14500] =	vst v63  }
0x3f7: {  	s25 =	sadd.s32 $0x2DC780, s25;
	s29 =	simm.s32 $0xED00  }
0x3f8: {  	[tilespmem:s29], [sflag:$0x2] =	stream.linear.gather [hbm4b:s25+s4], $0x400, $0x38;
	[tilespmem:$0x14500] =	vst v63  }
0x3f9: {  	s25 =	spop (v2sf)  }
0x3fa: {  	(v2sf) =	vpush v2, $0x5;
	[tilespmem:s30], [sflag:$0x2] =	stream.linear.gather [hbm4b:s25+s4], $0x400, $0x38;
	[tilespmem:$0x14500] =	vst v63  }
0x3fb: {  	s29 =	sadd.s32 $0xF4280, s25  }
0x3fc: {  	[tilespmem:s31], [sflag:$0x2] =	stream.linear.gather [hbm4b:s29+s4], $0x400, $0x38;
	[tilespmem:$0x14500] =	vst v63  }
0x3fd: {  	s29 =	sadd.s32 $0x1E8500, s25  }
0x3fe: {  	[tilespmem:s0], [sflag:$0x2] =	stream.linear.gather [hbm4b:s29+s4], $0x400, $0x38;
	[tilespmem:$0x14500] =	vst v63  }
0x3ff: {  	s25 =	sadd.s32 $0x2DC780, s25  }
0x400: {  	[tilespmem:s3], [sflag:$0x2] =	stream.linear.gather [hbm4b:s25+s4], $0x400, $0x38;
	[tilespmem:$0x14500] =	vst v63  }
0x401: {  	s25 =	spop (v2sf)  }
0x402: {  	(v2sf) =	vpush v2, $0x6;
	[tilespmem:s11], [sflag:$0x2] =	stream.linear.gather [hbm4b:s25+s4], $0x400, $0x38;
	[tilespmem:$0x14500] =	vst v63  }
0x403: {  	s29 =	sadd.s32 $0xF4280, s25  }
0x404: {  	[tilespmem:s5], [sflag:$0x2] =	stream.linear.gather [hbm4b:s29+s4], $0x400, $0x38;
	[tilespmem:$0x14500] =	vst v63  }
0x405: {  	s29 =	sadd.s32 $0x1E8500, s25  }
0x406: {  	[tilespmem:s6], [sflag:$0x2] =	stream.linear.gather [hbm4b:s29+s4], $0x400, $0x38;
	[tilespmem:$0x14500] =	vst v63  }
0x407: {  	s25 =	sadd.s32 $0x2DC780, s25  }
0x408: {  	[tilespmem:s7], [sflag:$0x2] =	stream.linear.gather [hbm4b:s25+s4], $0x400, $0x38;
	[tilespmem:$0x14500] =	vst v63  }
0x409: {  	s25 =	spop (v2sf)  }
0x40a: {  	(v2sf) =	vpush v2, $0x7;
	[tilespmem:s8], [sflag:$0x2] =	stream.linear.gather [hbm4b:s25+s4], $0x400, $0x38;
	[tilespmem:$0x14500] =	vst v63  }
0x40b: {  	s29 =	sadd.s32 $0xF4280, s25  }
0x40c: {  	[tilespmem:s9], [sflag:$0x2] =	stream.linear.gather [hbm4b:s29+s4], $0x400, $0x38;
	[tilespmem:$0x14500] =	vst v63  }
0x40d: {  	s29 =	sadd.s32 $0x1E8500, s25  }
0x40e: {  	[tilespmem:s10], [sflag:$0x2] =	stream.linear.gather [hbm4b:s29+s4], $0x400, $0x38;
	[tilespmem:$0x14500] =	vst v63  }
0x40f: {  	s25 =	sadd.s32 $0x2DC780, s25  }
0x410: {  	[tilespmem:s13], [sflag:$0x2] =	stream.linear.gather [hbm4b:s25+s4], $0x400, $0x38;
	[tilespmem:$0x14500] =	vst v63  }
0x411: {  	s25 =	spop (v2sf)  }
0x412: {  	[tilespmem:s14], [sflag:$0x2] =	stream.linear.gather [hbm4b:s25+s4], $0x400, $0x38;
	[tilespmem:$0x14500] =	vst v63  }
0x413: {  	s29 =	sadd.s32 $0xF4280, s25  }
0x414: {  	[tilespmem:s15], [sflag:$0x2] =	stream.linear.gather [hbm4b:s29+s4], $0x400, $0x38;
	[tilespmem:$0x14500] =	vst v63  }
0x415: {  	s29 =	sadd.s32 $0x1E8500, s25  }
0x416: {  	[tilespmem:s16], [sflag:$0x2] =	stream.linear.gather [hbm4b:s29+s4], $0x400, $0x38;
	[tilespmem:$0x14500] =	vst v63  }
0x417: {  	s25 =	sadd.s32 $0x2DC780, s25  }
0x418: {  	[tilespmem:s1], [sflag:$0x2] =	stream.linear.gather [hbm4b:s25+s4], $0x400, $0x38;
	[tilespmem:$0x14500] =	vst v63  }
0x419: {  	s25 =	spop (v2sf)  }
0x41a: {  	[tilespmem:s2], [sflag:$0x2] =	stream.linear.gather [hbm4b:s25+s4], $0x400, $0x38;
	[tilespmem:$0x14500] =	vst v63  }
0x41b: {  	s29 =	sadd.s32 $0xF4280, s25  }
0x41c: {  	[tilespmem:s17], [sflag:$0x2] =	stream.linear.gather [hbm4b:s29+s4], $0x400, $0x38;
	[tilespmem:$0x14500] =	vst v63  }
.Ltmp7:
0x41d: {  	_ = 	snop;
	(pc) =	sbr.rel .LBB2_7-.Ltmp7, $4  }
0x41e: {  	s29 =	sadd.s32 $0x1E8500, s25  }
0x41f: {  	[tilespmem:s18], [sflag:$0x2] =	stream.linear.gather [hbm4b:s29+s4], $0x400, $0x38;
	[tilespmem:$0x14500] =	vst v63  }
0x420: {  	s23 =	sadd.s32 $0x10, s23;
	s24 =	sadd.s32 $0x10, s24;
	s25 =	sadd.s32 $0x2DC780, s25  }
0x421: {  	v8 =	vmov v9;
	[tilespmem:s19], [sflag:$0x2] =	stream.linear.gather [hbm4b:s25+s4], $0x400, $0x38;
	[tilespmem:$0x14500] =	vst v63  }
.LBB2_12:
0x422: {  	_ =	sfence.sel $0x180000  }
0x423: {  	[bflag:$0x0] =	sbarrier.arrive $0xFFFF  }
0x424: {  	_ =	strace $0x90000047  }
0x425: {  	s0 =	stileid.u32;
	[bflag:$0x2] =	sbarrier.arrive $0xFFFF  }
0x426: {  	p0 =	sne.s32 s0, $0x0;
	s0 =	rddreg [dreg:$0x5]  }
0x427: {  	s0 =	sadd.s32 @!p0 $0x100000, s0  }
0x428: {  	[sflag:s0] =	ssyncadd.tile.s32 @!p0 $0x1;
	_ =	shalt  }
.Lfunc_end2:
_tile_overlayer_lowered:
.L_overlay_start_2:
0x429: {  	(tag) =	ssettag $0x2  }
0x42a: {  	s0 =	rddreg [dreg:$0x0];
	s2 =	stileid.u32  }
0x42b: {  	s1 =	rddreg [dreg:$0x1];
	p0 =	sne.s32 s2, $0x0  }
0x42c: {  	s3 =	rddreg [dreg:$0x2];
	[bflag:$0x3] =	sbarrier.arrive $0xFFFF;
	s2 =	simm.s32 @!p0 $0x1C03  }
0x42d: {  	[timem:s3], [sflag:s2] =	dma.local @!p0 [hbm:s0], s1  }
0x42e: {  	s0 =	simm.s32 @!p0 $0x3  }
0x42f: {  	_ =	swait.ge @!p0 [sflag:s0], s1  }
0x430: {  	s1 =	ssub.s32 @!p0 $0x0, s1;
	[sflag:s0] =	ssyncset.done @!p0 $0x0  }
0x431: {  	[sflag:s0] =	ssyncadd.s32 @!p0 s1  }
0x432: {  	[bflag:$0x3] =	sbarrier.arrive $0xFFFF  }
0x433: {  	_ =	shalt  }

</sc_bundles>
